<compile_context>
chip_gen: v7x
topology: tpu7x:2x2x1
jax: 0.10.2.dev20260603
libtpu: 0.0.44.dev20260713+nightly
codegen_flags: <defaults>
</compile_context>

<pallas_src>
import functools

import jax
import jax.numpy as jnp
from jax import lax
from jax.experimental import pallas as pl
from jax.experimental.pallas import tpu as pltpu
from jax.experimental.pallas import tpu_sc as plsc

N_NODES = 10000
N_EDGES = 320000
D = 128

NC = 2
NS = 16
DH = D // NC

CSZ = 128
CH = 160
IB = 8
NBLK = CH // IB
NBUF = 2
EPT = CH * CSZ
E_PAD = NS * EPT

N_PAD = 10240
RPT = N_PAD // NS
RCH = RPT // CSZ
PAD_DST = N_NODES + 8

_sc_mesh = plsc.VectorSubcoreMesh(core_axis_name="c", subcore_axis_name="s")


@functools.partial(
    pl.kernel,
    out_type=jax.ShapeDtypeStruct((NC, N_PAD, DH), jnp.float32),
    mesh=_sc_mesh,
    scratch_types=[
        pltpu.VMEM_SHARED((N_PAD, DH), jnp.float32),
        pltpu.VMEM_SHARED((N_PAD, DH), jnp.float32),
        [pltpu.VMEM((2 * IB, CSZ), jnp.int32)] * 2,
        [pltpu.VMEM((CSZ, DH), jnp.float32)] * NBUF,
        [pltpu.SemaphoreType.DMA] * NBUF,
        [pltpu.SemaphoreType.DMA] * NBUF,
        [pltpu.SemaphoreType.DMA] * 2,
    ],
)
def _sc_aggregate(x_hbm, idx_hbm, out_hbm,
                  tbl, acc, idxs, bufs, gsems, ssems, isems):
    cid = lax.axis_index("c")
    sid = lax.axis_index("s")
    r0 = sid * RPT

    rows = pl.ds(r0, RPT)
    pltpu.sync_copy(x_hbm.at[cid, rows], tbl.at[rows])
    pltpu.sync_copy(x_hbm.at[cid, rows], acc.at[rows])
    plsc.subcore_barrier()

    def gath(iv, j, s):
        pltpu.async_copy(tbl.at[iv.at[j]], bufs[s], gsems[s])

    def wait_gath(iv, s):
        pltpu.make_async_copy(tbl.at[iv.at[0]], bufs[s], gsems[s]).wait()

    def scat(iv, j, s):
        pltpu.async_copy(bufs[s], acc.at[iv.at[IB + j]], ssems[s], add=True)

    def wait_scat(iv, s):
        pltpu.make_async_copy(bufs[s], acc.at[iv.at[IB]], ssems[s]).wait()

    def fetch_idx(blk, which):
        pltpu.async_copy(idx_hbm.at[sid, blk], idxs[which], isems[which])

    def wait_idx(which):
        pltpu.make_async_copy(idx_hbm.at[sid, 0], idxs[which],
                              isems[which]).wait()

    def process_block(cur, nxt, nxt_ready, chain_wait):
        for p in range(IB // 2):
            a = 2 * p
            b = a + 1
            wait_gath(cur, 0)
            scat(cur, a, 0)
            wait_gath(cur, 1)
            scat(cur, b, 1)
            if p < IB // 2 - 1:
                wait_scat(cur, 0)
                gath(cur, a + 2, 0)
                wait_scat(cur, 1)
                gath(cur, b + 2, 1)
            else:
                @pl.when(nxt_ready)
                def _chain():
                    chain_wait()
                    wait_scat(cur, 0)
                    gath(nxt, 0, 0)
                    wait_scat(cur, 1)
                    gath(nxt, 1, 1)

                @pl.when(jnp.logical_not(nxt_ready))
                def _drain():
                    wait_scat(cur, 0)
                    wait_scat(cur, 1)

    pltpu.sync_copy(idx_hbm.at[sid, 0], idxs[0])
    fetch_idx(1, 1)
    gath(idxs[0], 0, 0)
    gath(idxs[0], 1, 1)

    def body(i, carry):
        blk = 2 * i
        process_block(idxs[0], idxs[1], jnp.bool_(True),
                      lambda: wait_idx(1))
        @pl.when(blk + 2 < NBLK)
        def _pf0():
            fetch_idx(blk + 2, 0)
        process_block(idxs[1], idxs[0], blk + 2 < NBLK,
                      lambda: wait_idx(0))
        @pl.when(blk + 3 < NBLK)
        def _pf1():
            fetch_idx(blk + 3, 1)
        return carry

    lax.fori_loop(0, NBLK // 2, body, 0)
    plsc.subcore_barrier()

    pltpu.sync_copy(acc.at[rows], out_hbm.at[cid, rows])


_ROWS_BLK = 10240


def _mlp_body(split_out, plo_ref, phi_ref, wa_ref, ba_ref, wb_ref,
              bb_ref, o_ref):
    h = jnp.concatenate([plo_ref[...], phi_ref[...]], axis=-1)
    h = jnp.dot(h, wa_ref[...], preferred_element_type=jnp.float32)
    h = jnp.maximum(h + ba_ref[...], 0.0)
    o = jnp.dot(h, wb_ref[...], preferred_element_type=jnp.float32)
    o = o + bb_ref[...]
    if split_out:
        o = jnp.maximum(o, 0.0)
        o_ref[0] = o[:, :DH]
        o_ref[1] = o[:, DH:]
    else:
        o_ref[...] = o


def _mlp(plo, phi, wa, ba, wb, bb, split_out):
    half_spec = pl.BlockSpec((_ROWS_BLK, DH), lambda i: (i, 0))
    full_spec = pl.BlockSpec((D, D), lambda i: (0, 0))
    bias_spec = pl.BlockSpec((1, D), lambda i: (0, 0))
    if split_out:
        out_spec = pl.BlockSpec((NC, _ROWS_BLK, DH), lambda i: (0, i, 0))
        out_shape = jax.ShapeDtypeStruct((NC, N_PAD, DH), jnp.float32)
    else:
        out_spec = pl.BlockSpec((_ROWS_BLK, D), lambda i: (i, 0))
        out_shape = jax.ShapeDtypeStruct((N_PAD, D), jnp.float32)
    return pl.pallas_call(
        functools.partial(_mlp_body, split_out),
        grid=(N_PAD // _ROWS_BLK,),
        in_specs=[half_spec, half_spec,
                  full_spec, bias_spec, full_spec, bias_spec],
        out_specs=out_spec,
        out_shape=out_shape,
    )(plo, phi, wa, ba.reshape(1, D), wb, bb.reshape(1, D))


def kernel(x, edge_index, W1a, b1a, W1b, b1b, W2a, b2a, W2b, b2b):
    src = edge_index[0].astype(jnp.int32)
    dst = edge_index[1].astype(jnp.int32)
    pad_e = E_PAD - N_EDGES
    src_r = jnp.concatenate([src, jnp.zeros((pad_e,), jnp.int32)])
    src_r = src_r.reshape(NS, NBLK, IB, CSZ)
    dst_r = jnp.concatenate([dst, jnp.full((pad_e,), PAD_DST, jnp.int32)])
    dst_r = dst_r.reshape(NS, NBLK, IB, CSZ)
    idx_comb = jnp.concatenate([src_r, dst_r], axis=2)
    x_pad = jnp.concatenate(
        [x, jnp.zeros((N_PAD - N_NODES, D), jnp.float32)])
    x2 = jnp.stack([x_pad[:, :DH], x_pad[:, DH:]])

    parts1 = _sc_aggregate(x2, idx_comb)
    h1_2 = _mlp(parts1[0], parts1[1], W1a, b1a, W1b, b1b, split_out=True)
    parts2 = _sc_aggregate(h1_2, idx_comb)
    out = _mlp(parts2[0], parts2[1], W2a, b2a, W2b, b2b, split_out=False)
    return out[:N_NODES]

# --- scband reference (transcript-rebuilt; emitter-appended) ---
"""Pipeline reference for scband-ginblock-2491081031684 (READ-ONLY COPY).

The authoritative reference and input builder live on the scoring server;
editing this copy changes nothing except your own understanding.
"""

import jax, jax.numpy as jnp
import numpy as np

N_NODES = 10000
N_EDGES = 320000
D = 128


def setup_inputs(seed: int = 0) -> dict:
    key = jax.random.key(seed)
    ks = jax.random.split(key, 12)
    x = jax.random.normal(ks[0], (N_NODES, D), dtype=jnp.float32)
    edge_index = jax.random.randint(ks[1], (2, N_EDGES), 0, N_NODES, dtype=jnp.int64)
    s = 1.0 / np.sqrt(D)
    W1a = jax.random.uniform(ks[2], (D, D), jnp.float32, -s, s)
    b1a = jax.random.uniform(ks[3], (D,), jnp.float32, -s, s)
    W1b = jax.random.uniform(ks[4], (D, D), jnp.float32, -s, s)
    b1b = jax.random.uniform(ks[5], (D,), jnp.float32, -s, s)
    W2a = jax.random.uniform(ks[6], (D, D), jnp.float32, -s, s)
    b2a = jax.random.uniform(ks[7], (D,), jnp.float32, -s, s)
    W2b = jax.random.uniform(ks[8], (D, D), jnp.float32, -s, s)
    b2b = jax.random.uniform(ks[9], (D,), jnp.float32, -s, s)
    return {"x": x, "edge_index": edge_index, "W1a": W1a, "b1a": b1a, "W1b": W1b, "b1b": b1b, "W2a": W2a, "b2a": b2a, "W2b": W2b, "b2b": b2b}


def _gin_conv(x, src, dst, Wa, ba, Wb, bb):
    # GINConv with eps=0: out = MLP((1+eps)*x + sum_{j->i} x_j)
    msgs = jnp.take(x, src, axis=0)
    agg = jax.ops.segment_sum(msgs, dst, num_segments=x.shape[0])
    h = x + agg
    h = jnp.maximum(h @ Wa + ba, 0.0)
    return h @ Wb + bb


def reference(x, edge_index, W1a, b1a, W1b, b1b, W2a, b2a, W2b, b2b):
    src = edge_index[0]
    dst = edge_index[1]
    h = _gin_conv(x, src, dst, W1a, b1a, W1b, b1b)
    h = jnp.maximum(h, 0.0)
    h = _gin_conv(h, src, dst, W2a, b2a, W2b, b2b)
    return h

if __name__ == "__main__":
    import jax
    _d = setup_inputs()
    print(jax.jit(kernel)(*tuple(_d.values())))

</pallas_src>

<mosaic_0001>
#map = affine_map<(d0, d1) -> (0, 0, 0)>
#map1 = affine_map<(d0, d1) -> (0, 0, 0, 0)>
module attributes {stable_mosaic.version = 14 : i64} {
  func.func @_sc_aggregate(%arg0: i32, %arg1: i32, %arg2: memref<2x10240x64xf32, #tpu.memory_space<hbm>>, %arg3: memref<16x20x16x128xi32, #tpu.memory_space<hbm>>, %arg4: memref<2x10240x64xf32, #tpu.memory_space<hbm>>, %arg5: memref<10240x64xf32, #tpu.memory_space<vmem_shared>>, %arg6: memref<10240x64xf32, #tpu.memory_space<vmem_shared>>, %arg7: memref<16x128xi32, #tpu.memory_space<vmem>>, %arg8: memref<16x128xi32, #tpu.memory_space<vmem>>, %arg9: memref<128x64xf32, #tpu.memory_space<vmem>>, %arg10: memref<128x64xf32, #tpu.memory_space<vmem>>, %arg11: memref<!tpu.dma_semaphore, #tpu.memory_space<semaphore_mem>>, %arg12: memref<!tpu.dma_semaphore, #tpu.memory_space<semaphore_mem>>, %arg13: memref<!tpu.dma_semaphore, #tpu.memory_space<semaphore_mem>>, %arg14: memref<!tpu.dma_semaphore, #tpu.memory_space<semaphore_mem>>, %arg15: memref<!tpu.dma_semaphore, #tpu.memory_space<semaphore_mem>>, %arg16: memref<!tpu.dma_semaphore, #tpu.memory_space<semaphore_mem>>) attributes {dimension_semantics = [#tpu.dimension_semantics<core_parallel>, #tpu.dimension_semantics<subcore_parallel>], iteration_bounds = array<i64: 2, 16>, scalar_prefetch = 0 : i64, scratch_operands = 12 : i64, tpu.core_type = #tpu.core_type<sc_vector_subcore>, window_params = [{transform_indices = #map}, {transform_indices = #map1}, {transform_indices = #map}]} {
    %mul3A = arith.constant 640 : i32
    %mul3A_0 = arith.muli %arg1, %mul3A : i32
    "tpu.region"() ({
      %run_scoped3A_29 = tpu.sem_alloc : memref<!tpu.dma_semaphore, #tpu.memory_space<semaphore_mem>>
      %dma_start3A_30 = arith.constant 0 : i32
      %dma_start3A_31 = tpu.memref_slice %arg5[%mul3A_0, %dma_start3A_30] : memref<10240x64xf32, #tpu.memory_space<vmem_shared>> -> memref<640x64xf32, #tpu.memory_space<vmem_shared>>
      %dma_start3A_32 = arith.constant 0 : i32
      %dma_start3A_33 = tpu.memref_slice %arg2[%arg0, %mul3A_0, %dma_start3A_32] : memref<2x10240x64xf32, #tpu.memory_space<hbm>> -> memref<1x640x64xf32, #tpu.memory_space<hbm>>
      %dma_start3A_34 = tpu.memref_squeeze %dma_start3A_33 : memref<1x640x64xf32, #tpu.memory_space<hbm>> -> memref<640x64xf32, #tpu.memory_space<hbm>>
      tpu.enqueue_dma source(%dma_start3A_34 : memref<640x64xf32, #tpu.memory_space<hbm>>) target(%dma_start3A_31 : memref<640x64xf32, #tpu.memory_space<vmem_shared>>) target_semaphore(%run_scoped3A_29 : memref<!tpu.dma_semaphore, #tpu.memory_space<semaphore_mem>>)
      %dma_wait3A = arith.constant 0 : i32
      %dma_wait3A_35 = tpu.memref_slice %arg5[%mul3A_0, %dma_wait3A] : memref<10240x64xf32, #tpu.memory_space<vmem_shared>> -> memref<640x64xf32, #tpu.memory_space<vmem_shared>>
      %dma_wait3A_36 = arith.constant 0 : i32
      %dma_wait3A_37 = tpu.memref_slice %arg2[%arg0, %mul3A_0, %dma_wait3A_36] : memref<2x10240x64xf32, #tpu.memory_space<hbm>> -> memref<1x640x64xf32, #tpu.memory_space<hbm>>
      %dma_wait3A_38 = tpu.memref_squeeze %dma_wait3A_37 : memref<1x640x64xf32, #tpu.memory_space<hbm>> -> memref<640x64xf32, #tpu.memory_space<hbm>>
      tpu.wait_dma2 semaphore(%run_scoped3A_29 : memref<!tpu.dma_semaphore, #tpu.memory_space<semaphore_mem>>) src(%dma_wait3A_38 : memref<640x64xf32, #tpu.memory_space<hbm>>) dst(%dma_wait3A_35 : memref<640x64xf32, #tpu.memory_space<vmem_shared>>)
      tpu.yield
    }) : () -> ()
    "tpu.region"() ({
      %run_scoped3A_29 = tpu.sem_alloc : memref<!tpu.dma_semaphore, #tpu.memory_space<semaphore_mem>>
      %dma_start3A_30 = arith.constant 0 : i32
      %dma_start3A_31 = tpu.memref_slice %arg6[%mul3A_0, %dma_start3A_30] : memref<10240x64xf32, #tpu.memory_space<vmem_shared>> -> memref<640x64xf32, #tpu.memory_space<vmem_shared>>
      %dma_start3A_32 = arith.constant 0 : i32
      %dma_start3A_33 = tpu.memref_slice %arg2[%arg0, %mul3A_0, %dma_start3A_32] : memref<2x10240x64xf32, #tpu.memory_space<hbm>> -> memref<1x640x64xf32, #tpu.memory_space<hbm>>
      %dma_start3A_34 = tpu.memref_squeeze %dma_start3A_33 : memref<1x640x64xf32, #tpu.memory_space<hbm>> -> memref<640x64xf32, #tpu.memory_space<hbm>>
      tpu.enqueue_dma source(%dma_start3A_34 : memref<640x64xf32, #tpu.memory_space<hbm>>) target(%dma_start3A_31 : memref<640x64xf32, #tpu.memory_space<vmem_shared>>) target_semaphore(%run_scoped3A_29 : memref<!tpu.dma_semaphore, #tpu.memory_space<semaphore_mem>>)
      %dma_wait3A = arith.constant 0 : i32
      %dma_wait3A_35 = tpu.memref_slice %arg6[%mul3A_0, %dma_wait3A] : memref<10240x64xf32, #tpu.memory_space<vmem_shared>> -> memref<640x64xf32, #tpu.memory_space<vmem_shared>>
      %dma_wait3A_36 = arith.constant 0 : i32
      %dma_wait3A_37 = tpu.memref_slice %arg2[%arg0, %mul3A_0, %dma_wait3A_36] : memref<2x10240x64xf32, #tpu.memory_space<hbm>> -> memref<1x640x64xf32, #tpu.memory_space<hbm>>
      %dma_wait3A_38 = tpu.memref_squeeze %dma_wait3A_37 : memref<1x640x64xf32, #tpu.memory_space<hbm>> -> memref<640x64xf32, #tpu.memory_space<hbm>>
      tpu.wait_dma2 semaphore(%run_scoped3A_29 : memref<!tpu.dma_semaphore, #tpu.memory_space<semaphore_mem>>) src(%dma_wait3A_38 : memref<640x64xf32, #tpu.memory_space<hbm>>) dst(%dma_wait3A_35 : memref<640x64xf32, #tpu.memory_space<vmem_shared>>)
      tpu.yield
    }) : () -> ()
    %barrier3A = arith.constant 0 : index
    tpu.barrier barrier_id(%barrier3A)
    %run_scoped3A = arith.constant 0 : i32
    "tpu.region"() ({
      %run_scoped3A_29 = tpu.sem_alloc : memref<!tpu.dma_semaphore, #tpu.memory_space<semaphore_mem>>
      %dma_start3A_30 = arith.constant 0 : i32
      %dma_start3A_31 = arith.constant 0 : i32
      %dma_start3A_32 = tpu.memref_slice %arg3[%arg1, %run_scoped3A, %dma_start3A_30, %dma_start3A_31] : memref<16x20x16x128xi32, #tpu.memory_space<hbm>> -> memref<1x1x16x128xi32, #tpu.memory_space<hbm>>
      %dma_start3A_33 = tpu.memref_squeeze %dma_start3A_32 : memref<1x1x16x128xi32, #tpu.memory_space<hbm>> -> memref<16x128xi32, #tpu.memory_space<hbm>>
      %dma_start3A_34 = arith.constant 0 : i32
      %dma_start3A_35 = arith.constant 0 : i32
      %dma_start3A_36 = tpu.memref_slice %arg3[%arg1, %run_scoped3A, %dma_start3A_34, %dma_start3A_35] : memref<16x20x16x128xi32, #tpu.memory_space<hbm>> -> memref<1x1x16x128xi32, #tpu.memory_space<hbm>>
      %dma_start3A_37 = tpu.memref_squeeze %dma_start3A_36 : memref<1x1x16x128xi32, #tpu.memory_space<hbm>> -> memref<16x128xi32, #tpu.memory_space<hbm>>
      tpu.enqueue_dma source(%dma_start3A_37 : memref<16x128xi32, #tpu.memory_space<hbm>>) target(%arg7 : memref<16x128xi32, #tpu.memory_space<vmem>>) target_semaphore(%run_scoped3A_29 : memref<!tpu.dma_semaphore, #tpu.memory_space<semaphore_mem>>)
      %dma_wait3A = arith.constant 0 : i32
      %dma_wait3A_38 = arith.constant 0 : i32
      %dma_wait3A_39 = tpu.memref_slice %arg3[%arg1, %run_scoped3A, %dma_wait3A, %dma_wait3A_38] : memref<16x20x16x128xi32, #tpu.memory_space<hbm>> -> memref<1x1x16x128xi32, #tpu.memory_space<hbm>>
      %dma_wait3A_40 = tpu.memref_squeeze %dma_wait3A_39 : memref<1x1x16x128xi32, #tpu.memory_space<hbm>> -> memref<16x128xi32, #tpu.memory_space<hbm>>
      %dma_wait3A_41 = arith.constant 0 : i32
      %dma_wait3A_42 = arith.constant 0 : i32
      %dma_wait3A_43 = tpu.memref_slice %arg3[%arg1, %run_scoped3A, %dma_wait3A_41, %dma_wait3A_42] : memref<16x20x16x128xi32, #tpu.memory_space<hbm>> -> memref<1x1x16x128xi32, #tpu.memory_space<hbm>>
      %dma_wait3A_44 = tpu.memref_squeeze %dma_wait3A_43 : memref<1x1x16x128xi32, #tpu.memory_space<hbm>> -> memref<16x128xi32, #tpu.memory_space<hbm>>
      tpu.wait_dma2 semaphore(%run_scoped3A_29 : memref<!tpu.dma_semaphore, #tpu.memory_space<semaphore_mem>>) src(%dma_wait3A_44 : memref<16x128xi32, #tpu.memory_space<hbm>>) dst(%arg7 : memref<16x128xi32, #tpu.memory_space<vmem>>)
      tpu.yield
    }) : () -> ()
    %dma_start3A = arith.constant 1 : i32
    %dma_start3A_1 = arith.constant 0 : i32
    %dma_start3A_2 = arith.constant 0 : i32
    %dma_start3A_3 = tpu.memref_slice %arg3[%arg1, %dma_start3A, %dma_start3A_1, %dma_start3A_2] : memref<16x20x16x128xi32, #tpu.memory_space<hbm>> -> memref<1x1x16x128xi32, #tpu.memory_space<hbm>>
    %dma_start3A_4 = tpu.memref_squeeze %dma_start3A_3 : memref<1x1x16x128xi32, #tpu.memory_space<hbm>> -> memref<16x128xi32, #tpu.memory_space<hbm>>
    %dma_start3A_5 = arith.constant 0 : i32
    %dma_start3A_6 = arith.constant 0 : i32
    %dma_start3A_7 = tpu.memref_slice %arg3[%arg1, %dma_start3A, %dma_start3A_5, %dma_start3A_6] : memref<16x20x16x128xi32, #tpu.memory_space<hbm>> -> memref<1x1x16x128xi32, #tpu.memory_space<hbm>>
    %dma_start3A_8 = tpu.memref_squeeze %dma_start3A_7 : memref<1x1x16x128xi32, #tpu.memory_space<hbm>> -> memref<16x128xi32, #tpu.memory_space<hbm>>
    tpu.enqueue_dma source(%dma_start3A_8 : memref<16x128xi32, #tpu.memory_space<hbm>>) target(%arg8 : memref<16x128xi32, #tpu.memory_space<vmem>>) target_semaphore(%arg16 : memref<!tpu.dma_semaphore, #tpu.memory_space<semaphore_mem>>)
    %dma_start3A_9 = arith.constant 0 : i32
    %dma_start3A_10 = arith.constant 0 : i32
    %dma_start3A_11 = tpu.memref_slice %arg7[%dma_start3A_9, %dma_start3A_10] : memref<16x128xi32, #tpu.memory_space<vmem>> -> memref<1x128xi32, #tpu.memory_space<vmem>>
    %dma_start3A_12 = tpu.memref_squeeze %dma_start3A_11 : memref<1x128xi32, #tpu.memory_space<vmem>> -> memref<128xi32, #tpu.memory_space<vmem>>
    %dma_start3A_13 = arith.constant 0 : i32
    %dma_start3A_14 = arith.constant 0 : i32
    %dma_start3A_15 = tpu.memref_slice %arg5[%dma_start3A_13, %dma_start3A_14] : memref<10240x64xf32, #tpu.memory_space<vmem_shared>> -> memref<10240x64xf32, #tpu.memory_space<vmem_shared>>
    tpu.enqueue_indirect_dma source(%dma_start3A_15 : memref<10240x64xf32, #tpu.memory_space<vmem_shared>>) target(%arg9 : memref<128x64xf32, #tpu.memory_space<vmem>>) offsets(%dma_start3A_12 : memref<128xi32, #tpu.memory_space<vmem>>) semaphore(%arg11 : memref<!tpu.dma_semaphore, #tpu.memory_space<semaphore_mem>>)
    %dma_start3A_16 = arith.constant 1 : i32
    %dma_start3A_17 = arith.constant 0 : i32
    %dma_start3A_18 = tpu.memref_slice %arg7[%dma_start3A_16, %dma_start3A_17] : memref<16x128xi32, #tpu.memory_space<vmem>> -> memref<1x128xi32, #tpu.memory_space<vmem>>
    %dma_start3A_19 = tpu.memref_squeeze %dma_start3A_18 : memref<1x128xi32, #tpu.memory_space<vmem>> -> memref<128xi32, #tpu.memory_space<vmem>>
    %dma_start3A_20 = arith.constant 0 : i32
    %dma_start3A_21 = arith.constant 0 : i32
    %dma_start3A_22 = tpu.memref_slice %arg5[%dma_start3A_20, %dma_start3A_21] : memref<10240x64xf32, #tpu.memory_space<vmem_shared>> -> memref<10240x64xf32, #tpu.memory_space<vmem_shared>>
    tpu.enqueue_indirect_dma source(%dma_start3A_22 : memref<10240x64xf32, #tpu.memory_space<vmem_shared>>) target(%arg10 : memref<128x64xf32, #tpu.memory_space<vmem>>) offsets(%dma_start3A_19 : memref<128xi32, #tpu.memory_space<vmem>>) semaphore(%arg12 : memref<!tpu.dma_semaphore, #tpu.memory_space<semaphore_mem>>)
    %scan3A = arith.constant 0 : i32
    %scan3A_23 = arith.constant 0 : i32
    %scan3A_24 = arith.constant 10 : i32
    %scan3A_25 = arith.addi %scan3A_23, %scan3A_24 : i32
    %scan3A_26 = arith.constant 1 : i32
    scf.for %scan3A_29 = %scan3A_23 to %scan3A_25 step %scan3A_26  : i32 {
      %mul3A_30 = arith.constant 2 : i32
      %mul3A_31 = arith.muli %mul3A_30, %scan3A_29 : i32
      %dma_wait3A = arith.constant 0 : i32
      %dma_wait3A_32 = arith.constant 0 : i32
      %dma_wait3A_33 = tpu.memref_slice %arg7[%dma_wait3A, %dma_wait3A_32] : memref<16x128xi32, #tpu.memory_space<vmem>> -> memref<1x128xi32, #tpu.memory_space<vmem>>
      %dma_wait3A_34 = tpu.memref_squeeze %dma_wait3A_33 : memref<1x128xi32, #tpu.memory_space<vmem>> -> memref<128xi32, #tpu.memory_space<vmem>>
      %dma_wait3A_35 = arith.constant 0 : i32
      %dma_wait3A_36 = arith.constant 0 : i32
      %dma_wait3A_37 = tpu.memref_slice %arg5[%dma_wait3A_35, %dma_wait3A_36] : memref<10240x64xf32, #tpu.memory_space<vmem_shared>> -> memref<10240x64xf32, #tpu.memory_space<vmem_shared>>
      tpu.wait_indirect_dma semaphore(%arg11 : memref<!tpu.dma_semaphore, #tpu.memory_space<semaphore_mem>>) src(%dma_wait3A_37 : memref<10240x64xf32, #tpu.memory_space<vmem_shared>>) dst(%arg9 : memref<128x64xf32, #tpu.memory_space<vmem>>)
      %dma_start3A_38 = arith.constant 8 : i32
      %dma_start3A_39 = arith.constant 0 : i32
      %dma_start3A_40 = tpu.memref_slice %arg7[%dma_start3A_38, %dma_start3A_39] : memref<16x128xi32, #tpu.memory_space<vmem>> -> memref<1x128xi32, #tpu.memory_space<vmem>>
      %dma_start3A_41 = tpu.memref_squeeze %dma_start3A_40 : memref<1x128xi32, #tpu.memory_space<vmem>> -> memref<128xi32, #tpu.memory_space<vmem>>
      %dma_start3A_42 = arith.constant 0 : i32
      %dma_start3A_43 = arith.constant 0 : i32
      %dma_start3A_44 = tpu.memref_slice %arg6[%dma_start3A_42, %dma_start3A_43] : memref<10240x64xf32, #tpu.memory_space<vmem_shared>> -> memref<10240x64xf32, #tpu.memory_space<vmem_shared>>
      tpu.enqueue_indirect_dma source(%arg9 : memref<128x64xf32, #tpu.memory_space<vmem>>) target(%dma_start3A_44 : memref<10240x64xf32, #tpu.memory_space<vmem_shared>>) offsets(%dma_start3A_41 : memref<128xi32, #tpu.memory_space<vmem>>) semaphore(%arg13 : memref<!tpu.dma_semaphore, #tpu.memory_space<semaphore_mem>>) {add = true}
      %dma_wait3A_45 = arith.constant 0 : i32
      %dma_wait3A_46 = arith.constant 0 : i32
      %dma_wait3A_47 = tpu.memref_slice %arg7[%dma_wait3A_45, %dma_wait3A_46] : memref<16x128xi32, #tpu.memory_space<vmem>> -> memref<1x128xi32, #tpu.memory_space<vmem>>
      %dma_wait3A_48 = tpu.memref_squeeze %dma_wait3A_47 : memref<1x128xi32, #tpu.memory_space<vmem>> -> memref<128xi32, #tpu.memory_space<vmem>>
      %dma_wait3A_49 = arith.constant 0 : i32
      %dma_wait3A_50 = arith.constant 0 : i32
      %dma_wait3A_51 = tpu.memref_slice %arg5[%dma_wait3A_49, %dma_wait3A_50] : memref<10240x64xf32, #tpu.memory_space<vmem_shared>> -> memref<10240x64xf32, #tpu.memory_space<vmem_shared>>
      tpu.wait_indirect_dma semaphore(%arg12 : memref<!tpu.dma_semaphore, #tpu.memory_space<semaphore_mem>>) src(%dma_wait3A_51 : memref<10240x64xf32, #tpu.memory_space<vmem_shared>>) dst(%arg10 : memref<128x64xf32, #tpu.memory_space<vmem>>)
      %dma_start3A_52 = arith.constant 9 : i32
      %dma_start3A_53 = arith.constant 0 : i32
      %dma_start3A_54 = tpu.memref_slice %arg7[%dma_start3A_52, %dma_start3A_53] : memref<16x128xi32, #tpu.memory_space<vmem>> -> memref<1x128xi32, #tpu.memory_space<vmem>>
      %dma_start3A_55 = tpu.memref_squeeze %dma_start3A_54 : memref<1x128xi32, #tpu.memory_space<vmem>> -> memref<128xi32, #tpu.memory_space<vmem>>
      %dma_start3A_56 = arith.constant 0 : i32
      %dma_start3A_57 = arith.constant 0 : i32
      %dma_start3A_58 = tpu.memref_slice %arg6[%dma_start3A_56, %dma_start3A_57] : memref<10240x64xf32, #tpu.memory_space<vmem_shared>> -> memref<10240x64xf32, #tpu.memory_space<vmem_shared>>
      tpu.enqueue_indirect_dma source(%arg10 : memref<128x64xf32, #tpu.memory_space<vmem>>) target(%dma_start3A_58 : memref<10240x64xf32, #tpu.memory_space<vmem_shared>>) offsets(%dma_start3A_55 : memref<128xi32, #tpu.memory_space<vmem>>) semaphore(%arg14 : memref<!tpu.dma_semaphore, #tpu.memory_space<semaphore_mem>>) {add = true}
      %dma_wait3A_59 = arith.constant 8 : i32
      %dma_wait3A_60 = arith.constant 0 : i32
      %dma_wait3A_61 = tpu.memref_slice %arg7[%dma_wait3A_59, %dma_wait3A_60] : memref<16x128xi32, #tpu.memory_space<vmem>> -> memref<1x128xi32, #tpu.memory_space<vmem>>
      %dma_wait3A_62 = tpu.memref_squeeze %dma_wait3A_61 : memref<1x128xi32, #tpu.memory_space<vmem>> -> memref<128xi32, #tpu.memory_space<vmem>>
      %dma_wait3A_63 = arith.constant 0 : i32
      %dma_wait3A_64 = arith.constant 0 : i32
      %dma_wait3A_65 = tpu.memref_slice %arg6[%dma_wait3A_63, %dma_wait3A_64] : memref<10240x64xf32, #tpu.memory_space<vmem_shared>> -> memref<10240x64xf32, #tpu.memory_space<vmem_shared>>
      tpu.wait_indirect_dma semaphore(%arg13 : memref<!tpu.dma_semaphore, #tpu.memory_space<semaphore_mem>>) src(%arg9 : memref<128x64xf32, #tpu.memory_space<vmem>>) dst(%dma_wait3A_65 : memref<10240x64xf32, #tpu.memory_space<vmem_shared>>)
      %dma_start3A_66 = arith.constant 2 : i32
      %dma_start3A_67 = arith.constant 0 : i32
      %dma_start3A_68 = tpu.memref_slice %arg7[%dma_start3A_66, %dma_start3A_67] : memref<16x128xi32, #tpu.memory_space<vmem>> -> memref<1x128xi32, #tpu.memory_space<vmem>>
      %dma_start3A_69 = tpu.memref_squeeze %dma_start3A_68 : memref<1x128xi32, #tpu.memory_space<vmem>> -> memref<128xi32, #tpu.memory_space<vmem>>
      %dma_start3A_70 = arith.constant 0 : i32
      %dma_start3A_71 = arith.constant 0 : i32
      %dma_start3A_72 = tpu.memref_slice %arg5[%dma_start3A_70, %dma_start3A_71] : memref<10240x64xf32, #tpu.memory_space<vmem_shared>> -> memref<10240x64xf32, #tpu.memory_space<vmem_shared>>
      tpu.enqueue_indirect_dma source(%dma_start3A_72 : memref<10240x64xf32, #tpu.memory_space<vmem_shared>>) target(%arg9 : memref<128x64xf32, #tpu.memory_space<vmem>>) offsets(%dma_start3A_69 : memref<128xi32, #tpu.memory_space<vmem>>) semaphore(%arg11 : memref<!tpu.dma_semaphore, #tpu.memory_space<semaphore_mem>>)
      %dma_wait3A_73 = arith.constant 8 : i32
      %dma_wait3A_74 = arith.constant 0 : i32
      %dma_wait3A_75 = tpu.memref_slice %arg7[%dma_wait3A_73, %dma_wait3A_74] : memref<16x128xi32, #tpu.memory_space<vmem>> -> memref<1x128xi32, #tpu.memory_space<vmem>>
      %dma_wait3A_76 = tpu.memref_squeeze %dma_wait3A_75 : memref<1x128xi32, #tpu.memory_space<vmem>> -> memref<128xi32, #tpu.memory_space<vmem>>
      %dma_wait3A_77 = arith.constant 0 : i32
      %dma_wait3A_78 = arith.constant 0 : i32
      %dma_wait3A_79 = tpu.memref_slice %arg6[%dma_wait3A_77, %dma_wait3A_78] : memref<10240x64xf32, #tpu.memory_space<vmem_shared>> -> memref<10240x64xf32, #tpu.memory_space<vmem_shared>>
      tpu.wait_indirect_dma semaphore(%arg14 : memref<!tpu.dma_semaphore, #tpu.memory_space<semaphore_mem>>) src(%arg10 : memref<128x64xf32, #tpu.memory_space<vmem>>) dst(%dma_wait3A_79 : memref<10240x64xf32, #tpu.memory_space<vmem_shared>>)
      %dma_start3A_80 = arith.constant 3 : i32
      %dma_start3A_81 = arith.constant 0 : i32
      %dma_start3A_82 = tpu.memref_slice %arg7[%dma_start3A_80, %dma_start3A_81] : memref<16x128xi32, #tpu.memory_space<vmem>> -> memref<1x128xi32, #tpu.memory_space<vmem>>
      %dma_start3A_83 = tpu.memref_squeeze %dma_start3A_82 : memref<1x128xi32, #tpu.memory_space<vmem>> -> memref<128xi32, #tpu.memory_space<vmem>>
      %dma_start3A_84 = arith.constant 0 : i32
      %dma_start3A_85 = arith.constant 0 : i32
      %dma_start3A_86 = tpu.memref_slice %arg5[%dma_start3A_84, %dma_start3A_85] : memref<10240x64xf32, #tpu.memory_space<vmem_shared>> -> memref<10240x64xf32, #tpu.memory_space<vmem_shared>>
      tpu.enqueue_indirect_dma source(%dma_start3A_86 : memref<10240x64xf32, #tpu.memory_space<vmem_shared>>) target(%arg10 : memref<128x64xf32, #tpu.memory_space<vmem>>) offsets(%dma_start3A_83 : memref<128xi32, #tpu.memory_space<vmem>>) semaphore(%arg12 : memref<!tpu.dma_semaphore, #tpu.memory_space<semaphore_mem>>)
      %dma_wait3A_87 = arith.constant 0 : i32
      %dma_wait3A_88 = arith.constant 0 : i32
      %dma_wait3A_89 = tpu.memref_slice %arg7[%dma_wait3A_87, %dma_wait3A_88] : memref<16x128xi32, #tpu.memory_space<vmem>> -> memref<1x128xi32, #tpu.memory_space<vmem>>
      %dma_wait3A_90 = tpu.memref_squeeze %dma_wait3A_89 : memref<1x128xi32, #tpu.memory_space<vmem>> -> memref<128xi32, #tpu.memory_space<vmem>>
      %dma_wait3A_91 = arith.constant 0 : i32
      %dma_wait3A_92 = arith.constant 0 : i32
      %dma_wait3A_93 = tpu.memref_slice %arg5[%dma_wait3A_91, %dma_wait3A_92] : memref<10240x64xf32, #tpu.memory_space<vmem_shared>> -> memref<10240x64xf32, #tpu.memory_space<vmem_shared>>
      tpu.wait_indirect_dma semaphore(%arg11 : memref<!tpu.dma_semaphore, #tpu.memory_space<semaphore_mem>>) src(%dma_wait3A_93 : memref<10240x64xf32, #tpu.memory_space<vmem_shared>>) dst(%arg9 : memref<128x64xf32, #tpu.memory_space<vmem>>)
      %dma_start3A_94 = arith.constant 10 : i32
      %dma_start3A_95 = arith.constant 0 : i32
      %dma_start3A_96 = tpu.memref_slice %arg7[%dma_start3A_94, %dma_start3A_95] : memref<16x128xi32, #tpu.memory_space<vmem>> -> memref<1x128xi32, #tpu.memory_space<vmem>>
      %dma_start3A_97 = tpu.memref_squeeze %dma_start3A_96 : memref<1x128xi32, #tpu.memory_space<vmem>> -> memref<128xi32, #tpu.memory_space<vmem>>
      %dma_start3A_98 = arith.constant 0 : i32
      %dma_start3A_99 = arith.constant 0 : i32
      %dma_start3A_100 = tpu.memref_slice %arg6[%dma_start3A_98, %dma_start3A_99] : memref<10240x64xf32, #tpu.memory_space<vmem_shared>> -> memref<10240x64xf32, #tpu.memory_space<vmem_shared>>
      tpu.enqueue_indirect_dma source(%arg9 : memref<128x64xf32, #tpu.memory_space<vmem>>) target(%dma_start3A_100 : memref<10240x64xf32, #tpu.memory_space<vmem_shared>>) offsets(%dma_start3A_97 : memref<128xi32, #tpu.memory_space<vmem>>) semaphore(%arg13 : memref<!tpu.dma_semaphore, #tpu.memory_space<semaphore_mem>>) {add = true}
      %dma_wait3A_101 = arith.constant 0 : i32
      %dma_wait3A_102 = arith.constant 0 : i32
      %dma_wait3A_103 = tpu.memref_slice %arg7[%dma_wait3A_101, %dma_wait3A_102] : memref<16x128xi32, #tpu.memory_space<vmem>> -> memref<1x128xi32, #tpu.memory_space<vmem>>
      %dma_wait3A_104 = tpu.memref_squeeze %dma_wait3A_103 : memref<1x128xi32, #tpu.memory_space<vmem>> -> memref<128xi32, #tpu.memory_space<vmem>>
      %dma_wait3A_105 = arith.constant 0 : i32
      %dma_wait3A_106 = arith.constant 0 : i32
      %dma_wait3A_107 = tpu.memref_slice %arg5[%dma_wait3A_105, %dma_wait3A_106] : memref<10240x64xf32, #tpu.memory_space<vmem_shared>> -> memref<10240x64xf32, #tpu.memory_space<vmem_shared>>
      tpu.wait_indirect_dma semaphore(%arg12 : memref<!tpu.dma_semaphore, #tpu.memory_space<semaphore_mem>>) src(%dma_wait3A_107 : memref<10240x64xf32, #tpu.memory_space<vmem_shared>>) dst(%arg10 : memref<128x64xf32, #tpu.memory_space<vmem>>)
      %dma_start3A_108 = arith.constant 11 : i32
      %dma_start3A_109 = arith.constant 0 : i32
      %dma_start3A_110 = tpu.memref_slice %arg7[%dma_start3A_108, %dma_start3A_109] : memref<16x128xi32, #tpu.memory_space<vmem>> -> memref<1x128xi32, #tpu.memory_space<vmem>>
      %dma_start3A_111 = tpu.memref_squeeze %dma_start3A_110 : memref<1x128xi32, #tpu.memory_space<vmem>> -> memref<128xi32, #tpu.memory_space<vmem>>
      %dma_start3A_112 = arith.constant 0 : i32
      %dma_start3A_113 = arith.constant 0 : i32
      %dma_start3A_114 = tpu.memref_slice %arg6[%dma_start3A_112, %dma_start3A_113] : memref<10240x64xf32, #tpu.memory_space<vmem_shared>> -> memref<10240x64xf32, #tpu.memory_space<vmem_shared>>
      tpu.enqueue_indirect_dma source(%arg10 : memref<128x64xf32, #tpu.memory_space<vmem>>) target(%dma_start3A_114 : memref<10240x64xf32, #tpu.memory_space<vmem_shared>>) offsets(%dma_start3A_111 : memref<128xi32, #tpu.memory_space<vmem>>) semaphore(%arg14 : memref<!tpu.dma_semaphore, #tpu.memory_space<semaphore_mem>>) {add = true}
      %dma_wait3A_115 = arith.constant 8 : i32
      %dma_wait3A_116 = arith.constant 0 : i32
      %dma_wait3A_117 = tpu.memref_slice %arg7[%dma_wait3A_115, %dma_wait3A_116] : memref<16x128xi32, #tpu.memory_space<vmem>> -> memref<1x128xi32, #tpu.memory_space<vmem>>
      %dma_wait3A_118 = tpu.memref_squeeze %dma_wait3A_117 : memref<1x128xi32, #tpu.memory_space<vmem>> -> memref<128xi32, #tpu.memory_space<vmem>>
      %dma_wait3A_119 = arith.constant 0 : i32
      %dma_wait3A_120 = arith.constant 0 : i32
      %dma_wait3A_121 = tpu.memref_slice %arg6[%dma_wait3A_119, %dma_wait3A_120] : memref<10240x64xf32, #tpu.memory_space<vmem_shared>> -> memref<10240x64xf32, #tpu.memory_space<vmem_shared>>
      tpu.wait_indirect_dma semaphore(%arg13 : memref<!tpu.dma_semaphore, #tpu.memory_space<semaphore_mem>>) src(%arg9 : memref<128x64xf32, #tpu.memory_space<vmem>>) dst(%dma_wait3A_121 : memref<10240x64xf32, #tpu.memory_space<vmem_shared>>)
      %dma_start3A_122 = arith.constant 4 : i32
      %dma_start3A_123 = arith.constant 0 : i32
      %dma_start3A_124 = tpu.memref_slice %arg7[%dma_start3A_122, %dma_start3A_123] : memref<16x128xi32, #tpu.memory_space<vmem>> -> memref<1x128xi32, #tpu.memory_space<vmem>>
      %dma_start3A_125 = tpu.memref_squeeze %dma_start3A_124 : memref<1x128xi32, #tpu.memory_space<vmem>> -> memref<128xi32, #tpu.memory_space<vmem>>
      %dma_start3A_126 = arith.constant 0 : i32
      %dma_start3A_127 = arith.constant 0 : i32
      %dma_start3A_128 = tpu.memref_slice %arg5[%dma_start3A_126, %dma_start3A_127] : memref<10240x64xf32, #tpu.memory_space<vmem_shared>> -> memref<10240x64xf32, #tpu.memory_space<vmem_shared>>
      tpu.enqueue_indirect_dma source(%dma_start3A_128 : memref<10240x64xf32, #tpu.memory_space<vmem_shared>>) target(%arg9 : memref<128x64xf32, #tpu.memory_space<vmem>>) offsets(%dma_start3A_125 : memref<128xi32, #tpu.memory_space<vmem>>) semaphore(%arg11 : memref<!tpu.dma_semaphore, #tpu.memory_space<semaphore_mem>>)
      %dma_wait3A_129 = arith.constant 8 : i32
      %dma_wait3A_130 = arith.constant 0 : i32
      %dma_wait3A_131 = tpu.memref_slice %arg7[%dma_wait3A_129, %dma_wait3A_130] : memref<16x128xi32, #tpu.memory_space<vmem>> -> memref<1x128xi32, #tpu.memory_space<vmem>>
      %dma_wait3A_132 = tpu.memref_squeeze %dma_wait3A_131 : memref<1x128xi32, #tpu.memory_space<vmem>> -> memref<128xi32, #tpu.memory_space<vmem>>
      %dma_wait3A_133 = arith.constant 0 : i32
      %dma_wait3A_134 = arith.constant 0 : i32
      %dma_wait3A_135 = tpu.memref_slice %arg6[%dma_wait3A_133, %dma_wait3A_134] : memref<10240x64xf32, #tpu.memory_space<vmem_shared>> -> memref<10240x64xf32, #tpu.memory_space<vmem_shared>>
      tpu.wait_indirect_dma semaphore(%arg14 : memref<!tpu.dma_semaphore, #tpu.memory_space<semaphore_mem>>) src(%arg10 : memref<128x64xf32, #tpu.memory_space<vmem>>) dst(%dma_wait3A_135 : memref<10240x64xf32, #tpu.memory_space<vmem_shared>>)
      %dma_start3A_136 = arith.constant 5 : i32
      %dma_start3A_137 = arith.constant 0 : i32
      %dma_start3A_138 = tpu.memref_slice %arg7[%dma_start3A_136, %dma_start3A_137] : memref<16x128xi32, #tpu.memory_space<vmem>> -> memref<1x128xi32, #tpu.memory_space<vmem>>
      %dma_start3A_139 = tpu.memref_squeeze %dma_start3A_138 : memref<1x128xi32, #tpu.memory_space<vmem>> -> memref<128xi32, #tpu.memory_space<vmem>>
      %dma_start3A_140 = arith.constant 0 : i32
      %dma_start3A_141 = arith.constant 0 : i32
      %dma_start3A_142 = tpu.memref_slice %arg5[%dma_start3A_140, %dma_start3A_141] : memref<10240x64xf32, #tpu.memory_space<vmem_shared>> -> memref<10240x64xf32, #tpu.memory_space<vmem_shared>>
      tpu.enqueue_indirect_dma source(%dma_start3A_142 : memref<10240x64xf32, #tpu.memory_space<vmem_shared>>) target(%arg10 : memref<128x64xf32, #tpu.memory_space<vmem>>) offsets(%dma_start3A_139 : memref<128xi32, #tpu.memory_space<vmem>>) semaphore(%arg12 : memref<!tpu.dma_semaphore, #tpu.memory_space<semaphore_mem>>)
      %dma_wait3A_143 = arith.constant 0 : i32
      %dma_wait3A_144 = arith.constant 0 : i32
      %dma_wait3A_145 = tpu.memref_slice %arg7[%dma_wait3A_143, %dma_wait3A_144] : memref<16x128xi32, #tpu.memory_space<vmem>> -> memref<1x128xi32, #tpu.memory_space<vmem>>
      %dma_wait3A_146 = tpu.memref_squeeze %dma_wait3A_145 : memref<1x128xi32, #tpu.memory_space<vmem>> -> memref<128xi32, #tpu.memory_space<vmem>>
      %dma_wait3A_147 = arith.constant 0 : i32
      %dma_wait3A_148 = arith.constant 0 : i32
      %dma_wait3A_149 = tpu.memref_slice %arg5[%dma_wait3A_147, %dma_wait3A_148] : memref<10240x64xf32, #tpu.memory_space<vmem_shared>> -> memref<10240x64xf32, #tpu.memory_space<vmem_shared>>
      tpu.wait_indirect_dma semaphore(%arg11 : memref<!tpu.dma_semaphore, #tpu.memory_space<semaphore_mem>>) src(%dma_wait3A_149 : memref<10240x64xf32, #tpu.memory_space<vmem_shared>>) dst(%arg9 : memref<128x64xf32, #tpu.memory_space<vmem>>)
      %dma_start3A_150 = arith.constant 12 : i32
      %dma_start3A_151 = arith.constant 0 : i32
      %dma_start3A_152 = tpu.memref_slice %arg7[%dma_start3A_150, %dma_start3A_151] : memref<16x128xi32, #tpu.memory_space<vmem>> -> memref<1x128xi32, #tpu.memory_space<vmem>>
      %dma_start3A_153 = tpu.memref_squeeze %dma_start3A_152 : memref<1x128xi32, #tpu.memory_space<vmem>> -> memref<128xi32, #tpu.memory_space<vmem>>
      %dma_start3A_154 = arith.constant 0 : i32
      %dma_start3A_155 = arith.constant 0 : i32
      %dma_start3A_156 = tpu.memref_slice %arg6[%dma_start3A_154, %dma_start3A_155] : memref<10240x64xf32, #tpu.memory_space<vmem_shared>> -> memref<10240x64xf32, #tpu.memory_space<vmem_shared>>
      tpu.enqueue_indirect_dma source(%arg9 : memref<128x64xf32, #tpu.memory_space<vmem>>) target(%dma_start3A_156 : memref<10240x64xf32, #tpu.memory_space<vmem_shared>>) offsets(%dma_start3A_153 : memref<128xi32, #tpu.memory_space<vmem>>) semaphore(%arg13 : memref<!tpu.dma_semaphore, #tpu.memory_space<semaphore_mem>>) {add = true}
      %dma_wait3A_157 = arith.constant 0 : i32
      %dma_wait3A_158 = arith.constant 0 : i32
      %dma_wait3A_159 = tpu.memref_slice %arg7[%dma_wait3A_157, %dma_wait3A_158] : memref<16x128xi32, #tpu.memory_space<vmem>> -> memref<1x128xi32, #tpu.memory_space<vmem>>
      %dma_wait3A_160 = tpu.memref_squeeze %dma_wait3A_159 : memref<1x128xi32, #tpu.memory_space<vmem>> -> memref<128xi32, #tpu.memory_space<vmem>>
      %dma_wait3A_161 = arith.constant 0 : i32
      %dma_wait3A_162 = arith.constant 0 : i32
      %dma_wait3A_163 = tpu.memref_slice %arg5[%dma_wait3A_161, %dma_wait3A_162] : memref<10240x64xf32, #tpu.memory_space<vmem_shared>> -> memref<10240x64xf32, #tpu.memory_space<vmem_shared>>
      tpu.wait_indirect_dma semaphore(%arg12 : memref<!tpu.dma_semaphore, #tpu.memory_space<semaphore_mem>>) src(%dma_wait3A_163 : memref<10240x64xf32, #tpu.memory_space<vmem_shared>>) dst(%arg10 : memref<128x64xf32, #tpu.memory_space<vmem>>)
      %dma_start3A_164 = arith.constant 13 : i32
      %dma_start3A_165 = arith.constant 0 : i32
      %dma_start3A_166 = tpu.memref_slice %arg7[%dma_start3A_164, %dma_start3A_165] : memref<16x128xi32, #tpu.memory_space<vmem>> -> memref<1x128xi32, #tpu.memory_space<vmem>>
      %dma_start3A_167 = tpu.memref_squeeze %dma_start3A_166 : memref<1x128xi32, #tpu.memory_space<vmem>> -> memref<128xi32, #tpu.memory_space<vmem>>
      %dma_start3A_168 = arith.constant 0 : i32
      %dma_start3A_169 = arith.constant 0 : i32
      %dma_start3A_170 = tpu.memref_slice %arg6[%dma_start3A_168, %dma_start3A_169] : memref<10240x64xf32, #tpu.memory_space<vmem_shared>> -> memref<10240x64xf32, #tpu.memory_space<vmem_shared>>
      tpu.enqueue_indirect_dma source(%arg10 : memref<128x64xf32, #tpu.memory_space<vmem>>) target(%dma_start3A_170 : memref<10240x64xf32, #tpu.memory_space<vmem_shared>>) offsets(%dma_start3A_167 : memref<128xi32, #tpu.memory_space<vmem>>) semaphore(%arg14 : memref<!tpu.dma_semaphore, #tpu.memory_space<semaphore_mem>>) {add = true}
      %dma_wait3A_171 = arith.constant 8 : i32
      %dma_wait3A_172 = arith.constant 0 : i32
      %dma_wait3A_173 = tpu.memref_slice %arg7[%dma_wait3A_171, %dma_wait3A_172] : memref<16x128xi32, #tpu.memory_space<vmem>> -> memref<1x128xi32, #tpu.memory_space<vmem>>
      %dma_wait3A_174 = tpu.memref_squeeze %dma_wait3A_173 : memref<1x128xi32, #tpu.memory_space<vmem>> -> memref<128xi32, #tpu.memory_space<vmem>>
      %dma_wait3A_175 = arith.constant 0 : i32
      %dma_wait3A_176 = arith.constant 0 : i32
      %dma_wait3A_177 = tpu.memref_slice %arg6[%dma_wait3A_175, %dma_wait3A_176] : memref<10240x64xf32, #tpu.memory_space<vmem_shared>> -> memref<10240x64xf32, #tpu.memory_space<vmem_shared>>
      tpu.wait_indirect_dma semaphore(%arg13 : memref<!tpu.dma_semaphore, #tpu.memory_space<semaphore_mem>>) src(%arg9 : memref<128x64xf32, #tpu.memory_space<vmem>>) dst(%dma_wait3A_177 : memref<10240x64xf32, #tpu.memory_space<vmem_shared>>)
      %dma_start3A_178 = arith.constant 6 : i32
      %dma_start3A_179 = arith.constant 0 : i32
      %dma_start3A_180 = tpu.memref_slice %arg7[%dma_start3A_178, %dma_start3A_179] : memref<16x128xi32, #tpu.memory_space<vmem>> -> memref<1x128xi32, #tpu.memory_space<vmem>>
      %dma_start3A_181 = tpu.memref_squeeze %dma_start3A_180 : memref<1x128xi32, #tpu.memory_space<vmem>> -> memref<128xi32, #tpu.memory_space<vmem>>
      %dma_start3A_182 = arith.constant 0 : i32
      %dma_start3A_183 = arith.constant 0 : i32
      %dma_start3A_184 = tpu.memref_slice %arg5[%dma_start3A_182, %dma_start3A_183] : memref<10240x64xf32, #tpu.memory_space<vmem_shared>> -> memref<10240x64xf32, #tpu.memory_space<vmem_shared>>
      tpu.enqueue_indirect_dma source(%dma_start3A_184 : memref<10240x64xf32, #tpu.memory_space<vmem_shared>>) target(%arg9 : memref<128x64xf32, #tpu.memory_space<vmem>>) offsets(%dma_start3A_181 : memref<128xi32, #tpu.memory_space<vmem>>) semaphore(%arg11 : memref<!tpu.dma_semaphore, #tpu.memory_space<semaphore_mem>>)
      %dma_wait3A_185 = arith.constant 8 : i32
      %dma_wait3A_186 = arith.constant 0 : i32
      %dma_wait3A_187 = tpu.memref_slice %arg7[%dma_wait3A_185, %dma_wait3A_186] : memref<16x128xi32, #tpu.memory_space<vmem>> -> memref<1x128xi32, #tpu.memory_space<vmem>>
      %dma_wait3A_188 = tpu.memref_squeeze %dma_wait3A_187 : memref<1x128xi32, #tpu.memory_space<vmem>> -> memref<128xi32, #tpu.memory_space<vmem>>
      %dma_wait3A_189 = arith.constant 0 : i32
      %dma_wait3A_190 = arith.constant 0 : i32
      %dma_wait3A_191 = tpu.memref_slice %arg6[%dma_wait3A_189, %dma_wait3A_190] : memref<10240x64xf32, #tpu.memory_space<vmem_shared>> -> memref<10240x64xf32, #tpu.memory_space<vmem_shared>>
      tpu.wait_indirect_dma semaphore(%arg14 : memref<!tpu.dma_semaphore, #tpu.memory_space<semaphore_mem>>) src(%arg10 : memref<128x64xf32, #tpu.memory_space<vmem>>) dst(%dma_wait3A_191 : memref<10240x64xf32, #tpu.memory_space<vmem_shared>>)
      %dma_start3A_192 = arith.constant 7 : i32
      %dma_start3A_193 = arith.constant 0 : i32
      %dma_start3A_194 = tpu.memref_slice %arg7[%dma_start3A_192, %dma_start3A_193] : memref<16x128xi32, #tpu.memory_space<vmem>> -> memref<1x128xi32, #tpu.memory_space<vmem>>
      %dma_start3A_195 = tpu.memref_squeeze %dma_start3A_194 : memref<1x128xi32, #tpu.memory_space<vmem>> -> memref<128xi32, #tpu.memory_space<vmem>>
      %dma_start3A_196 = arith.constant 0 : i32
      %dma_start3A_197 = arith.constant 0 : i32
      %dma_start3A_198 = tpu.memref_slice %arg5[%dma_start3A_196, %dma_start3A_197] : memref<10240x64xf32, #tpu.memory_space<vmem_shared>> -> memref<10240x64xf32, #tpu.memory_space<vmem_shared>>
      tpu.enqueue_indirect_dma source(%dma_start3A_198 : memref<10240x64xf32, #tpu.memory_space<vmem_shared>>) target(%arg10 : memref<128x64xf32, #tpu.memory_space<vmem>>) offsets(%dma_start3A_195 : memref<128xi32, #tpu.memory_space<vmem>>) semaphore(%arg12 : memref<!tpu.dma_semaphore, #tpu.memory_space<semaphore_mem>>)
      %dma_wait3A_199 = arith.constant 0 : i32
      %dma_wait3A_200 = arith.constant 0 : i32
      %dma_wait3A_201 = tpu.memref_slice %arg7[%dma_wait3A_199, %dma_wait3A_200] : memref<16x128xi32, #tpu.memory_space<vmem>> -> memref<1x128xi32, #tpu.memory_space<vmem>>
      %dma_wait3A_202 = tpu.memref_squeeze %dma_wait3A_201 : memref<1x128xi32, #tpu.memory_space<vmem>> -> memref<128xi32, #tpu.memory_space<vmem>>
      %dma_wait3A_203 = arith.constant 0 : i32
      %dma_wait3A_204 = arith.constant 0 : i32
      %dma_wait3A_205 = tpu.memref_slice %arg5[%dma_wait3A_203, %dma_wait3A_204] : memref<10240x64xf32, #tpu.memory_space<vmem_shared>> -> memref<10240x64xf32, #tpu.memory_space<vmem_shared>>
      tpu.wait_indirect_dma semaphore(%arg11 : memref<!tpu.dma_semaphore, #tpu.memory_space<semaphore_mem>>) src(%dma_wait3A_205 : memref<10240x64xf32, #tpu.memory_space<vmem_shared>>) dst(%arg9 : memref<128x64xf32, #tpu.memory_space<vmem>>)
      %dma_start3A_206 = arith.constant 14 : i32
      %dma_start3A_207 = arith.constant 0 : i32
      %dma_start3A_208 = tpu.memref_slice %arg7[%dma_start3A_206, %dma_start3A_207] : memref<16x128xi32, #tpu.memory_space<vmem>> -> memref<1x128xi32, #tpu.memory_space<vmem>>
      %dma_start3A_209 = tpu.memref_squeeze %dma_start3A_208 : memref<1x128xi32, #tpu.memory_space<vmem>> -> memref<128xi32, #tpu.memory_space<vmem>>
      %dma_start3A_210 = arith.constant 0 : i32
      %dma_start3A_211 = arith.constant 0 : i32
      %dma_start3A_212 = tpu.memref_slice %arg6[%dma_start3A_210, %dma_start3A_211] : memref<10240x64xf32, #tpu.memory_space<vmem_shared>> -> memref<10240x64xf32, #tpu.memory_space<vmem_shared>>
      tpu.enqueue_indirect_dma source(%arg9 : memref<128x64xf32, #tpu.memory_space<vmem>>) target(%dma_start3A_212 : memref<10240x64xf32, #tpu.memory_space<vmem_shared>>) offsets(%dma_start3A_209 : memref<128xi32, #tpu.memory_space<vmem>>) semaphore(%arg13 : memref<!tpu.dma_semaphore, #tpu.memory_space<semaphore_mem>>) {add = true}
      %dma_wait3A_213 = arith.constant 0 : i32
      %dma_wait3A_214 = arith.constant 0 : i32
      %dma_wait3A_215 = tpu.memref_slice %arg7[%dma_wait3A_213, %dma_wait3A_214] : memref<16x128xi32, #tpu.memory_space<vmem>> -> memref<1x128xi32, #tpu.memory_space<vmem>>
      %dma_wait3A_216 = tpu.memref_squeeze %dma_wait3A_215 : memref<1x128xi32, #tpu.memory_space<vmem>> -> memref<128xi32, #tpu.memory_space<vmem>>
      %dma_wait3A_217 = arith.constant 0 : i32
      %dma_wait3A_218 = arith.constant 0 : i32
      %dma_wait3A_219 = tpu.memref_slice %arg5[%dma_wait3A_217, %dma_wait3A_218] : memref<10240x64xf32, #tpu.memory_space<vmem_shared>> -> memref<10240x64xf32, #tpu.memory_space<vmem_shared>>
      tpu.wait_indirect_dma semaphore(%arg12 : memref<!tpu.dma_semaphore, #tpu.memory_space<semaphore_mem>>) src(%dma_wait3A_219 : memref<10240x64xf32, #tpu.memory_space<vmem_shared>>) dst(%arg10 : memref<128x64xf32, #tpu.memory_space<vmem>>)
      %dma_start3A_220 = arith.constant 15 : i32
      %dma_start3A_221 = arith.constant 0 : i32
      %dma_start3A_222 = tpu.memref_slice %arg7[%dma_start3A_220, %dma_start3A_221] : memref<16x128xi32, #tpu.memory_space<vmem>> -> memref<1x128xi32, #tpu.memory_space<vmem>>
      %dma_start3A_223 = tpu.memref_squeeze %dma_start3A_222 : memref<1x128xi32, #tpu.memory_space<vmem>> -> memref<128xi32, #tpu.memory_space<vmem>>
      %dma_start3A_224 = arith.constant 0 : i32
      %dma_start3A_225 = arith.constant 0 : i32
      %dma_start3A_226 = tpu.memref_slice %arg6[%dma_start3A_224, %dma_start3A_225] : memref<10240x64xf32, #tpu.memory_space<vmem_shared>> -> memref<10240x64xf32, #tpu.memory_space<vmem_shared>>
      tpu.enqueue_indirect_dma source(%arg10 : memref<128x64xf32, #tpu.memory_space<vmem>>) target(%dma_start3A_226 : memref<10240x64xf32, #tpu.memory_space<vmem_shared>>) offsets(%dma_start3A_223 : memref<128xi32, #tpu.memory_space<vmem>>) semaphore(%arg14 : memref<!tpu.dma_semaphore, #tpu.memory_space<semaphore_mem>>) {add = true}
      %cond3A = arith.constant 1 : i32
      %dma_wait3A_227 = arith.constant 0 : i32
      %dma_wait3A_228 = arith.constant 0 : i32
      %dma_wait3A_229 = arith.constant 0 : i32
      %dma_wait3A_230 = tpu.memref_slice %arg3[%arg1, %dma_wait3A_227, %dma_wait3A_228, %dma_wait3A_229] : memref<16x20x16x128xi32, #tpu.memory_space<hbm>> -> memref<1x1x16x128xi32, #tpu.memory_space<hbm>>
      %dma_wait3A_231 = tpu.memref_squeeze %dma_wait3A_230 : memref<1x1x16x128xi32, #tpu.memory_space<hbm>> -> memref<16x128xi32, #tpu.memory_space<hbm>>
      %dma_wait3A_232 = arith.constant 0 : i32
      %dma_wait3A_233 = arith.constant 0 : i32
      %dma_wait3A_234 = tpu.memref_slice %arg3[%arg1, %dma_wait3A_227, %dma_wait3A_232, %dma_wait3A_233] : memref<16x20x16x128xi32, #tpu.memory_space<hbm>> -> memref<1x1x16x128xi32, #tpu.memory_space<hbm>>
      %dma_wait3A_235 = tpu.memref_squeeze %dma_wait3A_234 : memref<1x1x16x128xi32, #tpu.memory_space<hbm>> -> memref<16x128xi32, #tpu.memory_space<hbm>>
      tpu.wait_dma2 semaphore(%arg16 : memref<!tpu.dma_semaphore, #tpu.memory_space<semaphore_mem>>) src(%dma_wait3A_235 : memref<16x128xi32, #tpu.memory_space<hbm>>) dst(%arg8 : memref<16x128xi32, #tpu.memory_space<vmem>>)
      %dma_wait3A_236 = arith.constant 8 : i32
      %dma_wait3A_237 = arith.constant 0 : i32
      %dma_wait3A_238 = tpu.memref_slice %arg7[%dma_wait3A_236, %dma_wait3A_237] : memref<16x128xi32, #tpu.memory_space<vmem>> -> memref<1x128xi32, #tpu.memory_space<vmem>>
      %dma_wait3A_239 = tpu.memref_squeeze %dma_wait3A_238 : memref<1x128xi32, #tpu.memory_space<vmem>> -> memref<128xi32, #tpu.memory_space<vmem>>
      %dma_wait3A_240 = arith.constant 0 : i32
      %dma_wait3A_241 = arith.constant 0 : i32
      %dma_wait3A_242 = tpu.memref_slice %arg6[%dma_wait3A_240, %dma_wait3A_241] : memref<10240x64xf32, #tpu.memory_space<vmem_shared>> -> memref<10240x64xf32, #tpu.memory_space<vmem_shared>>
      tpu.wait_indirect_dma semaphore(%arg13 : memref<!tpu.dma_semaphore, #tpu.memory_space<semaphore_mem>>) src(%arg9 : memref<128x64xf32, #tpu.memory_space<vmem>>) dst(%dma_wait3A_242 : memref<10240x64xf32, #tpu.memory_space<vmem_shared>>)
      %dma_start3A_243 = arith.constant 0 : i32
      %dma_start3A_244 = arith.constant 0 : i32
      %dma_start3A_245 = tpu.memref_slice %arg8[%dma_start3A_243, %dma_start3A_244] : memref<16x128xi32, #tpu.memory_space<vmem>> -> memref<1x128xi32, #tpu.memory_space<vmem>>
      %dma_start3A_246 = tpu.memref_squeeze %dma_start3A_245 : memref<1x128xi32, #tpu.memory_space<vmem>> -> memref<128xi32, #tpu.memory_space<vmem>>
      %dma_start3A_247 = arith.constant 0 : i32
      %dma_start3A_248 = arith.constant 0 : i32
      %dma_start3A_249 = tpu.memref_slice %arg5[%dma_start3A_247, %dma_start3A_248] : memref<10240x64xf32, #tpu.memory_space<vmem_shared>> -> memref<10240x64xf32, #tpu.memory_space<vmem_shared>>
      tpu.enqueue_indirect_dma source(%dma_start3A_249 : memref<10240x64xf32, #tpu.memory_space<vmem_shared>>) target(%arg9 : memref<128x64xf32, #tpu.memory_space<vmem>>) offsets(%dma_start3A_246 : memref<128xi32, #tpu.memory_space<vmem>>) semaphore(%arg11 : memref<!tpu.dma_semaphore, #tpu.memory_space<semaphore_mem>>)
      %dma_wait3A_250 = arith.constant 8 : i32
      %dma_wait3A_251 = arith.constant 0 : i32
      %dma_wait3A_252 = tpu.memref_slice %arg7[%dma_wait3A_250, %dma_wait3A_251] : memref<16x128xi32, #tpu.memory_space<vmem>> -> memref<1x128xi32, #tpu.memory_space<vmem>>
      %dma_wait3A_253 = tpu.memref_squeeze %dma_wait3A_252 : memref<1x128xi32, #tpu.memory_space<vmem>> -> memref<128xi32, #tpu.memory_space<vmem>>
      %dma_wait3A_254 = arith.constant 0 : i32
      %dma_wait3A_255 = arith.constant 0 : i32
      %dma_wait3A_256 = tpu.memref_slice %arg6[%dma_wait3A_254, %dma_wait3A_255] : memref<10240x64xf32, #tpu.memory_space<vmem_shared>> -> memref<10240x64xf32, #tpu.memory_space<vmem_shared>>
      tpu.wait_indirect_dma semaphore(%arg14 : memref<!tpu.dma_semaphore, #tpu.memory_space<semaphore_mem>>) src(%arg10 : memref<128x64xf32, #tpu.memory_space<vmem>>) dst(%dma_wait3A_256 : memref<10240x64xf32, #tpu.memory_space<vmem_shared>>)
      %dma_start3A_257 = arith.constant 1 : i32
      %dma_start3A_258 = arith.constant 0 : i32
      %dma_start3A_259 = tpu.memref_slice %arg8[%dma_start3A_257, %dma_start3A_258] : memref<16x128xi32, #tpu.memory_space<vmem>> -> memref<1x128xi32, #tpu.memory_space<vmem>>
      %dma_start3A_260 = tpu.memref_squeeze %dma_start3A_259 : memref<1x128xi32, #tpu.memory_space<vmem>> -> memref<128xi32, #tpu.memory_space<vmem>>
      %dma_start3A_261 = arith.constant 0 : i32
      %dma_start3A_262 = arith.constant 0 : i32
      %dma_start3A_263 = tpu.memref_slice %arg5[%dma_start3A_261, %dma_start3A_262] : memref<10240x64xf32, #tpu.memory_space<vmem_shared>> -> memref<10240x64xf32, #tpu.memory_space<vmem_shared>>
      tpu.enqueue_indirect_dma source(%dma_start3A_263 : memref<10240x64xf32, #tpu.memory_space<vmem_shared>>) target(%arg10 : memref<128x64xf32, #tpu.memory_space<vmem>>) offsets(%dma_start3A_260 : memref<128xi32, #tpu.memory_space<vmem>>) semaphore(%arg12 : memref<!tpu.dma_semaphore, #tpu.memory_space<semaphore_mem>>)
      %not3A = arith.constant true
      %not3A_264 = arith.constant true
      %not3A_265 = arith.xori %not3A, %not3A_264 : i1
      %convert_element_type3A = arith.extui %not3A_265 : i1 to i32
      %cond3A_266 = arith.constant 0 : i32
      %cond3A_267 = arith.cmpi ne, %convert_element_type3A, %cond3A_266 : i32
      scf.if %cond3A_267 {
        %dma_wait3A_488 = arith.constant 8 : i32
        %dma_wait3A_489 = arith.constant 0 : i32
        %dma_wait3A_490 = tpu.memref_slice %arg7[%dma_wait3A_488, %dma_wait3A_489] : memref<16x128xi32, #tpu.memory_space<vmem>> -> memref<1x128xi32, #tpu.memory_space<vmem>>
        %dma_wait3A_491 = tpu.memref_squeeze %dma_wait3A_490 : memref<1x128xi32, #tpu.memory_space<vmem>> -> memref<128xi32, #tpu.memory_space<vmem>>
        %dma_wait3A_492 = arith.constant 0 : i32
        %dma_wait3A_493 = arith.constant 0 : i32
        %dma_wait3A_494 = tpu.memref_slice %arg6[%dma_wait3A_492, %dma_wait3A_493] : memref<10240x64xf32, #tpu.memory_space<vmem_shared>> -> memref<10240x64xf32, #tpu.memory_space<vmem_shared>>
        tpu.wait_indirect_dma semaphore(%arg13 : memref<!tpu.dma_semaphore, #tpu.memory_space<semaphore_mem>>) src(%arg9 : memref<128x64xf32, #tpu.memory_space<vmem>>) dst(%dma_wait3A_494 : memref<10240x64xf32, #tpu.memory_space<vmem_shared>>)
        %dma_wait3A_495 = arith.constant 8 : i32
        %dma_wait3A_496 = arith.constant 0 : i32
        %dma_wait3A_497 = tpu.memref_slice %arg7[%dma_wait3A_495, %dma_wait3A_496] : memref<16x128xi32, #tpu.memory_space<vmem>> -> memref<1x128xi32, #tpu.memory_space<vmem>>
        %dma_wait3A_498 = tpu.memref_squeeze %dma_wait3A_497 : memref<1x128xi32, #tpu.memory_space<vmem>> -> memref<128xi32, #tpu.memory_space<vmem>>
        %dma_wait3A_499 = arith.constant 0 : i32
        %dma_wait3A_500 = arith.constant 0 : i32
        %dma_wait3A_501 = tpu.memref_slice %arg6[%dma_wait3A_499, %dma_wait3A_500] : memref<10240x64xf32, #tpu.memory_space<vmem_shared>> -> memref<10240x64xf32, #tpu.memory_space<vmem_shared>>
        tpu.wait_indirect_dma semaphore(%arg14 : memref<!tpu.dma_semaphore, #tpu.memory_space<semaphore_mem>>) src(%arg10 : memref<128x64xf32, #tpu.memory_space<vmem>>) dst(%dma_wait3A_501 : memref<10240x64xf32, #tpu.memory_space<vmem_shared>>)
      } else {
      }
      %add3A = arith.constant 2 : i32
      %add3A_268 = arith.addi %mul3A_31, %add3A : i32
      %lt3A = arith.constant 20 : i32
      %lt3A_269 = arith.cmpi slt, %add3A_268, %lt3A : i32
      %convert_element_type3A_270 = arith.extui %lt3A_269 : i1 to i32
      %cond3A_271 = arith.constant 0 : i32
      %cond3A_272 = arith.cmpi ne, %convert_element_type3A_270, %cond3A_271 : i32
      scf.if %cond3A_272 {
        %add3A_488 = arith.constant 2 : i32
        %add3A_489 = arith.addi %mul3A_31, %add3A_488 : i32
        %dma_start3A_490 = arith.constant 0 : i32
        %dma_start3A_491 = arith.constant 0 : i32
        %dma_start3A_492 = tpu.memref_slice %arg3[%arg1, %add3A_489, %dma_start3A_490, %dma_start3A_491] : memref<16x20x16x128xi32, #tpu.memory_space<hbm>> -> memref<1x1x16x128xi32, #tpu.memory_space<hbm>>
        %dma_start3A_493 = tpu.memref_squeeze %dma_start3A_492 : memref<1x1x16x128xi32, #tpu.memory_space<hbm>> -> memref<16x128xi32, #tpu.memory_space<hbm>>
        %dma_start3A_494 = arith.constant 0 : i32
        %dma_start3A_495 = arith.constant 0 : i32
        %dma_start3A_496 = tpu.memref_slice %arg3[%arg1, %add3A_489, %dma_start3A_494, %dma_start3A_495] : memref<16x20x16x128xi32, #tpu.memory_space<hbm>> -> memref<1x1x16x128xi32, #tpu.memory_space<hbm>>
        %dma_start3A_497 = tpu.memref_squeeze %dma_start3A_496 : memref<1x1x16x128xi32, #tpu.memory_space<hbm>> -> memref<16x128xi32, #tpu.memory_space<hbm>>
        tpu.enqueue_dma source(%dma_start3A_497 : memref<16x128xi32, #tpu.memory_space<hbm>>) target(%arg7 : memref<16x128xi32, #tpu.memory_space<vmem>>) target_semaphore(%arg15 : memref<!tpu.dma_semaphore, #tpu.memory_space<semaphore_mem>>)
      } else {
      }
      %add3A_273 = arith.constant 2 : i32
      %add3A_274 = arith.addi %mul3A_31, %add3A_273 : i32
      %lt3A_275 = arith.constant 20 : i32
      %lt3A_276 = arith.cmpi slt, %add3A_274, %lt3A_275 : i32
      %dma_wait3A_277 = arith.constant 0 : i32
      %dma_wait3A_278 = arith.constant 0 : i32
      %dma_wait3A_279 = tpu.memref_slice %arg8[%dma_wait3A_277, %dma_wait3A_278] : memref<16x128xi32, #tpu.memory_space<vmem>> -> memref<1x128xi32, #tpu.memory_space<vmem>>
      %dma_wait3A_280 = tpu.memref_squeeze %dma_wait3A_279 : memref<1x128xi32, #tpu.memory_space<vmem>> -> memref<128xi32, #tpu.memory_space<vmem>>
      %dma_wait3A_281 = arith.constant 0 : i32
      %dma_wait3A_282 = arith.constant 0 : i32
      %dma_wait3A_283 = tpu.memref_slice %arg5[%dma_wait3A_281, %dma_wait3A_282] : memref<10240x64xf32, #tpu.memory_space<vmem_shared>> -> memref<10240x64xf32, #tpu.memory_space<vmem_shared>>
      tpu.wait_indirect_dma semaphore(%arg11 : memref<!tpu.dma_semaphore, #tpu.memory_space<semaphore_mem>>) src(%dma_wait3A_283 : memref<10240x64xf32, #tpu.memory_space<vmem_shared>>) dst(%arg9 : memref<128x64xf32, #tpu.memory_space<vmem>>)
      %dma_start3A_284 = arith.constant 8 : i32
      %dma_start3A_285 = arith.constant 0 : i32
      %dma_start3A_286 = tpu.memref_slice %arg8[%dma_start3A_284, %dma_start3A_285] : memref<16x128xi32, #tpu.memory_space<vmem>> -> memref<1x128xi32, #tpu.memory_space<vmem>>
      %dma_start3A_287 = tpu.memref_squeeze %dma_start3A_286 : memref<1x128xi32, #tpu.memory_space<vmem>> -> memref<128xi32, #tpu.memory_space<vmem>>
      %dma_start3A_288 = arith.constant 0 : i32
      %dma_start3A_289 = arith.constant 0 : i32
      %dma_start3A_290 = tpu.memref_slice %arg6[%dma_start3A_288, %dma_start3A_289] : memref<10240x64xf32, #tpu.memory_space<vmem_shared>> -> memref<10240x64xf32, #tpu.memory_space<vmem_shared>>
      tpu.enqueue_indirect_dma source(%arg9 : memref<128x64xf32, #tpu.memory_space<vmem>>) target(%dma_start3A_290 : memref<10240x64xf32, #tpu.memory_space<vmem_shared>>) offsets(%dma_start3A_287 : memref<128xi32, #tpu.memory_space<vmem>>) semaphore(%arg13 : memref<!tpu.dma_semaphore, #tpu.memory_space<semaphore_mem>>) {add = true}
      %dma_wait3A_291 = arith.constant 0 : i32
      %dma_wait3A_292 = arith.constant 0 : i32
      %dma_wait3A_293 = tpu.memref_slice %arg8[%dma_wait3A_291, %dma_wait3A_292] : memref<16x128xi32, #tpu.memory_space<vmem>> -> memref<1x128xi32, #tpu.memory_space<vmem>>
      %dma_wait3A_294 = tpu.memref_squeeze %dma_wait3A_293 : memref<1x128xi32, #tpu.memory_space<vmem>> -> memref<128xi32, #tpu.memory_space<vmem>>
      %dma_wait3A_295 = arith.constant 0 : i32
      %dma_wait3A_296 = arith.constant 0 : i32
      %dma_wait3A_297 = tpu.memref_slice %arg5[%dma_wait3A_295, %dma_wait3A_296] : memref<10240x64xf32, #tpu.memory_space<vmem_shared>> -> memref<10240x64xf32, #tpu.memory_space<vmem_shared>>
      tpu.wait_indirect_dma semaphore(%arg12 : memref<!tpu.dma_semaphore, #tpu.memory_space<semaphore_mem>>) src(%dma_wait3A_297 : memref<10240x64xf32, #tpu.memory_space<vmem_shared>>) dst(%arg10 : memref<128x64xf32, #tpu.memory_space<vmem>>)
      %dma_start3A_298 = arith.constant 9 : i32
      %dma_start3A_299 = arith.constant 0 : i32
      %dma_start3A_300 = tpu.memref_slice %arg8[%dma_start3A_298, %dma_start3A_299] : memref<16x128xi32, #tpu.memory_space<vmem>> -> memref<1x128xi32, #tpu.memory_space<vmem>>
      %dma_start3A_301 = tpu.memref_squeeze %dma_start3A_300 : memref<1x128xi32, #tpu.memory_space<vmem>> -> memref<128xi32, #tpu.memory_space<vmem>>
      %dma_start3A_302 = arith.constant 0 : i32
      %dma_start3A_303 = arith.constant 0 : i32
      %dma_start3A_304 = tpu.memref_slice %arg6[%dma_start3A_302, %dma_start3A_303] : memref<10240x64xf32, #tpu.memory_space<vmem_shared>> -> memref<10240x64xf32, #tpu.memory_space<vmem_shared>>
      tpu.enqueue_indirect_dma source(%arg10 : memref<128x64xf32, #tpu.memory_space<vmem>>) target(%dma_start3A_304 : memref<10240x64xf32, #tpu.memory_space<vmem_shared>>) offsets(%dma_start3A_301 : memref<128xi32, #tpu.memory_space<vmem>>) semaphore(%arg14 : memref<!tpu.dma_semaphore, #tpu.memory_space<semaphore_mem>>) {add = true}
      %dma_wait3A_305 = arith.constant 8 : i32
      %dma_wait3A_306 = arith.constant 0 : i32
      %dma_wait3A_307 = tpu.memref_slice %arg8[%dma_wait3A_305, %dma_wait3A_306] : memref<16x128xi32, #tpu.memory_space<vmem>> -> memref<1x128xi32, #tpu.memory_space<vmem>>
      %dma_wait3A_308 = tpu.memref_squeeze %dma_wait3A_307 : memref<1x128xi32, #tpu.memory_space<vmem>> -> memref<128xi32, #tpu.memory_space<vmem>>
      %dma_wait3A_309 = arith.constant 0 : i32
      %dma_wait3A_310 = arith.constant 0 : i32
      %dma_wait3A_311 = tpu.memref_slice %arg6[%dma_wait3A_309, %dma_wait3A_310] : memref<10240x64xf32, #tpu.memory_space<vmem_shared>> -> memref<10240x64xf32, #tpu.memory_space<vmem_shared>>
      tpu.wait_indirect_dma semaphore(%arg13 : memref<!tpu.dma_semaphore, #tpu.memory_space<semaphore_mem>>) src(%arg9 : memref<128x64xf32, #tpu.memory_space<vmem>>) dst(%dma_wait3A_311 : memref<10240x64xf32, #tpu.memory_space<vmem_shared>>)
      %dma_start3A_312 = arith.constant 2 : i32
      %dma_start3A_313 = arith.constant 0 : i32
      %dma_start3A_314 = tpu.memref_slice %arg8[%dma_start3A_312, %dma_start3A_313] : memref<16x128xi32, #tpu.memory_space<vmem>> -> memref<1x128xi32, #tpu.memory_space<vmem>>
      %dma_start3A_315 = tpu.memref_squeeze %dma_start3A_314 : memref<1x128xi32, #tpu.memory_space<vmem>> -> memref<128xi32, #tpu.memory_space<vmem>>
      %dma_start3A_316 = arith.constant 0 : i32
      %dma_start3A_317 = arith.constant 0 : i32
      %dma_start3A_318 = tpu.memref_slice %arg5[%dma_start3A_316, %dma_start3A_317] : memref<10240x64xf32, #tpu.memory_space<vmem_shared>> -> memref<10240x64xf32, #tpu.memory_space<vmem_shared>>
      tpu.enqueue_indirect_dma source(%dma_start3A_318 : memref<10240x64xf32, #tpu.memory_space<vmem_shared>>) target(%arg9 : memref<128x64xf32, #tpu.memory_space<vmem>>) offsets(%dma_start3A_315 : memref<128xi32, #tpu.memory_space<vmem>>) semaphore(%arg11 : memref<!tpu.dma_semaphore, #tpu.memory_space<semaphore_mem>>)
      %dma_wait3A_319 = arith.constant 8 : i32
      %dma_wait3A_320 = arith.constant 0 : i32
      %dma_wait3A_321 = tpu.memref_slice %arg8[%dma_wait3A_319, %dma_wait3A_320] : memref<16x128xi32, #tpu.memory_space<vmem>> -> memref<1x128xi32, #tpu.memory_space<vmem>>
      %dma_wait3A_322 = tpu.memref_squeeze %dma_wait3A_321 : memref<1x128xi32, #tpu.memory_space<vmem>> -> memref<128xi32, #tpu.memory_space<vmem>>
      %dma_wait3A_323 = arith.constant 0 : i32
      %dma_wait3A_324 = arith.constant 0 : i32
      %dma_wait3A_325 = tpu.memref_slice %arg6[%dma_wait3A_323, %dma_wait3A_324] : memref<10240x64xf32, #tpu.memory_space<vmem_shared>> -> memref<10240x64xf32, #tpu.memory_space<vmem_shared>>
      tpu.wait_indirect_dma semaphore(%arg14 : memref<!tpu.dma_semaphore, #tpu.memory_space<semaphore_mem>>) src(%arg10 : memref<128x64xf32, #tpu.memory_space<vmem>>) dst(%dma_wait3A_325 : memref<10240x64xf32, #tpu.memory_space<vmem_shared>>)
      %dma_start3A_326 = arith.constant 3 : i32
      %dma_start3A_327 = arith.constant 0 : i32
      %dma_start3A_328 = tpu.memref_slice %arg8[%dma_start3A_326, %dma_start3A_327] : memref<16x128xi32, #tpu.memory_space<vmem>> -> memref<1x128xi32, #tpu.memory_space<vmem>>
      %dma_start3A_329 = tpu.memref_squeeze %dma_start3A_328 : memref<1x128xi32, #tpu.memory_space<vmem>> -> memref<128xi32, #tpu.memory_space<vmem>>
      %dma_start3A_330 = arith.constant 0 : i32
      %dma_start3A_331 = arith.constant 0 : i32
      %dma_start3A_332 = tpu.memref_slice %arg5[%dma_start3A_330, %dma_start3A_331] : memref<10240x64xf32, #tpu.memory_space<vmem_shared>> -> memref<10240x64xf32, #tpu.memory_space<vmem_shared>>
      tpu.enqueue_indirect_dma source(%dma_start3A_332 : memref<10240x64xf32, #tpu.memory_space<vmem_shared>>) target(%arg10 : memref<128x64xf32, #tpu.memory_space<vmem>>) offsets(%dma_start3A_329 : memref<128xi32, #tpu.memory_space<vmem>>) semaphore(%arg12 : memref<!tpu.dma_semaphore, #tpu.memory_space<semaphore_mem>>)
      %dma_wait3A_333 = arith.constant 0 : i32
      %dma_wait3A_334 = arith.constant 0 : i32
      %dma_wait3A_335 = tpu.memref_slice %arg8[%dma_wait3A_333, %dma_wait3A_334] : memref<16x128xi32, #tpu.memory_space<vmem>> -> memref<1x128xi32, #tpu.memory_space<vmem>>
      %dma_wait3A_336 = tpu.memref_squeeze %dma_wait3A_335 : memref<1x128xi32, #tpu.memory_space<vmem>> -> memref<128xi32, #tpu.memory_space<vmem>>
      %dma_wait3A_337 = arith.constant 0 : i32
      %dma_wait3A_338 = arith.constant 0 : i32
      %dma_wait3A_339 = tpu.memref_slice %arg5[%dma_wait3A_337, %dma_wait3A_338] : memref<10240x64xf32, #tpu.memory_space<vmem_shared>> -> memref<10240x64xf32, #tpu.memory_space<vmem_shared>>
      tpu.wait_indirect_dma semaphore(%arg11 : memref<!tpu.dma_semaphore, #tpu.memory_space<semaphore_mem>>) src(%dma_wait3A_339 : memref<10240x64xf32, #tpu.memory_space<vmem_shared>>) dst(%arg9 : memref<128x64xf32, #tpu.memory_space<vmem>>)
      %dma_start3A_340 = arith.constant 10 : i32
      %dma_start3A_341 = arith.constant 0 : i32
      %dma_start3A_342 = tpu.memref_slice %arg8[%dma_start3A_340, %dma_start3A_341] : memref<16x128xi32, #tpu.memory_space<vmem>> -> memref<1x128xi32, #tpu.memory_space<vmem>>
      %dma_start3A_343 = tpu.memref_squeeze %dma_start3A_342 : memref<1x128xi32, #tpu.memory_space<vmem>> -> memref<128xi32, #tpu.memory_space<vmem>>
      %dma_start3A_344 = arith.constant 0 : i32
      %dma_start3A_345 = arith.constant 0 : i32
      %dma_start3A_346 = tpu.memref_slice %arg6[%dma_start3A_344, %dma_start3A_345] : memref<10240x64xf32, #tpu.memory_space<vmem_shared>> -> memref<10240x64xf32, #tpu.memory_space<vmem_shared>>
      tpu.enqueue_indirect_dma source(%arg9 : memref<128x64xf32, #tpu.memory_space<vmem>>) target(%dma_start3A_346 : memref<10240x64xf32, #tpu.memory_space<vmem_shared>>) offsets(%dma_start3A_343 : memref<128xi32, #tpu.memory_space<vmem>>) semaphore(%arg13 : memref<!tpu.dma_semaphore, #tpu.memory_space<semaphore_mem>>) {add = true}
      %dma_wait3A_347 = arith.constant 0 : i32
      %dma_wait3A_348 = arith.constant 0 : i32
      %dma_wait3A_349 = tpu.memref_slice %arg8[%dma_wait3A_347, %dma_wait3A_348] : memref<16x128xi32, #tpu.memory_space<vmem>> -> memref<1x128xi32, #tpu.memory_space<vmem>>
      %dma_wait3A_350 = tpu.memref_squeeze %dma_wait3A_349 : memref<1x128xi32, #tpu.memory_space<vmem>> -> memref<128xi32, #tpu.memory_space<vmem>>
      %dma_wait3A_351 = arith.constant 0 : i32
      %dma_wait3A_352 = arith.constant 0 : i32
      %dma_wait3A_353 = tpu.memref_slice %arg5[%dma_wait3A_351, %dma_wait3A_352] : memref<10240x64xf32, #tpu.memory_space<vmem_shared>> -> memref<10240x64xf32, #tpu.memory_space<vmem_shared>>
      tpu.wait_indirect_dma semaphore(%arg12 : memref<!tpu.dma_semaphore, #tpu.memory_space<semaphore_mem>>) src(%dma_wait3A_353 : memref<10240x64xf32, #tpu.memory_space<vmem_shared>>) dst(%arg10 : memref<128x64xf32, #tpu.memory_space<vmem>>)
      %dma_start3A_354 = arith.constant 11 : i32
      %dma_start3A_355 = arith.constant 0 : i32
      %dma_start3A_356 = tpu.memref_slice %arg8[%dma_start3A_354, %dma_start3A_355] : memref<16x128xi32, #tpu.memory_space<vmem>> -> memref<1x128xi32, #tpu.memory_space<vmem>>
      %dma_start3A_357 = tpu.memref_squeeze %dma_start3A_356 : memref<1x128xi32, #tpu.memory_space<vmem>> -> memref<128xi32, #tpu.memory_space<vmem>>
      %dma_start3A_358 = arith.constant 0 : i32
      %dma_start3A_359 = arith.constant 0 : i32
      %dma_start3A_360 = tpu.memref_slice %arg6[%dma_start3A_358, %dma_start3A_359] : memref<10240x64xf32, #tpu.memory_space<vmem_shared>> -> memref<10240x64xf32, #tpu.memory_space<vmem_shared>>
      tpu.enqueue_indirect_dma source(%arg10 : memref<128x64xf32, #tpu.memory_space<vmem>>) target(%dma_start3A_360 : memref<10240x64xf32, #tpu.memory_space<vmem_shared>>) offsets(%dma_start3A_357 : memref<128xi32, #tpu.memory_space<vmem>>) semaphore(%arg14 : memref<!tpu.dma_semaphore, #tpu.memory_space<semaphore_mem>>) {add = true}
      %dma_wait3A_361 = arith.constant 8 : i32
      %dma_wait3A_362 = arith.constant 0 : i32
      %dma_wait3A_363 = tpu.memref_slice %arg8[%dma_wait3A_361, %dma_wait3A_362] : memref<16x128xi32, #tpu.memory_space<vmem>> -> memref<1x128xi32, #tpu.memory_space<vmem>>
      %dma_wait3A_364 = tpu.memref_squeeze %dma_wait3A_363 : memref<1x128xi32, #tpu.memory_space<vmem>> -> memref<128xi32, #tpu.memory_space<vmem>>
      %dma_wait3A_365 = arith.constant 0 : i32
      %dma_wait3A_366 = arith.constant 0 : i32
      %dma_wait3A_367 = tpu.memref_slice %arg6[%dma_wait3A_365, %dma_wait3A_366] : memref<10240x64xf32, #tpu.memory_space<vmem_shared>> -> memref<10240x64xf32, #tpu.memory_space<vmem_shared>>
      tpu.wait_indirect_dma semaphore(%arg13 : memref<!tpu.dma_semaphore, #tpu.memory_space<semaphore_mem>>) src(%arg9 : memref<128x64xf32, #tpu.memory_space<vmem>>) dst(%dma_wait3A_367 : memref<10240x64xf32, #tpu.memory_space<vmem_shared>>)
      %dma_start3A_368 = arith.constant 4 : i32
      %dma_start3A_369 = arith.constant 0 : i32
      %dma_start3A_370 = tpu.memref_slice %arg8[%dma_start3A_368, %dma_start3A_369] : memref<16x128xi32, #tpu.memory_space<vmem>> -> memref<1x128xi32, #tpu.memory_space<vmem>>
      %dma_start3A_371 = tpu.memref_squeeze %dma_start3A_370 : memref<1x128xi32, #tpu.memory_space<vmem>> -> memref<128xi32, #tpu.memory_space<vmem>>
      %dma_start3A_372 = arith.constant 0 : i32
      %dma_start3A_373 = arith.constant 0 : i32
      %dma_start3A_374 = tpu.memref_slice %arg5[%dma_start3A_372, %dma_start3A_373] : memref<10240x64xf32, #tpu.memory_space<vmem_shared>> -> memref<10240x64xf32, #tpu.memory_space<vmem_shared>>
      tpu.enqueue_indirect_dma source(%dma_start3A_374 : memref<10240x64xf32, #tpu.memory_space<vmem_shared>>) target(%arg9 : memref<128x64xf32, #tpu.memory_space<vmem>>) offsets(%dma_start3A_371 : memref<128xi32, #tpu.memory_space<vmem>>) semaphore(%arg11 : memref<!tpu.dma_semaphore, #tpu.memory_space<semaphore_mem>>)
      %dma_wait3A_375 = arith.constant 8 : i32
      %dma_wait3A_376 = arith.constant 0 : i32
      %dma_wait3A_377 = tpu.memref_slice %arg8[%dma_wait3A_375, %dma_wait3A_376] : memref<16x128xi32, #tpu.memory_space<vmem>> -> memref<1x128xi32, #tpu.memory_space<vmem>>
      %dma_wait3A_378 = tpu.memref_squeeze %dma_wait3A_377 : memref<1x128xi32, #tpu.memory_space<vmem>> -> memref<128xi32, #tpu.memory_space<vmem>>
      %dma_wait3A_379 = arith.constant 0 : i32
      %dma_wait3A_380 = arith.constant 0 : i32
      %dma_wait3A_381 = tpu.memref_slice %arg6[%dma_wait3A_379, %dma_wait3A_380] : memref<10240x64xf32, #tpu.memory_space<vmem_shared>> -> memref<10240x64xf32, #tpu.memory_space<vmem_shared>>
      tpu.wait_indirect_dma semaphore(%arg14 : memref<!tpu.dma_semaphore, #tpu.memory_space<semaphore_mem>>) src(%arg10 : memref<128x64xf32, #tpu.memory_space<vmem>>) dst(%dma_wait3A_381 : memref<10240x64xf32, #tpu.memory_space<vmem_shared>>)
      %dma_start3A_382 = arith.constant 5 : i32
      %dma_start3A_383 = arith.constant 0 : i32
      %dma_start3A_384 = tpu.memref_slice %arg8[%dma_start3A_382, %dma_start3A_383] : memref<16x128xi32, #tpu.memory_space<vmem>> -> memref<1x128xi32, #tpu.memory_space<vmem>>
      %dma_start3A_385 = tpu.memref_squeeze %dma_start3A_384 : memref<1x128xi32, #tpu.memory_space<vmem>> -> memref<128xi32, #tpu.memory_space<vmem>>
      %dma_start3A_386 = arith.constant 0 : i32
      %dma_start3A_387 = arith.constant 0 : i32
      %dma_start3A_388 = tpu.memref_slice %arg5[%dma_start3A_386, %dma_start3A_387] : memref<10240x64xf32, #tpu.memory_space<vmem_shared>> -> memref<10240x64xf32, #tpu.memory_space<vmem_shared>>
      tpu.enqueue_indirect_dma source(%dma_start3A_388 : memref<10240x64xf32, #tpu.memory_space<vmem_shared>>) target(%arg10 : memref<128x64xf32, #tpu.memory_space<vmem>>) offsets(%dma_start3A_385 : memref<128xi32, #tpu.memory_space<vmem>>) semaphore(%arg12 : memref<!tpu.dma_semaphore, #tpu.memory_space<semaphore_mem>>)
      %dma_wait3A_389 = arith.constant 0 : i32
      %dma_wait3A_390 = arith.constant 0 : i32
      %dma_wait3A_391 = tpu.memref_slice %arg8[%dma_wait3A_389, %dma_wait3A_390] : memref<16x128xi32, #tpu.memory_space<vmem>> -> memref<1x128xi32, #tpu.memory_space<vmem>>
      %dma_wait3A_392 = tpu.memref_squeeze %dma_wait3A_391 : memref<1x128xi32, #tpu.memory_space<vmem>> -> memref<128xi32, #tpu.memory_space<vmem>>
      %dma_wait3A_393 = arith.constant 0 : i32
      %dma_wait3A_394 = arith.constant 0 : i32
      %dma_wait3A_395 = tpu.memref_slice %arg5[%dma_wait3A_393, %dma_wait3A_394] : memref<10240x64xf32, #tpu.memory_space<vmem_shared>> -> memref<10240x64xf32, #tpu.memory_space<vmem_shared>>
      tpu.wait_indirect_dma semaphore(%arg11 : memref<!tpu.dma_semaphore, #tpu.memory_space<semaphore_mem>>) src(%dma_wait3A_395 : memref<10240x64xf32, #tpu.memory_space<vmem_shared>>) dst(%arg9 : memref<128x64xf32, #tpu.memory_space<vmem>>)
      %dma_start3A_396 = arith.constant 12 : i32
      %dma_start3A_397 = arith.constant 0 : i32
      %dma_start3A_398 = tpu.memref_slice %arg8[%dma_start3A_396, %dma_start3A_397] : memref<16x128xi32, #tpu.memory_space<vmem>> -> memref<1x128xi32, #tpu.memory_space<vmem>>
      %dma_start3A_399 = tpu.memref_squeeze %dma_start3A_398 : memref<1x128xi32, #tpu.memory_space<vmem>> -> memref<128xi32, #tpu.memory_space<vmem>>
      %dma_start3A_400 = arith.constant 0 : i32
      %dma_start3A_401 = arith.constant 0 : i32
      %dma_start3A_402 = tpu.memref_slice %arg6[%dma_start3A_400, %dma_start3A_401] : memref<10240x64xf32, #tpu.memory_space<vmem_shared>> -> memref<10240x64xf32, #tpu.memory_space<vmem_shared>>
      tpu.enqueue_indirect_dma source(%arg9 : memref<128x64xf32, #tpu.memory_space<vmem>>) target(%dma_start3A_402 : memref<10240x64xf32, #tpu.memory_space<vmem_shared>>) offsets(%dma_start3A_399 : memref<128xi32, #tpu.memory_space<vmem>>) semaphore(%arg13 : memref<!tpu.dma_semaphore, #tpu.memory_space<semaphore_mem>>) {add = true}
      %dma_wait3A_403 = arith.constant 0 : i32
      %dma_wait3A_404 = arith.constant 0 : i32
      %dma_wait3A_405 = tpu.memref_slice %arg8[%dma_wait3A_403, %dma_wait3A_404] : memref<16x128xi32, #tpu.memory_space<vmem>> -> memref<1x128xi32, #tpu.memory_space<vmem>>
      %dma_wait3A_406 = tpu.memref_squeeze %dma_wait3A_405 : memref<1x128xi32, #tpu.memory_space<vmem>> -> memref<128xi32, #tpu.memory_space<vmem>>
      %dma_wait3A_407 = arith.constant 0 : i32
      %dma_wait3A_408 = arith.constant 0 : i32
      %dma_wait3A_409 = tpu.memref_slice %arg5[%dma_wait3A_407, %dma_wait3A_408] : memref<10240x64xf32, #tpu.memory_space<vmem_shared>> -> memref<10240x64xf32, #tpu.memory_space<vmem_shared>>
      tpu.wait_indirect_dma semaphore(%arg12 : memref<!tpu.dma_semaphore, #tpu.memory_space<semaphore_mem>>) src(%dma_wait3A_409 : memref<10240x64xf32, #tpu.memory_space<vmem_shared>>) dst(%arg10 : memref<128x64xf32, #tpu.memory_space<vmem>>)
      %dma_start3A_410 = arith.constant 13 : i32
      %dma_start3A_411 = arith.constant 0 : i32
      %dma_start3A_412 = tpu.memref_slice %arg8[%dma_start3A_410, %dma_start3A_411] : memref<16x128xi32, #tpu.memory_space<vmem>> -> memref<1x128xi32, #tpu.memory_space<vmem>>
      %dma_start3A_413 = tpu.memref_squeeze %dma_start3A_412 : memref<1x128xi32, #tpu.memory_space<vmem>> -> memref<128xi32, #tpu.memory_space<vmem>>
      %dma_start3A_414 = arith.constant 0 : i32
      %dma_start3A_415 = arith.constant 0 : i32
      %dma_start3A_416 = tpu.memref_slice %arg6[%dma_start3A_414, %dma_start3A_415] : memref<10240x64xf32, #tpu.memory_space<vmem_shared>> -> memref<10240x64xf32, #tpu.memory_space<vmem_shared>>
      tpu.enqueue_indirect_dma source(%arg10 : memref<128x64xf32, #tpu.memory_space<vmem>>) target(%dma_start3A_416 : memref<10240x64xf32, #tpu.memory_space<vmem_shared>>) offsets(%dma_start3A_413 : memref<128xi32, #tpu.memory_space<vmem>>) semaphore(%arg14 : memref<!tpu.dma_semaphore, #tpu.memory_space<semaphore_mem>>) {add = true}
      %dma_wait3A_417 = arith.constant 8 : i32
      %dma_wait3A_418 = arith.constant 0 : i32
      %dma_wait3A_419 = tpu.memref_slice %arg8[%dma_wait3A_417, %dma_wait3A_418] : memref<16x128xi32, #tpu.memory_space<vmem>> -> memref<1x128xi32, #tpu.memory_space<vmem>>
      %dma_wait3A_420 = tpu.memref_squeeze %dma_wait3A_419 : memref<1x128xi32, #tpu.memory_space<vmem>> -> memref<128xi32, #tpu.memory_space<vmem>>
      %dma_wait3A_421 = arith.constant 0 : i32
      %dma_wait3A_422 = arith.constant 0 : i32
      %dma_wait3A_423 = tpu.memref_slice %arg6[%dma_wait3A_421, %dma_wait3A_422] : memref<10240x64xf32, #tpu.memory_space<vmem_shared>> -> memref<10240x64xf32, #tpu.memory_space<vmem_shared>>
      tpu.wait_indirect_dma semaphore(%arg13 : memref<!tpu.dma_semaphore, #tpu.memory_space<semaphore_mem>>) src(%arg9 : memref<128x64xf32, #tpu.memory_space<vmem>>) dst(%dma_wait3A_423 : memref<10240x64xf32, #tpu.memory_space<vmem_shared>>)
      %dma_start3A_424 = arith.constant 6 : i32
      %dma_start3A_425 = arith.constant 0 : i32
      %dma_start3A_426 = tpu.memref_slice %arg8[%dma_start3A_424, %dma_start3A_425] : memref<16x128xi32, #tpu.memory_space<vmem>> -> memref<1x128xi32, #tpu.memory_space<vmem>>
      %dma_start3A_427 = tpu.memref_squeeze %dma_start3A_426 : memref<1x128xi32, #tpu.memory_space<vmem>> -> memref<128xi32, #tpu.memory_space<vmem>>
      %dma_start3A_428 = arith.constant 0 : i32
      %dma_start3A_429 = arith.constant 0 : i32
      %dma_start3A_430 = tpu.memref_slice %arg5[%dma_start3A_428, %dma_start3A_429] : memref<10240x64xf32, #tpu.memory_space<vmem_shared>> -> memref<10240x64xf32, #tpu.memory_space<vmem_shared>>
      tpu.enqueue_indirect_dma source(%dma_start3A_430 : memref<10240x64xf32, #tpu.memory_space<vmem_shared>>) target(%arg9 : memref<128x64xf32, #tpu.memory_space<vmem>>) offsets(%dma_start3A_427 : memref<128xi32, #tpu.memory_space<vmem>>) semaphore(%arg11 : memref<!tpu.dma_semaphore, #tpu.memory_space<semaphore_mem>>)
      %dma_wait3A_431 = arith.constant 8 : i32
      %dma_wait3A_432 = arith.constant 0 : i32
      %dma_wait3A_433 = tpu.memref_slice %arg8[%dma_wait3A_431, %dma_wait3A_432] : memref<16x128xi32, #tpu.memory_space<vmem>> -> memref<1x128xi32, #tpu.memory_space<vmem>>
      %dma_wait3A_434 = tpu.memref_squeeze %dma_wait3A_433 : memref<1x128xi32, #tpu.memory_space<vmem>> -> memref<128xi32, #tpu.memory_space<vmem>>
      %dma_wait3A_435 = arith.constant 0 : i32
      %dma_wait3A_436 = arith.constant 0 : i32
      %dma_wait3A_437 = tpu.memref_slice %arg6[%dma_wait3A_435, %dma_wait3A_436] : memref<10240x64xf32, #tpu.memory_space<vmem_shared>> -> memref<10240x64xf32, #tpu.memory_space<vmem_shared>>
      tpu.wait_indirect_dma semaphore(%arg14 : memref<!tpu.dma_semaphore, #tpu.memory_space<semaphore_mem>>) src(%arg10 : memref<128x64xf32, #tpu.memory_space<vmem>>) dst(%dma_wait3A_437 : memref<10240x64xf32, #tpu.memory_space<vmem_shared>>)
      %dma_start3A_438 = arith.constant 7 : i32
      %dma_start3A_439 = arith.constant 0 : i32
      %dma_start3A_440 = tpu.memref_slice %arg8[%dma_start3A_438, %dma_start3A_439] : memref<16x128xi32, #tpu.memory_space<vmem>> -> memref<1x128xi32, #tpu.memory_space<vmem>>
      %dma_start3A_441 = tpu.memref_squeeze %dma_start3A_440 : memref<1x128xi32, #tpu.memory_space<vmem>> -> memref<128xi32, #tpu.memory_space<vmem>>
      %dma_start3A_442 = arith.constant 0 : i32
      %dma_start3A_443 = arith.constant 0 : i32
      %dma_start3A_444 = tpu.memref_slice %arg5[%dma_start3A_442, %dma_start3A_443] : memref<10240x64xf32, #tpu.memory_space<vmem_shared>> -> memref<10240x64xf32, #tpu.memory_space<vmem_shared>>
      tpu.enqueue_indirect_dma source(%dma_start3A_444 : memref<10240x64xf32, #tpu.memory_space<vmem_shared>>) target(%arg10 : memref<128x64xf32, #tpu.memory_space<vmem>>) offsets(%dma_start3A_441 : memref<128xi32, #tpu.memory_space<vmem>>) semaphore(%arg12 : memref<!tpu.dma_semaphore, #tpu.memory_space<semaphore_mem>>)
      %dma_wait3A_445 = arith.constant 0 : i32
      %dma_wait3A_446 = arith.constant 0 : i32
      %dma_wait3A_447 = tpu.memref_slice %arg8[%dma_wait3A_445, %dma_wait3A_446] : memref<16x128xi32, #tpu.memory_space<vmem>> -> memref<1x128xi32, #tpu.memory_space<vmem>>
      %dma_wait3A_448 = tpu.memref_squeeze %dma_wait3A_447 : memref<1x128xi32, #tpu.memory_space<vmem>> -> memref<128xi32, #tpu.memory_space<vmem>>
      %dma_wait3A_449 = arith.constant 0 : i32
      %dma_wait3A_450 = arith.constant 0 : i32
      %dma_wait3A_451 = tpu.memref_slice %arg5[%dma_wait3A_449, %dma_wait3A_450] : memref<10240x64xf32, #tpu.memory_space<vmem_shared>> -> memref<10240x64xf32, #tpu.memory_space<vmem_shared>>
      tpu.wait_indirect_dma semaphore(%arg11 : memref<!tpu.dma_semaphore, #tpu.memory_space<semaphore_mem>>) src(%dma_wait3A_451 : memref<10240x64xf32, #tpu.memory_space<vmem_shared>>) dst(%arg9 : memref<128x64xf32, #tpu.memory_space<vmem>>)
      %dma_start3A_452 = arith.constant 14 : i32
      %dma_start3A_453 = arith.constant 0 : i32
      %dma_start3A_454 = tpu.memref_slice %arg8[%dma_start3A_452, %dma_start3A_453] : memref<16x128xi32, #tpu.memory_space<vmem>> -> memref<1x128xi32, #tpu.memory_space<vmem>>
      %dma_start3A_455 = tpu.memref_squeeze %dma_start3A_454 : memref<1x128xi32, #tpu.memory_space<vmem>> -> memref<128xi32, #tpu.memory_space<vmem>>
      %dma_start3A_456 = arith.constant 0 : i32
      %dma_start3A_457 = arith.constant 0 : i32
      %dma_start3A_458 = tpu.memref_slice %arg6[%dma_start3A_456, %dma_start3A_457] : memref<10240x64xf32, #tpu.memory_space<vmem_shared>> -> memref<10240x64xf32, #tpu.memory_space<vmem_shared>>
      tpu.enqueue_indirect_dma source(%arg9 : memref<128x64xf32, #tpu.memory_space<vmem>>) target(%dma_start3A_458 : memref<10240x64xf32, #tpu.memory_space<vmem_shared>>) offsets(%dma_start3A_455 : memref<128xi32, #tpu.memory_space<vmem>>) semaphore(%arg13 : memref<!tpu.dma_semaphore, #tpu.memory_space<semaphore_mem>>) {add = true}
      %dma_wait3A_459 = arith.constant 0 : i32
      %dma_wait3A_460 = arith.constant 0 : i32
      %dma_wait3A_461 = tpu.memref_slice %arg8[%dma_wait3A_459, %dma_wait3A_460] : memref<16x128xi32, #tpu.memory_space<vmem>> -> memref<1x128xi32, #tpu.memory_space<vmem>>
      %dma_wait3A_462 = tpu.memref_squeeze %dma_wait3A_461 : memref<1x128xi32, #tpu.memory_space<vmem>> -> memref<128xi32, #tpu.memory_space<vmem>>
      %dma_wait3A_463 = arith.constant 0 : i32
      %dma_wait3A_464 = arith.constant 0 : i32
      %dma_wait3A_465 = tpu.memref_slice %arg5[%dma_wait3A_463, %dma_wait3A_464] : memref<10240x64xf32, #tpu.memory_space<vmem_shared>> -> memref<10240x64xf32, #tpu.memory_space<vmem_shared>>
      tpu.wait_indirect_dma semaphore(%arg12 : memref<!tpu.dma_semaphore, #tpu.memory_space<semaphore_mem>>) src(%dma_wait3A_465 : memref<10240x64xf32, #tpu.memory_space<vmem_shared>>) dst(%arg10 : memref<128x64xf32, #tpu.memory_space<vmem>>)
      %dma_start3A_466 = arith.constant 15 : i32
      %dma_start3A_467 = arith.constant 0 : i32
      %dma_start3A_468 = tpu.memref_slice %arg8[%dma_start3A_466, %dma_start3A_467] : memref<16x128xi32, #tpu.memory_space<vmem>> -> memref<1x128xi32, #tpu.memory_space<vmem>>
      %dma_start3A_469 = tpu.memref_squeeze %dma_start3A_468 : memref<1x128xi32, #tpu.memory_space<vmem>> -> memref<128xi32, #tpu.memory_space<vmem>>
      %dma_start3A_470 = arith.constant 0 : i32
      %dma_start3A_471 = arith.constant 0 : i32
      %dma_start3A_472 = tpu.memref_slice %arg6[%dma_start3A_470, %dma_start3A_471] : memref<10240x64xf32, #tpu.memory_space<vmem_shared>> -> memref<10240x64xf32, #tpu.memory_space<vmem_shared>>
      tpu.enqueue_indirect_dma source(%arg10 : memref<128x64xf32, #tpu.memory_space<vmem>>) target(%dma_start3A_472 : memref<10240x64xf32, #tpu.memory_space<vmem_shared>>) offsets(%dma_start3A_469 : memref<128xi32, #tpu.memory_space<vmem>>) semaphore(%arg14 : memref<!tpu.dma_semaphore, #tpu.memory_space<semaphore_mem>>) {add = true}
      %convert_element_type3A_473 = arith.extui %lt3A_276 : i1 to i32
      %cond3A_474 = arith.constant 0 : i32
      %cond3A_475 = arith.cmpi ne, %convert_element_type3A_473, %cond3A_474 : i32
      scf.if %cond3A_475 {
        %dma_wait3A_488 = arith.constant 0 : i32
        %dma_wait3A_489 = arith.constant 0 : i32
        %dma_wait3A_490 = arith.constant 0 : i32
        %dma_wait3A_491 = tpu.memref_slice %arg3[%arg1, %dma_wait3A_488, %dma_wait3A_489, %dma_wait3A_490] : memref<16x20x16x128xi32, #tpu.memory_space<hbm>> -> memref<1x1x16x128xi32, #tpu.memory_space<hbm>>
        %dma_wait3A_492 = tpu.memref_squeeze %dma_wait3A_491 : memref<1x1x16x128xi32, #tpu.memory_space<hbm>> -> memref<16x128xi32, #tpu.memory_space<hbm>>
        %dma_wait3A_493 = arith.constant 0 : i32
        %dma_wait3A_494 = arith.constant 0 : i32
        %dma_wait3A_495 = tpu.memref_slice %arg3[%arg1, %dma_wait3A_488, %dma_wait3A_493, %dma_wait3A_494] : memref<16x20x16x128xi32, #tpu.memory_space<hbm>> -> memref<1x1x16x128xi32, #tpu.memory_space<hbm>>
        %dma_wait3A_496 = tpu.memref_squeeze %dma_wait3A_495 : memref<1x1x16x128xi32, #tpu.memory_space<hbm>> -> memref<16x128xi32, #tpu.memory_space<hbm>>
        tpu.wait_dma2 semaphore(%arg15 : memref<!tpu.dma_semaphore, #tpu.memory_space<semaphore_mem>>) src(%dma_wait3A_496 : memref<16x128xi32, #tpu.memory_space<hbm>>) dst(%arg7 : memref<16x128xi32, #tpu.memory_space<vmem>>)
        %dma_wait3A_497 = arith.constant 8 : i32
        %dma_wait3A_498 = arith.constant 0 : i32
        %dma_wait3A_499 = tpu.memref_slice %arg8[%dma_wait3A_497, %dma_wait3A_498] : memref<16x128xi32, #tpu.memory_space<vmem>> -> memref<1x128xi32, #tpu.memory_space<vmem>>
        %dma_wait3A_500 = tpu.memref_squeeze %dma_wait3A_499 : memref<1x128xi32, #tpu.memory_space<vmem>> -> memref<128xi32, #tpu.memory_space<vmem>>
        %dma_wait3A_501 = arith.constant 0 : i32
        %dma_wait3A_502 = arith.constant 0 : i32
        %dma_wait3A_503 = tpu.memref_slice %arg6[%dma_wait3A_501, %dma_wait3A_502] : memref<10240x64xf32, #tpu.memory_space<vmem_shared>> -> memref<10240x64xf32, #tpu.memory_space<vmem_shared>>
        tpu.wait_indirect_dma semaphore(%arg13 : memref<!tpu.dma_semaphore, #tpu.memory_space<semaphore_mem>>) src(%arg9 : memref<128x64xf32, #tpu.memory_space<vmem>>) dst(%dma_wait3A_503 : memref<10240x64xf32, #tpu.memory_space<vmem_shared>>)
        %dma_start3A_504 = arith.constant 0 : i32
        %dma_start3A_505 = arith.constant 0 : i32
        %dma_start3A_506 = tpu.memref_slice %arg7[%dma_start3A_504, %dma_start3A_505] : memref<16x128xi32, #tpu.memory_space<vmem>> -> memref<1x128xi32, #tpu.memory_space<vmem>>
        %dma_start3A_507 = tpu.memref_squeeze %dma_start3A_506 : memref<1x128xi32, #tpu.memory_space<vmem>> -> memref<128xi32, #tpu.memory_space<vmem>>
        %dma_start3A_508 = arith.constant 0 : i32
        %dma_start3A_509 = arith.constant 0 : i32
        %dma_start3A_510 = tpu.memref_slice %arg5[%dma_start3A_508, %dma_start3A_509] : memref<10240x64xf32, #tpu.memory_space<vmem_shared>> -> memref<10240x64xf32, #tpu.memory_space<vmem_shared>>
        tpu.enqueue_indirect_dma source(%dma_start3A_510 : memref<10240x64xf32, #tpu.memory_space<vmem_shared>>) target(%arg9 : memref<128x64xf32, #tpu.memory_space<vmem>>) offsets(%dma_start3A_507 : memref<128xi32, #tpu.memory_space<vmem>>) semaphore(%arg11 : memref<!tpu.dma_semaphore, #tpu.memory_space<semaphore_mem>>)
        %dma_wait3A_511 = arith.constant 8 : i32
        %dma_wait3A_512 = arith.constant 0 : i32
        %dma_wait3A_513 = tpu.memref_slice %arg8[%dma_wait3A_511, %dma_wait3A_512] : memref<16x128xi32, #tpu.memory_space<vmem>> -> memref<1x128xi32, #tpu.memory_space<vmem>>
        %dma_wait3A_514 = tpu.memref_squeeze %dma_wait3A_513 : memref<1x128xi32, #tpu.memory_space<vmem>> -> memref<128xi32, #tpu.memory_space<vmem>>
        %dma_wait3A_515 = arith.constant 0 : i32
        %dma_wait3A_516 = arith.constant 0 : i32
        %dma_wait3A_517 = tpu.memref_slice %arg6[%dma_wait3A_515, %dma_wait3A_516] : memref<10240x64xf32, #tpu.memory_space<vmem_shared>> -> memref<10240x64xf32, #tpu.memory_space<vmem_shared>>
        tpu.wait_indirect_dma semaphore(%arg14 : memref<!tpu.dma_semaphore, #tpu.memory_space<semaphore_mem>>) src(%arg10 : memref<128x64xf32, #tpu.memory_space<vmem>>) dst(%dma_wait3A_517 : memref<10240x64xf32, #tpu.memory_space<vmem_shared>>)
        %dma_start3A_518 = arith.constant 1 : i32
        %dma_start3A_519 = arith.constant 0 : i32
        %dma_start3A_520 = tpu.memref_slice %arg7[%dma_start3A_518, %dma_start3A_519] : memref<16x128xi32, #tpu.memory_space<vmem>> -> memref<1x128xi32, #tpu.memory_space<vmem>>
        %dma_start3A_521 = tpu.memref_squeeze %dma_start3A_520 : memref<1x128xi32, #tpu.memory_space<vmem>> -> memref<128xi32, #tpu.memory_space<vmem>>
        %dma_start3A_522 = arith.constant 0 : i32
        %dma_start3A_523 = arith.constant 0 : i32
        %dma_start3A_524 = tpu.memref_slice %arg5[%dma_start3A_522, %dma_start3A_523] : memref<10240x64xf32, #tpu.memory_space<vmem_shared>> -> memref<10240x64xf32, #tpu.memory_space<vmem_shared>>
        tpu.enqueue_indirect_dma source(%dma_start3A_524 : memref<10240x64xf32, #tpu.memory_space<vmem_shared>>) target(%arg10 : memref<128x64xf32, #tpu.memory_space<vmem>>) offsets(%dma_start3A_521 : memref<128xi32, #tpu.memory_space<vmem>>) semaphore(%arg12 : memref<!tpu.dma_semaphore, #tpu.memory_space<semaphore_mem>>)
      } else {
      }
      %not3A_476 = arith.constant true
      %not3A_477 = arith.xori %lt3A_276, %not3A_476 : i1
      %convert_element_type3A_478 = arith.extui %not3A_477 : i1 to i32
      %cond3A_479 = arith.constant 0 : i32
      %cond3A_480 = arith.cmpi ne, %convert_element_type3A_478, %cond3A_479 : i32
      scf.if %cond3A_480 {
        %dma_wait3A_488 = arith.constant 8 : i32
        %dma_wait3A_489 = arith.constant 0 : i32
        %dma_wait3A_490 = tpu.memref_slice %arg8[%dma_wait3A_488, %dma_wait3A_489] : memref<16x128xi32, #tpu.memory_space<vmem>> -> memref<1x128xi32, #tpu.memory_space<vmem>>
        %dma_wait3A_491 = tpu.memref_squeeze %dma_wait3A_490 : memref<1x128xi32, #tpu.memory_space<vmem>> -> memref<128xi32, #tpu.memory_space<vmem>>
        %dma_wait3A_492 = arith.constant 0 : i32
        %dma_wait3A_493 = arith.constant 0 : i32
        %dma_wait3A_494 = tpu.memref_slice %arg6[%dma_wait3A_492, %dma_wait3A_493] : memref<10240x64xf32, #tpu.memory_space<vmem_shared>> -> memref<10240x64xf32, #tpu.memory_space<vmem_shared>>
        tpu.wait_indirect_dma semaphore(%arg13 : memref<!tpu.dma_semaphore, #tpu.memory_space<semaphore_mem>>) src(%arg9 : memref<128x64xf32, #tpu.memory_space<vmem>>) dst(%dma_wait3A_494 : memref<10240x64xf32, #tpu.memory_space<vmem_shared>>)
        %dma_wait3A_495 = arith.constant 8 : i32
        %dma_wait3A_496 = arith.constant 0 : i32
        %dma_wait3A_497 = tpu.memref_slice %arg8[%dma_wait3A_495, %dma_wait3A_496] : memref<16x128xi32, #tpu.memory_space<vmem>> -> memref<1x128xi32, #tpu.memory_space<vmem>>
        %dma_wait3A_498 = tpu.memref_squeeze %dma_wait3A_497 : memref<1x128xi32, #tpu.memory_space<vmem>> -> memref<128xi32, #tpu.memory_space<vmem>>
        %dma_wait3A_499 = arith.constant 0 : i32
        %dma_wait3A_500 = arith.constant 0 : i32
        %dma_wait3A_501 = tpu.memref_slice %arg6[%dma_wait3A_499, %dma_wait3A_500] : memref<10240x64xf32, #tpu.memory_space<vmem_shared>> -> memref<10240x64xf32, #tpu.memory_space<vmem_shared>>
        tpu.wait_indirect_dma semaphore(%arg14 : memref<!tpu.dma_semaphore, #tpu.memory_space<semaphore_mem>>) src(%arg10 : memref<128x64xf32, #tpu.memory_space<vmem>>) dst(%dma_wait3A_501 : memref<10240x64xf32, #tpu.memory_space<vmem_shared>>)
      } else {
      }
      %add3A_481 = arith.constant 3 : i32
      %add3A_482 = arith.addi %mul3A_31, %add3A_481 : i32
      %lt3A_483 = arith.constant 20 : i32
      %lt3A_484 = arith.cmpi slt, %add3A_482, %lt3A_483 : i32
      %convert_element_type3A_485 = arith.extui %lt3A_484 : i1 to i32
      %cond3A_486 = arith.constant 0 : i32
      %cond3A_487 = arith.cmpi ne, %convert_element_type3A_485, %cond3A_486 : i32
      scf.if %cond3A_487 {
        %add3A_488 = arith.constant 3 : i32
        %add3A_489 = arith.addi %mul3A_31, %add3A_488 : i32
        %dma_start3A_490 = arith.constant 0 : i32
        %dma_start3A_491 = arith.constant 0 : i32
        %dma_start3A_492 = tpu.memref_slice %arg3[%arg1, %add3A_489, %dma_start3A_490, %dma_start3A_491] : memref<16x20x16x128xi32, #tpu.memory_space<hbm>> -> memref<1x1x16x128xi32, #tpu.memory_space<hbm>>
        %dma_start3A_493 = tpu.memref_squeeze %dma_start3A_492 : memref<1x1x16x128xi32, #tpu.memory_space<hbm>> -> memref<16x128xi32, #tpu.memory_space<hbm>>
        %dma_start3A_494 = arith.constant 0 : i32
        %dma_start3A_495 = arith.constant 0 : i32
        %dma_start3A_496 = tpu.memref_slice %arg3[%arg1, %add3A_489, %dma_start3A_494, %dma_start3A_495] : memref<16x20x16x128xi32, #tpu.memory_space<hbm>> -> memref<1x1x16x128xi32, #tpu.memory_space<hbm>>
        %dma_start3A_497 = tpu.memref_squeeze %dma_start3A_496 : memref<1x1x16x128xi32, #tpu.memory_space<hbm>> -> memref<16x128xi32, #tpu.memory_space<hbm>>
        tpu.enqueue_dma source(%dma_start3A_497 : memref<16x128xi32, #tpu.memory_space<hbm>>) target(%arg8 : memref<16x128xi32, #tpu.memory_space<vmem>>) target_semaphore(%arg16 : memref<!tpu.dma_semaphore, #tpu.memory_space<semaphore_mem>>)
      } else {
      }
    }
    %scan3A_27 = arith.constant 10 : i32
    %barrier3A_28 = arith.constant 0 : index
    tpu.barrier barrier_id(%barrier3A_28)
    "tpu.region"() ({
      %run_scoped3A_29 = tpu.sem_alloc : memref<!tpu.dma_semaphore, #tpu.memory_space<semaphore_mem>>
      %dma_start3A_30 = arith.constant 0 : i32
      %dma_start3A_31 = tpu.memref_slice %arg4[%arg0, %mul3A_0, %dma_start3A_30] : memref<2x10240x64xf32, #tpu.memory_space<hbm>> -> memref<1x640x64xf32, #tpu.memory_space<hbm>>
      %dma_start3A_32 = tpu.memref_squeeze %dma_start3A_31 : memref<1x640x64xf32, #tpu.memory_space<hbm>> -> memref<640x64xf32, #tpu.memory_space<hbm>>
      %dma_start3A_33 = arith.constant 0 : i32
      %dma_start3A_34 = tpu.memref_slice %arg6[%mul3A_0, %dma_start3A_33] : memref<10240x64xf32, #tpu.memory_space<vmem_shared>> -> memref<640x64xf32, #tpu.memory_space<vmem_shared>>
      tpu.enqueue_dma source(%dma_start3A_34 : memref<640x64xf32, #tpu.memory_space<vmem_shared>>) target(%dma_start3A_32 : memref<640x64xf32, #tpu.memory_space<hbm>>) target_semaphore(%run_scoped3A_29 : memref<!tpu.dma_semaphore, #tpu.memory_space<semaphore_mem>>)
      %dma_wait3A = arith.constant 0 : i32
      %dma_wait3A_35 = tpu.memref_slice %arg4[%arg0, %mul3A_0, %dma_wait3A] : memref<2x10240x64xf32, #tpu.memory_space<hbm>> -> memref<1x640x64xf32, #tpu.memory_space<hbm>>
      %dma_wait3A_36 = tpu.memref_squeeze %dma_wait3A_35 : memref<1x640x64xf32, #tpu.memory_space<hbm>> -> memref<640x64xf32, #tpu.memory_space<hbm>>
      %dma_wait3A_37 = arith.constant 0 : i32
      %dma_wait3A_38 = tpu.memref_slice %arg6[%mul3A_0, %dma_wait3A_37] : memref<10240x64xf32, #tpu.memory_space<vmem_shared>> -> memref<640x64xf32, #tpu.memory_space<vmem_shared>>
      tpu.wait_dma2 semaphore(%run_scoped3A_29 : memref<!tpu.dma_semaphore, #tpu.memory_space<semaphore_mem>>) src(%dma_wait3A_38 : memref<640x64xf32, #tpu.memory_space<vmem_shared>>) dst(%dma_wait3A_36 : memref<640x64xf32, #tpu.memory_space<hbm>>)
      tpu.yield
    }) : () -> ()
    return
  }
}

#map = affine_map<(d0, d1) -> (0, 0, 0)>
#map1 = affine_map<(d0, d1) -> (0, 0, 0, 0)>
module attributes {stable_mosaic.version = 14 : i64} {
  func.func @_sc_aggregate(%arg0: i32, %arg1: i32, %arg2: memref<2x10240x64xf32, #tpu.memory_space<hbm>>, %arg3: memref<16x20x16x128xi32, #tpu.memory_space<hbm>>, %arg4: memref<2x10240x64xf32, #tpu.memory_space<hbm>>, %arg5: memref<10240x64xf32, #tpu.memory_space<vmem_shared>>, %arg6: memref<10240x64xf32, #tpu.memory_space<vmem_shared>>, %arg7: memref<16x128xi32, #tpu.memory_space<vmem>>, %arg8: memref<16x128xi32, #tpu.memory_space<vmem>>, %arg9: memref<128x64xf32, #tpu.memory_space<vmem>>, %arg10: memref<128x64xf32, #tpu.memory_space<vmem>>, %arg11: memref<!tpu.dma_semaphore, #tpu.memory_space<semaphore_mem>>, %arg12: memref<!tpu.dma_semaphore, #tpu.memory_space<semaphore_mem>>, %arg13: memref<!tpu.dma_semaphore, #tpu.memory_space<semaphore_mem>>, %arg14: memref<!tpu.dma_semaphore, #tpu.memory_space<semaphore_mem>>, %arg15: memref<!tpu.dma_semaphore, #tpu.memory_space<semaphore_mem>>, %arg16: memref<!tpu.dma_semaphore, #tpu.memory_space<semaphore_mem>>) attributes {dimension_semantics = [#tpu.dimension_semantics<core_parallel>, #tpu.dimension_semantics<subcore_parallel>], iteration_bounds = array<i64: 2, 16>, scalar_prefetch = 0 : i64, scratch_operands = 12 : i64, tpu.core_type = #tpu.core_type<sc_vector_subcore>, window_params = [{transform_indices = #map}, {transform_indices = #map1}, {transform_indices = #map}]} {
    %mul3A = arith.constant 640 : i32
    %mul3A_0 = arith.muli %arg1, %mul3A : i32
    "tpu.region"() ({
      %run_scoped3A_29 = tpu.sem_alloc : memref<!tpu.dma_semaphore, #tpu.memory_space<semaphore_mem>>
      %dma_start3A_30 = arith.constant 0 : i32
      %dma_start3A_31 = tpu.memref_slice %arg5[%mul3A_0, %dma_start3A_30] : memref<10240x64xf32, #tpu.memory_space<vmem_shared>> -> memref<640x64xf32, #tpu.memory_space<vmem_shared>>
      %dma_start3A_32 = arith.constant 0 : i32
      %dma_start3A_33 = tpu.memref_slice %arg2[%arg0, %mul3A_0, %dma_start3A_32] : memref<2x10240x64xf32, #tpu.memory_space<hbm>> -> memref<1x640x64xf32, #tpu.memory_space<hbm>>
      %dma_start3A_34 = tpu.memref_squeeze %dma_start3A_33 : memref<1x640x64xf32, #tpu.memory_space<hbm>> -> memref<640x64xf32, #tpu.memory_space<hbm>>
      tpu.enqueue_dma source(%dma_start3A_34 : memref<640x64xf32, #tpu.memory_space<hbm>>) target(%dma_start3A_31 : memref<640x64xf32, #tpu.memory_space<vmem_shared>>) target_semaphore(%run_scoped3A_29 : memref<!tpu.dma_semaphore, #tpu.memory_space<semaphore_mem>>)
      %dma_wait3A = arith.constant 0 : i32
      %dma_wait3A_35 = tpu.memref_slice %arg5[%mul3A_0, %dma_wait3A] : memref<10240x64xf32, #tpu.memory_space<vmem_shared>> -> memref<640x64xf32, #tpu.memory_space<vmem_shared>>
      %dma_wait3A_36 = arith.constant 0 : i32
      %dma_wait3A_37 = tpu.memref_slice %arg2[%arg0, %mul3A_0, %dma_wait3A_36] : memref<2x10240x64xf32, #tpu.memory_space<hbm>> -> memref<1x640x64xf32, #tpu.memory_space<hbm>>
      %dma_wait3A_38 = tpu.memref_squeeze %dma_wait3A_37 : memref<1x640x64xf32, #tpu.memory_space<hbm>> -> memref<640x64xf32, #tpu.memory_space<hbm>>
      tpu.wait_dma2 semaphore(%run_scoped3A_29 : memref<!tpu.dma_semaphore, #tpu.memory_space<semaphore_mem>>) src(%dma_wait3A_38 : memref<640x64xf32, #tpu.memory_space<hbm>>) dst(%dma_wait3A_35 : memref<640x64xf32, #tpu.memory_space<vmem_shared>>)
      tpu.yield
    }) : () -> ()
    "tpu.region"() ({
      %run_scoped3A_29 = tpu.sem_alloc : memref<!tpu.dma_semaphore, #tpu.memory_space<semaphore_mem>>
      %dma_start3A_30 = arith.constant 0 : i32
      %dma_start3A_31 = tpu.memref_slice %arg6[%mul3A_0, %dma_start3A_30] : memref<10240x64xf32, #tpu.memory_space<vmem_shared>> -> memref<640x64xf32, #tpu.memory_space<vmem_shared>>
      %dma_start3A_32 = arith.constant 0 : i32
      %dma_start3A_33 = tpu.memref_slice %arg2[%arg0, %mul3A_0, %dma_start3A_32] : memref<2x10240x64xf32, #tpu.memory_space<hbm>> -> memref<1x640x64xf32, #tpu.memory_space<hbm>>
      %dma_start3A_34 = tpu.memref_squeeze %dma_start3A_33 : memref<1x640x64xf32, #tpu.memory_space<hbm>> -> memref<640x64xf32, #tpu.memory_space<hbm>>
      tpu.enqueue_dma source(%dma_start3A_34 : memref<640x64xf32, #tpu.memory_space<hbm>>) target(%dma_start3A_31 : memref<640x64xf32, #tpu.memory_space<vmem_shared>>) target_semaphore(%run_scoped3A_29 : memref<!tpu.dma_semaphore, #tpu.memory_space<semaphore_mem>>)
      %dma_wait3A = arith.constant 0 : i32
      %dma_wait3A_35 = tpu.memref_slice %arg6[%mul3A_0, %dma_wait3A] : memref<10240x64xf32, #tpu.memory_space<vmem_shared>> -> memref<640x64xf32, #tpu.memory_space<vmem_shared>>
      %dma_wait3A_36 = arith.constant 0 : i32
      %dma_wait3A_37 = tpu.memref_slice %arg2[%arg0, %mul3A_0, %dma_wait3A_36] : memref<2x10240x64xf32, #tpu.memory_space<hbm>> -> memref<1x640x64xf32, #tpu.memory_space<hbm>>
      %dma_wait3A_38 = tpu.memref_squeeze %dma_wait3A_37 : memref<1x640x64xf32, #tpu.memory_space<hbm>> -> memref<640x64xf32, #tpu.memory_space<hbm>>
      tpu.wait_dma2 semaphore(%run_scoped3A_29 : memref<!tpu.dma_semaphore, #tpu.memory_space<semaphore_mem>>) src(%dma_wait3A_38 : memref<640x64xf32, #tpu.memory_space<hbm>>) dst(%dma_wait3A_35 : memref<640x64xf32, #tpu.memory_space<vmem_shared>>)
      tpu.yield
    }) : () -> ()
    %barrier3A = arith.constant 0 : index
    tpu.barrier barrier_id(%barrier3A)
    %run_scoped3A = arith.constant 0 : i32
    "tpu.region"() ({
      %run_scoped3A_29 = tpu.sem_alloc : memref<!tpu.dma_semaphore, #tpu.memory_space<semaphore_mem>>
      %dma_start3A_30 = arith.constant 0 : i32
      %dma_start3A_31 = arith.constant 0 : i32
      %dma_start3A_32 = tpu.memref_slice %arg3[%arg1, %run_scoped3A, %dma_start3A_30, %dma_start3A_31] : memref<16x20x16x128xi32, #tpu.memory_space<hbm>> -> memref<1x1x16x128xi32, #tpu.memory_space<hbm>>
      %dma_start3A_33 = tpu.memref_squeeze %dma_start3A_32 : memref<1x1x16x128xi32, #tpu.memory_space<hbm>> -> memref<16x128xi32, #tpu.memory_space<hbm>>
      %dma_start3A_34 = arith.constant 0 : i32
      %dma_start3A_35 = arith.constant 0 : i32
      %dma_start3A_36 = tpu.memref_slice %arg3[%arg1, %run_scoped3A, %dma_start3A_34, %dma_start3A_35] : memref<16x20x16x128xi32, #tpu.memory_space<hbm>> -> memref<1x1x16x128xi32, #tpu.memory_space<hbm>>
      %dma_start3A_37 = tpu.memref_squeeze %dma_start3A_36 : memref<1x1x16x128xi32, #tpu.memory_space<hbm>> -> memref<16x128xi32, #tpu.memory_space<hbm>>
      tpu.enqueue_dma source(%dma_start3A_37 : memref<16x128xi32, #tpu.memory_space<hbm>>) target(%arg7 : memref<16x128xi32, #tpu.memory_space<vmem>>) target_semaphore(%run_scoped3A_29 : memref<!tpu.dma_semaphore, #tpu.memory_space<semaphore_mem>>)
      %dma_wait3A = arith.constant 0 : i32
      %dma_wait3A_38 = arith.constant 0 : i32
      %dma_wait3A_39 = tpu.memref_slice %arg3[%arg1, %run_scoped3A, %dma_wait3A, %dma_wait3A_38] : memref<16x20x16x128xi32, #tpu.memory_space<hbm>> -> memref<1x1x16x128xi32, #tpu.memory_space<hbm>>
      %dma_wait3A_40 = tpu.memref_squeeze %dma_wait3A_39 : memref<1x1x16x128xi32, #tpu.memory_space<hbm>> -> memref<16x128xi32, #tpu.memory_space<hbm>>
      %dma_wait3A_41 = arith.constant 0 : i32
      %dma_wait3A_42 = arith.constant 0 : i32
      %dma_wait3A_43 = tpu.memref_slice %arg3[%arg1, %run_scoped3A, %dma_wait3A_41, %dma_wait3A_42] : memref<16x20x16x128xi32, #tpu.memory_space<hbm>> -> memref<1x1x16x128xi32, #tpu.memory_space<hbm>>
      %dma_wait3A_44 = tpu.memref_squeeze %dma_wait3A_43 : memref<1x1x16x128xi32, #tpu.memory_space<hbm>> -> memref<16x128xi32, #tpu.memory_space<hbm>>
      tpu.wait_dma2 semaphore(%run_scoped3A_29 : memref<!tpu.dma_semaphore, #tpu.memory_space<semaphore_mem>>) src(%dma_wait3A_44 : memref<16x128xi32, #tpu.memory_space<hbm>>) dst(%arg7 : memref<16x128xi32, #tpu.memory_space<vmem>>)
      tpu.yield
    }) : () -> ()
    %dma_start3A = arith.constant 1 : i32
    %dma_start3A_1 = arith.constant 0 : i32
    %dma_start3A_2 = arith.constant 0 : i32
    %dma_start3A_3 = tpu.memref_slice %arg3[%arg1, %dma_start3A, %dma_start3A_1, %dma_start3A_2] : memref<16x20x16x128xi32, #tpu.memory_space<hbm>> -> memref<1x1x16x128xi32, #tpu.memory_space<hbm>>
    %dma_start3A_4 = tpu.memref_squeeze %dma_start3A_3 : memref<1x1x16x128xi32, #tpu.memory_space<hbm>> -> memref<16x128xi32, #tpu.memory_space<hbm>>
    %dma_start3A_5 = arith.constant 0 : i32
    %dma_start3A_6 = arith.constant 0 : i32
    %dma_start3A_7 = tpu.memref_slice %arg3[%arg1, %dma_start3A, %dma_start3A_5, %dma_start3A_6] : memref<16x20x16x128xi32, #tpu.memory_space<hbm>> -> memref<1x1x16x128xi32, #tpu.memory_space<hbm>>
    %dma_start3A_8 = tpu.memref_squeeze %dma_start3A_7 : memref<1x1x16x128xi32, #tpu.memory_space<hbm>> -> memref<16x128xi32, #tpu.memory_space<hbm>>
    tpu.enqueue_dma source(%dma_start3A_8 : memref<16x128xi32, #tpu.memory_space<hbm>>) target(%arg8 : memref<16x128xi32, #tpu.memory_space<vmem>>) target_semaphore(%arg16 : memref<!tpu.dma_semaphore, #tpu.memory_space<semaphore_mem>>)
    %dma_start3A_9 = arith.constant 0 : i32
    %dma_start3A_10 = arith.constant 0 : i32
    %dma_start3A_11 = tpu.memref_slice %arg7[%dma_start3A_9, %dma_start3A_10] : memref<16x128xi32, #tpu.memory_space<vmem>> -> memref<1x128xi32, #tpu.memory_space<vmem>>
    %dma_start3A_12 = tpu.memref_squeeze %dma_start3A_11 : memref<1x128xi32, #tpu.memory_space<vmem>> -> memref<128xi32, #tpu.memory_space<vmem>>
    %dma_start3A_13 = arith.constant 0 : i32
    %dma_start3A_14 = arith.constant 0 : i32
    %dma_start3A_15 = tpu.memref_slice %arg5[%dma_start3A_13, %dma_start3A_14] : memref<10240x64xf32, #tpu.memory_space<vmem_shared>> -> memref<10240x64xf32, #tpu.memory_space<vmem_shared>>
    tpu.enqueue_indirect_dma source(%dma_start3A_15 : memref<10240x64xf32, #tpu.memory_space<vmem_shared>>) target(%arg9 : memref<128x64xf32, #tpu.memory_space<vmem>>) offsets(%dma_start3A_12 : memref<128xi32, #tpu.memory_space<vmem>>) semaphore(%arg11 : memref<!tpu.dma_semaphore, #tpu.memory_space<semaphore_mem>>)
    %dma_start3A_16 = arith.constant 1 : i32
    %dma_start3A_17 = arith.constant 0 : i32
    %dma_start3A_18 = tpu.memref_slice %arg7[%dma_start3A_16, %dma_start3A_17] : memref<16x128xi32, #tpu.memory_space<vmem>> -> memref<1x128xi32, #tpu.memory_space<vmem>>
    %dma_start3A_19 = tpu.memref_squeeze %dma_start3A_18 : memref<1x128xi32, #tpu.memory_space<vmem>> -> memref<128xi32, #tpu.memory_space<vmem>>
    %dma_start3A_20 = arith.constant 0 : i32
    %dma_start3A_21 = arith.constant 0 : i32
    %dma_start3A_22 = tpu.memref_slice %arg5[%dma_start3A_20, %dma_start3A_21] : memref<10240x64xf32, #tpu.memory_space<vmem_shared>> -> memref<10240x64xf32, #tpu.memory_space<vmem_shared>>
    tpu.enqueue_indirect_dma source(%dma_start3A_22 : memref<10240x64xf32, #tpu.memory_space<vmem_shared>>) target(%arg10 : memref<128x64xf32, #tpu.memory_space<vmem>>) offsets(%dma_start3A_19 : memref<128xi32, #tpu.memory_space<vmem>>) semaphore(%arg12 : memref<!tpu.dma_semaphore, #tpu.memory_space<semaphore_mem>>)
    %scan3A = arith.constant 0 : i32
    %scan3A_23 = arith.constant 0 : i32
    %scan3A_24 = arith.constant 10 : i32
    %scan3A_25 = arith.addi %scan3A_23, %scan3A_24 : i32
    %scan3A_26 = arith.constant 1 : i32
    scf.for %scan3A_29 = %scan3A_23 to %scan3A_25 step %scan3A_26  : i32 {
      %mul3A_30 = arith.constant 2 : i32
      %mul3A_31 = arith.muli %mul3A_30, %scan3A_29 : i32
      %dma_wait3A = arith.constant 0 : i32
      %dma_wait3A_32 = arith.constant 0 : i32
      %dma_wait3A_33 = tpu.memref_slice %arg7[%dma_wait3A, %dma_wait3A_32] : memref<16x128xi32, #tpu.memory_space<vmem>> -> memref<1x128xi32, #tpu.memory_space<vmem>>
      %dma_wait3A_34 = tpu.memref_squeeze %dma_wait3A_33 : memref<1x128xi32, #tpu.memory_space<vmem>> -> memref<128xi32, #tpu.memory_space<vmem>>
      %dma_wait3A_35 = arith.constant 0 : i32
      %dma_wait3A_36 = arith.constant 0 : i32
      %dma_wait3A_37 = tpu.memref_slice %arg5[%dma_wait3A_35, %dma_wait3A_36] : memref<10240x64xf32, #tpu.memory_space<vmem_shared>> -> memref<10240x64xf32, #tpu.memory_space<vmem_shared>>
      tpu.wait_indirect_dma semaphore(%arg11 : memref<!tpu.dma_semaphore, #tpu.memory_space<semaphore_mem>>) src(%dma_wait3A_37 : memref<10240x64xf32, #tpu.memory_space<vmem_shared>>) dst(%arg9 : memref<128x64xf32, #tpu.memory_space<vmem>>)
      %dma_start3A_38 = arith.constant 8 : i32
      %dma_start3A_39 = arith.constant 0 : i32
      %dma_start3A_40 = tpu.memref_slice %arg7[%dma_start3A_38, %dma_start3A_39] : memref<16x128xi32, #tpu.memory_space<vmem>> -> memref<1x128xi32, #tpu.memory_space<vmem>>
      %dma_start3A_41 = tpu.memref_squeeze %dma_start3A_40 : memref<1x128xi32, #tpu.memory_space<vmem>> -> memref<128xi32, #tpu.memory_space<vmem>>
      %dma_start3A_42 = arith.constant 0 : i32
      %dma_start3A_43 = arith.constant 0 : i32
      %dma_start3A_44 = tpu.memref_slice %arg6[%dma_start3A_42, %dma_start3A_43] : memref<10240x64xf32, #tpu.memory_space<vmem_shared>> -> memref<10240x64xf32, #tpu.memory_space<vmem_shared>>
      tpu.enqueue_indirect_dma source(%arg9 : memref<128x64xf32, #tpu.memory_space<vmem>>) target(%dma_start3A_44 : memref<10240x64xf32, #tpu.memory_space<vmem_shared>>) offsets(%dma_start3A_41 : memref<128xi32, #tpu.memory_space<vmem>>) semaphore(%arg13 : memref<!tpu.dma_semaphore, #tpu.memory_space<semaphore_mem>>) {add = true}
      %dma_wait3A_45 = arith.constant 0 : i32
      %dma_wait3A_46 = arith.constant 0 : i32
      %dma_wait3A_47 = tpu.memref_slice %arg7[%dma_wait3A_45, %dma_wait3A_46] : memref<16x128xi32, #tpu.memory_space<vmem>> -> memref<1x128xi32, #tpu.memory_space<vmem>>
      %dma_wait3A_48 = tpu.memref_squeeze %dma_wait3A_47 : memref<1x128xi32, #tpu.memory_space<vmem>> -> memref<128xi32, #tpu.memory_space<vmem>>
      %dma_wait3A_49 = arith.constant 0 : i32
      %dma_wait3A_50 = arith.constant 0 : i32
      %dma_wait3A_51 = tpu.memref_slice %arg5[%dma_wait3A_49, %dma_wait3A_50] : memref<10240x64xf32, #tpu.memory_space<vmem_shared>> -> memref<10240x64xf32, #tpu.memory_space<vmem_shared>>
      tpu.wait_indirect_dma semaphore(%arg12 : memref<!tpu.dma_semaphore, #tpu.memory_space<semaphore_mem>>) src(%dma_wait3A_51 : memref<10240x64xf32, #tpu.memory_space<vmem_shared>>) dst(%arg10 : memref<128x64xf32, #tpu.memory_space<vmem>>)
      %dma_start3A_52 = arith.constant 9 : i32
      %dma_start3A_53 = arith.constant 0 : i32
      %dma_start3A_54 = tpu.memref_slice %arg7[%dma_start3A_52, %dma_start3A_53] : memref<16x128xi32, #tpu.memory_space<vmem>> -> memref<1x128xi32, #tpu.memory_space<vmem>>
      %dma_start3A_55 = tpu.memref_squeeze %dma_start3A_54 : memref<1x128xi32, #tpu.memory_space<vmem>> -> memref<128xi32, #tpu.memory_space<vmem>>
      %dma_start3A_56 = arith.constant 0 : i32
      %dma_start3A_57 = arith.constant 0 : i32
      %dma_start3A_58 = tpu.memref_slice %arg6[%dma_start3A_56, %dma_start3A_57] : memref<10240x64xf32, #tpu.memory_space<vmem_shared>> -> memref<10240x64xf32, #tpu.memory_space<vmem_shared>>
      tpu.enqueue_indirect_dma source(%arg10 : memref<128x64xf32, #tpu.memory_space<vmem>>) target(%dma_start3A_58 : memref<10240x64xf32, #tpu.memory_space<vmem_shared>>) offsets(%dma_start3A_55 : memref<128xi32, #tpu.memory_space<vmem>>) semaphore(%arg14 : memref<!tpu.dma_semaphore, #tpu.memory_space<semaphore_mem>>) {add = true}
      %dma_wait3A_59 = arith.constant 8 : i32
      %dma_wait3A_60 = arith.constant 0 : i32
      %dma_wait3A_61 = tpu.memref_slice %arg7[%dma_wait3A_59, %dma_wait3A_60] : memref<16x128xi32, #tpu.memory_space<vmem>> -> memref<1x128xi32, #tpu.memory_space<vmem>>
      %dma_wait3A_62 = tpu.memref_squeeze %dma_wait3A_61 : memref<1x128xi32, #tpu.memory_space<vmem>> -> memref<128xi32, #tpu.memory_space<vmem>>
      %dma_wait3A_63 = arith.constant 0 : i32
      %dma_wait3A_64 = arith.constant 0 : i32
      %dma_wait3A_65 = tpu.memref_slice %arg6[%dma_wait3A_63, %dma_wait3A_64] : memref<10240x64xf32, #tpu.memory_space<vmem_shared>> -> memref<10240x64xf32, #tpu.memory_space<vmem_shared>>
      tpu.wait_indirect_dma semaphore(%arg13 : memref<!tpu.dma_semaphore, #tpu.memory_space<semaphore_mem>>) src(%arg9 : memref<128x64xf32, #tpu.memory_space<vmem>>) dst(%dma_wait3A_65 : memref<10240x64xf32, #tpu.memory_space<vmem_shared>>)
      %dma_start3A_66 = arith.constant 2 : i32
      %dma_start3A_67 = arith.constant 0 : i32
      %dma_start3A_68 = tpu.memref_slice %arg7[%dma_start3A_66, %dma_start3A_67] : memref<16x128xi32, #tpu.memory_space<vmem>> -> memref<1x128xi32, #tpu.memory_space<vmem>>
      %dma_start3A_69 = tpu.memref_squeeze %dma_start3A_68 : memref<1x128xi32, #tpu.memory_space<vmem>> -> memref<128xi32, #tpu.memory_space<vmem>>
      %dma_start3A_70 = arith.constant 0 : i32
      %dma_start3A_71 = arith.constant 0 : i32
      %dma_start3A_72 = tpu.memref_slice %arg5[%dma_start3A_70, %dma_start3A_71] : memref<10240x64xf32, #tpu.memory_space<vmem_shared>> -> memref<10240x64xf32, #tpu.memory_space<vmem_shared>>
      tpu.enqueue_indirect_dma source(%dma_start3A_72 : memref<10240x64xf32, #tpu.memory_space<vmem_shared>>) target(%arg9 : memref<128x64xf32, #tpu.memory_space<vmem>>) offsets(%dma_start3A_69 : memref<128xi32, #tpu.memory_space<vmem>>) semaphore(%arg11 : memref<!tpu.dma_semaphore, #tpu.memory_space<semaphore_mem>>)
      %dma_wait3A_73 = arith.constant 8 : i32
      %dma_wait3A_74 = arith.constant 0 : i32
      %dma_wait3A_75 = tpu.memref_slice %arg7[%dma_wait3A_73, %dma_wait3A_74] : memref<16x128xi32, #tpu.memory_space<vmem>> -> memref<1x128xi32, #tpu.memory_space<vmem>>
      %dma_wait3A_76 = tpu.memref_squeeze %dma_wait3A_75 : memref<1x128xi32, #tpu.memory_space<vmem>> -> memref<128xi32, #tpu.memory_space<vmem>>
      %dma_wait3A_77 = arith.constant 0 : i32
      %dma_wait3A_78 = arith.constant 0 : i32
      %dma_wait3A_79 = tpu.memref_slice %arg6[%dma_wait3A_77, %dma_wait3A_78] : memref<10240x64xf32, #tpu.memory_space<vmem_shared>> -> memref<10240x64xf32, #tpu.memory_space<vmem_shared>>
      tpu.wait_indirect_dma semaphore(%arg14 : memref<!tpu.dma_semaphore, #tpu.memory_space<semaphore_mem>>) src(%arg10 : memref<128x64xf32, #tpu.memory_space<vmem>>) dst(%dma_wait3A_79 : memref<10240x64xf32, #tpu.memory_space<vmem_shared>>)
      %dma_start3A_80 = arith.constant 3 : i32
      %dma_start3A_81 = arith.constant 0 : i32
      %dma_start3A_82 = tpu.memref_slice %arg7[%dma_start3A_80, %dma_start3A_81] : memref<16x128xi32, #tpu.memory_space<vmem>> -> memref<1x128xi32, #tpu.memory_space<vmem>>
      %dma_start3A_83 = tpu.memref_squeeze %dma_start3A_82 : memref<1x128xi32, #tpu.memory_space<vmem>> -> memref<128xi32, #tpu.memory_space<vmem>>
      %dma_start3A_84 = arith.constant 0 : i32
      %dma_start3A_85 = arith.constant 0 : i32
      %dma_start3A_86 = tpu.memref_slice %arg5[%dma_start3A_84, %dma_start3A_85] : memref<10240x64xf32, #tpu.memory_space<vmem_shared>> -> memref<10240x64xf32, #tpu.memory_space<vmem_shared>>
      tpu.enqueue_indirect_dma source(%dma_start3A_86 : memref<10240x64xf32, #tpu.memory_space<vmem_shared>>) target(%arg10 : memref<128x64xf32, #tpu.memory_space<vmem>>) offsets(%dma_start3A_83 : memref<128xi32, #tpu.memory_space<vmem>>) semaphore(%arg12 : memref<!tpu.dma_semaphore, #tpu.memory_space<semaphore_mem>>)
      %dma_wait3A_87 = arith.constant 0 : i32
      %dma_wait3A_88 = arith.constant 0 : i32
      %dma_wait3A_89 = tpu.memref_slice %arg7[%dma_wait3A_87, %dma_wait3A_88] : memref<16x128xi32, #tpu.memory_space<vmem>> -> memref<1x128xi32, #tpu.memory_space<vmem>>
      %dma_wait3A_90 = tpu.memref_squeeze %dma_wait3A_89 : memref<1x128xi32, #tpu.memory_space<vmem>> -> memref<128xi32, #tpu.memory_space<vmem>>
      %dma_wait3A_91 = arith.constant 0 : i32
      %dma_wait3A_92 = arith.constant 0 : i32
      %dma_wait3A_93 = tpu.memref_slice %arg5[%dma_wait3A_91, %dma_wait3A_92] : memref<10240x64xf32, #tpu.memory_space<vmem_shared>> -> memref<10240x64xf32, #tpu.memory_space<vmem_shared>>
      tpu.wait_indirect_dma semaphore(%arg11 : memref<!tpu.dma_semaphore, #tpu.memory_space<semaphore_mem>>) src(%dma_wait3A_93 : memref<10240x64xf32, #tpu.memory_space<vmem_shared>>) dst(%arg9 : memref<128x64xf32, #tpu.memory_space<vmem>>)
      %dma_start3A_94 = arith.constant 10 : i32
      %dma_start3A_95 = arith.constant 0 : i32
      %dma_start3A_96 = tpu.memref_slice %arg7[%dma_start3A_94, %dma_start3A_95] : memref<16x128xi32, #tpu.memory_space<vmem>> -> memref<1x128xi32, #tpu.memory_space<vmem>>
      %dma_start3A_97 = tpu.memref_squeeze %dma_start3A_96 : memref<1x128xi32, #tpu.memory_space<vmem>> -> memref<128xi32, #tpu.memory_space<vmem>>
      %dma_start3A_98 = arith.constant 0 : i32
      %dma_start3A_99 = arith.constant 0 : i32
      %dma_start3A_100 = tpu.memref_slice %arg6[%dma_start3A_98, %dma_start3A_99] : memref<10240x64xf32, #tpu.memory_space<vmem_shared>> -> memref<10240x64xf32, #tpu.memory_space<vmem_shared>>
      tpu.enqueue_indirect_dma source(%arg9 : memref<128x64xf32, #tpu.memory_space<vmem>>) target(%dma_start3A_100 : memref<10240x64xf32, #tpu.memory_space<vmem_shared>>) offsets(%dma_start3A_97 : memref<128xi32, #tpu.memory_space<vmem>>) semaphore(%arg13 : memref<!tpu.dma_semaphore, #tpu.memory_space<semaphore_mem>>) {add = true}
      %dma_wait3A_101 = arith.constant 0 : i32
      %dma_wait3A_102 = arith.constant 0 : i32
      %dma_wait3A_103 = tpu.memref_slice %arg7[%dma_wait3A_101, %dma_wait3A_102] : memref<16x128xi32, #tpu.memory_space<vmem>> -> memref<1x128xi32, #tpu.memory_space<vmem>>
      %dma_wait3A_104 = tpu.memref_squeeze %dma_wait3A_103 : memref<1x128xi32, #tpu.memory_space<vmem>> -> memref<128xi32, #tpu.memory_space<vmem>>
      %dma_wait3A_105 = arith.constant 0 : i32
      %dma_wait3A_106 = arith.constant 0 : i32
      %dma_wait3A_107 = tpu.memref_slice %arg5[%dma_wait3A_105, %dma_wait3A_106] : memref<10240x64xf32, #tpu.memory_space<vmem_shared>> -> memref<10240x64xf32, #tpu.memory_space<vmem_shared>>
      tpu.wait_indirect_dma semaphore(%arg12 : memref<!tpu.dma_semaphore, #tpu.memory_space<semaphore_mem>>) src(%dma_wait3A_107 : memref<10240x64xf32, #tpu.memory_space<vmem_shared>>) dst(%arg10 : memref<128x64xf32, #tpu.memory_space<vmem>>)
      %dma_start3A_108 = arith.constant 11 : i32
      %dma_start3A_109 = arith.constant 0 : i32
      %dma_start3A_110 = tpu.memref_slice %arg7[%dma_start3A_108, %dma_start3A_109] : memref<16x128xi32, #tpu.memory_space<vmem>> -> memref<1x128xi32, #tpu.memory_space<vmem>>
      %dma_start3A_111 = tpu.memref_squeeze %dma_start3A_110 : memref<1x128xi32, #tpu.memory_space<vmem>> -> memref<128xi32, #tpu.memory_space<vmem>>
      %dma_start3A_112 = arith.constant 0 : i32
      %dma_start3A_113 = arith.constant 0 : i32
      %dma_start3A_114 = tpu.memref_slice %arg6[%dma_start3A_112, %dma_start3A_113] : memref<10240x64xf32, #tpu.memory_space<vmem_shared>> -> memref<10240x64xf32, #tpu.memory_space<vmem_shared>>
      tpu.enqueue_indirect_dma source(%arg10 : memref<128x64xf32, #tpu.memory_space<vmem>>) target(%dma_start3A_114 : memref<10240x64xf32, #tpu.memory_space<vmem_shared>>) offsets(%dma_start3A_111 : memref<128xi32, #tpu.memory_space<vmem>>) semaphore(%arg14 : memref<!tpu.dma_semaphore, #tpu.memory_space<semaphore_mem>>) {add = true}
      %dma_wait3A_115 = arith.constant 8 : i32
      %dma_wait3A_116 = arith.constant 0 : i32
      %dma_wait3A_117 = tpu.memref_slice %arg7[%dma_wait3A_115, %dma_wait3A_116] : memref<16x128xi32, #tpu.memory_space<vmem>> -> memref<1x128xi32, #tpu.memory_space<vmem>>
      %dma_wait3A_118 = tpu.memref_squeeze %dma_wait3A_117 : memref<1x128xi32, #tpu.memory_space<vmem>> -> memref<128xi32, #tpu.memory_space<vmem>>
      %dma_wait3A_119 = arith.constant 0 : i32
      %dma_wait3A_120 = arith.constant 0 : i32
      %dma_wait3A_121 = tpu.memref_slice %arg6[%dma_wait3A_119, %dma_wait3A_120] : memref<10240x64xf32, #tpu.memory_space<vmem_shared>> -> memref<10240x64xf32, #tpu.memory_space<vmem_shared>>
      tpu.wait_indirect_dma semaphore(%arg13 : memref<!tpu.dma_semaphore, #tpu.memory_space<semaphore_mem>>) src(%arg9 : memref<128x64xf32, #tpu.memory_space<vmem>>) dst(%dma_wait3A_121 : memref<10240x64xf32, #tpu.memory_space<vmem_shared>>)
      %dma_start3A_122 = arith.constant 4 : i32
      %dma_start3A_123 = arith.constant 0 : i32
      %dma_start3A_124 = tpu.memref_slice %arg7[%dma_start3A_122, %dma_start3A_123] : memref<16x128xi32, #tpu.memory_space<vmem>> -> memref<1x128xi32, #tpu.memory_space<vmem>>
      %dma_start3A_125 = tpu.memref_squeeze %dma_start3A_124 : memref<1x128xi32, #tpu.memory_space<vmem>> -> memref<128xi32, #tpu.memory_space<vmem>>
      %dma_start3A_126 = arith.constant 0 : i32
      %dma_start3A_127 = arith.constant 0 : i32
      %dma_start3A_128 = tpu.memref_slice %arg5[%dma_start3A_126, %dma_start3A_127] : memref<10240x64xf32, #tpu.memory_space<vmem_shared>> -> memref<10240x64xf32, #tpu.memory_space<vmem_shared>>
      tpu.enqueue_indirect_dma source(%dma_start3A_128 : memref<10240x64xf32, #tpu.memory_space<vmem_shared>>) target(%arg9 : memref<128x64xf32, #tpu.memory_space<vmem>>) offsets(%dma_start3A_125 : memref<128xi32, #tpu.memory_space<vmem>>) semaphore(%arg11 : memref<!tpu.dma_semaphore, #tpu.memory_space<semaphore_mem>>)
      %dma_wait3A_129 = arith.constant 8 : i32
      %dma_wait3A_130 = arith.constant 0 : i32
      %dma_wait3A_131 = tpu.memref_slice %arg7[%dma_wait3A_129, %dma_wait3A_130] : memref<16x128xi32, #tpu.memory_space<vmem>> -> memref<1x128xi32, #tpu.memory_space<vmem>>
      %dma_wait3A_132 = tpu.memref_squeeze %dma_wait3A_131 : memref<1x128xi32, #tpu.memory_space<vmem>> -> memref<128xi32, #tpu.memory_space<vmem>>
      %dma_wait3A_133 = arith.constant 0 : i32
      %dma_wait3A_134 = arith.constant 0 : i32
      %dma_wait3A_135 = tpu.memref_slice %arg6[%dma_wait3A_133, %dma_wait3A_134] : memref<10240x64xf32, #tpu.memory_space<vmem_shared>> -> memref<10240x64xf32, #tpu.memory_space<vmem_shared>>
      tpu.wait_indirect_dma semaphore(%arg14 : memref<!tpu.dma_semaphore, #tpu.memory_space<semaphore_mem>>) src(%arg10 : memref<128x64xf32, #tpu.memory_space<vmem>>) dst(%dma_wait3A_135 : memref<10240x64xf32, #tpu.memory_space<vmem_shared>>)
      %dma_start3A_136 = arith.constant 5 : i32
      %dma_start3A_137 = arith.constant 0 : i32
      %dma_start3A_138 = tpu.memref_slice %arg7[%dma_start3A_136, %dma_start3A_137] : memref<16x128xi32, #tpu.memory_space<vmem>> -> memref<1x128xi32, #tpu.memory_space<vmem>>
      %dma_start3A_139 = tpu.memref_squeeze %dma_start3A_138 : memref<1x128xi32, #tpu.memory_space<vmem>> -> memref<128xi32, #tpu.memory_space<vmem>>
      %dma_start3A_140 = arith.constant 0 : i32
      %dma_start3A_141 = arith.constant 0 : i32
      %dma_start3A_142 = tpu.memref_slice %arg5[%dma_start3A_140, %dma_start3A_141] : memref<10240x64xf32, #tpu.memory_space<vmem_shared>> -> memref<10240x64xf32, #tpu.memory_space<vmem_shared>>
      tpu.enqueue_indirect_dma source(%dma_start3A_142 : memref<10240x64xf32, #tpu.memory_space<vmem_shared>>) target(%arg10 : memref<128x64xf32, #tpu.memory_space<vmem>>) offsets(%dma_start3A_139 : memref<128xi32, #tpu.memory_space<vmem>>) semaphore(%arg12 : memref<!tpu.dma_semaphore, #tpu.memory_space<semaphore_mem>>)
      %dma_wait3A_143 = arith.constant 0 : i32
      %dma_wait3A_144 = arith.constant 0 : i32
      %dma_wait3A_145 = tpu.memref_slice %arg7[%dma_wait3A_143, %dma_wait3A_144] : memref<16x128xi32, #tpu.memory_space<vmem>> -> memref<1x128xi32, #tpu.memory_space<vmem>>
      %dma_wait3A_146 = tpu.memref_squeeze %dma_wait3A_145 : memref<1x128xi32, #tpu.memory_space<vmem>> -> memref<128xi32, #tpu.memory_space<vmem>>
      %dma_wait3A_147 = arith.constant 0 : i32
      %dma_wait3A_148 = arith.constant 0 : i32
      %dma_wait3A_149 = tpu.memref_slice %arg5[%dma_wait3A_147, %dma_wait3A_148] : memref<10240x64xf32, #tpu.memory_space<vmem_shared>> -> memref<10240x64xf32, #tpu.memory_space<vmem_shared>>
      tpu.wait_indirect_dma semaphore(%arg11 : memref<!tpu.dma_semaphore, #tpu.memory_space<semaphore_mem>>) src(%dma_wait3A_149 : memref<10240x64xf32, #tpu.memory_space<vmem_shared>>) dst(%arg9 : memref<128x64xf32, #tpu.memory_space<vmem>>)
      %dma_start3A_150 = arith.constant 12 : i32
      %dma_start3A_151 = arith.constant 0 : i32
      %dma_start3A_152 = tpu.memref_slice %arg7[%dma_start3A_150, %dma_start3A_151] : memref<16x128xi32, #tpu.memory_space<vmem>> -> memref<1x128xi32, #tpu.memory_space<vmem>>
      %dma_start3A_153 = tpu.memref_squeeze %dma_start3A_152 : memref<1x128xi32, #tpu.memory_space<vmem>> -> memref<128xi32, #tpu.memory_space<vmem>>
      %dma_start3A_154 = arith.constant 0 : i32
      %dma_start3A_155 = arith.constant 0 : i32
      %dma_start3A_156 = tpu.memref_slice %arg6[%dma_start3A_154, %dma_start3A_155] : memref<10240x64xf32, #tpu.memory_space<vmem_shared>> -> memref<10240x64xf32, #tpu.memory_space<vmem_shared>>
      tpu.enqueue_indirect_dma source(%arg9 : memref<128x64xf32, #tpu.memory_space<vmem>>) target(%dma_start3A_156 : memref<10240x64xf32, #tpu.memory_space<vmem_shared>>) offsets(%dma_start3A_153 : memref<128xi32, #tpu.memory_space<vmem>>) semaphore(%arg13 : memref<!tpu.dma_semaphore, #tpu.memory_space<semaphore_mem>>) {add = true}
      %dma_wait3A_157 = arith.constant 0 : i32
      %dma_wait3A_158 = arith.constant 0 : i32
      %dma_wait3A_159 = tpu.memref_slice %arg7[%dma_wait3A_157, %dma_wait3A_158] : memref<16x128xi32, #tpu.memory_space<vmem>> -> memref<1x128xi32, #tpu.memory_space<vmem>>
      %dma_wait3A_160 = tpu.memref_squeeze %dma_wait3A_159 : memref<1x128xi32, #tpu.memory_space<vmem>> -> memref<128xi32, #tpu.memory_space<vmem>>
      %dma_wait3A_161 = arith.constant 0 : i32
      %dma_wait3A_162 = arith.constant 0 : i32
      %dma_wait3A_163 = tpu.memref_slice %arg5[%dma_wait3A_161, %dma_wait3A_162] : memref<10240x64xf32, #tpu.memory_space<vmem_shared>> -> memref<10240x64xf32, #tpu.memory_space<vmem_shared>>
      tpu.wait_indirect_dma semaphore(%arg12 : memref<!tpu.dma_semaphore, #tpu.memory_space<semaphore_mem>>) src(%dma_wait3A_163 : memref<10240x64xf32, #tpu.memory_space<vmem_shared>>) dst(%arg10 : memref<128x64xf32, #tpu.memory_space<vmem>>)
      %dma_start3A_164 = arith.constant 13 : i32
      %dma_start3A_165 = arith.constant 0 : i32
      %dma_start3A_166 = tpu.memref_slice %arg7[%dma_start3A_164, %dma_start3A_165] : memref<16x128xi32, #tpu.memory_space<vmem>> -> memref<1x128xi32, #tpu.memory_space<vmem>>
      %dma_start3A_167 = tpu.memref_squeeze %dma_start3A_166 : memref<1x128xi32, #tpu.memory_space<vmem>> -> memref<128xi32, #tpu.memory_space<vmem>>
      %dma_start3A_168 = arith.constant 0 : i32
      %dma_start3A_169 = arith.constant 0 : i32
      %dma_start3A_170 = tpu.memref_slice %arg6[%dma_start3A_168, %dma_start3A_169] : memref<10240x64xf32, #tpu.memory_space<vmem_shared>> -> memref<10240x64xf32, #tpu.memory_space<vmem_shared>>
      tpu.enqueue_indirect_dma source(%arg10 : memref<128x64xf32, #tpu.memory_space<vmem>>) target(%dma_start3A_170 : memref<10240x64xf32, #tpu.memory_space<vmem_shared>>) offsets(%dma_start3A_167 : memref<128xi32, #tpu.memory_space<vmem>>) semaphore(%arg14 : memref<!tpu.dma_semaphore, #tpu.memory_space<semaphore_mem>>) {add = true}
      %dma_wait3A_171 = arith.constant 8 : i32
      %dma_wait3A_172 = arith.constant 0 : i32
      %dma_wait3A_173 = tpu.memref_slice %arg7[%dma_wait3A_171, %dma_wait3A_172] : memref<16x128xi32, #tpu.memory_space<vmem>> -> memref<1x128xi32, #tpu.memory_space<vmem>>
      %dma_wait3A_174 = tpu.memref_squeeze %dma_wait3A_173 : memref<1x128xi32, #tpu.memory_space<vmem>> -> memref<128xi32, #tpu.memory_space<vmem>>
      %dma_wait3A_175 = arith.constant 0 : i32
      %dma_wait3A_176 = arith.constant 0 : i32
      %dma_wait3A_177 = tpu.memref_slice %arg6[%dma_wait3A_175, %dma_wait3A_176] : memref<10240x64xf32, #tpu.memory_space<vmem_shared>> -> memref<10240x64xf32, #tpu.memory_space<vmem_shared>>
      tpu.wait_indirect_dma semaphore(%arg13 : memref<!tpu.dma_semaphore, #tpu.memory_space<semaphore_mem>>) src(%arg9 : memref<128x64xf32, #tpu.memory_space<vmem>>) dst(%dma_wait3A_177 : memref<10240x64xf32, #tpu.memory_space<vmem_shared>>)
      %dma_start3A_178 = arith.constant 6 : i32
      %dma_start3A_179 = arith.constant 0 : i32
      %dma_start3A_180 = tpu.memref_slice %arg7[%dma_start3A_178, %dma_start3A_179] : memref<16x128xi32, #tpu.memory_space<vmem>> -> memref<1x128xi32, #tpu.memory_space<vmem>>
      %dma_start3A_181 = tpu.memref_squeeze %dma_start3A_180 : memref<1x128xi32, #tpu.memory_space<vmem>> -> memref<128xi32, #tpu.memory_space<vmem>>
      %dma_start3A_182 = arith.constant 0 : i32
      %dma_start3A_183 = arith.constant 0 : i32
      %dma_start3A_184 = tpu.memref_slice %arg5[%dma_start3A_182, %dma_start3A_183] : memref<10240x64xf32, #tpu.memory_space<vmem_shared>> -> memref<10240x64xf32, #tpu.memory_space<vmem_shared>>
      tpu.enqueue_indirect_dma source(%dma_start3A_184 : memref<10240x64xf32, #tpu.memory_space<vmem_shared>>) target(%arg9 : memref<128x64xf32, #tpu.memory_space<vmem>>) offsets(%dma_start3A_181 : memref<128xi32, #tpu.memory_space<vmem>>) semaphore(%arg11 : memref<!tpu.dma_semaphore, #tpu.memory_space<semaphore_mem>>)
      %dma_wait3A_185 = arith.constant 8 : i32
      %dma_wait3A_186 = arith.constant 0 : i32
      %dma_wait3A_187 = tpu.memref_slice %arg7[%dma_wait3A_185, %dma_wait3A_186] : memref<16x128xi32, #tpu.memory_space<vmem>> -> memref<1x128xi32, #tpu.memory_space<vmem>>
      %dma_wait3A_188 = tpu.memref_squeeze %dma_wait3A_187 : memref<1x128xi32, #tpu.memory_space<vmem>> -> memref<128xi32, #tpu.memory_space<vmem>>
      %dma_wait3A_189 = arith.constant 0 : i32
      %dma_wait3A_190 = arith.constant 0 : i32
      %dma_wait3A_191 = tpu.memref_slice %arg6[%dma_wait3A_189, %dma_wait3A_190] : memref<10240x64xf32, #tpu.memory_space<vmem_shared>> -> memref<10240x64xf32, #tpu.memory_space<vmem_shared>>
      tpu.wait_indirect_dma semaphore(%arg14 : memref<!tpu.dma_semaphore, #tpu.memory_space<semaphore_mem>>) src(%arg10 : memref<128x64xf32, #tpu.memory_space<vmem>>) dst(%dma_wait3A_191 : memref<10240x64xf32, #tpu.memory_space<vmem_shared>>)
      %dma_start3A_192 = arith.constant 7 : i32
      %dma_start3A_193 = arith.constant 0 : i32
      %dma_start3A_194 = tpu.memref_slice %arg7[%dma_start3A_192, %dma_start3A_193] : memref<16x128xi32, #tpu.memory_space<vmem>> -> memref<1x128xi32, #tpu.memory_space<vmem>>
      %dma_start3A_195 = tpu.memref_squeeze %dma_start3A_194 : memref<1x128xi32, #tpu.memory_space<vmem>> -> memref<128xi32, #tpu.memory_space<vmem>>
      %dma_start3A_196 = arith.constant 0 : i32
      %dma_start3A_197 = arith.constant 0 : i32
      %dma_start3A_198 = tpu.memref_slice %arg5[%dma_start3A_196, %dma_start3A_197] : memref<10240x64xf32, #tpu.memory_space<vmem_shared>> -> memref<10240x64xf32, #tpu.memory_space<vmem_shared>>
      tpu.enqueue_indirect_dma source(%dma_start3A_198 : memref<10240x64xf32, #tpu.memory_space<vmem_shared>>) target(%arg10 : memref<128x64xf32, #tpu.memory_space<vmem>>) offsets(%dma_start3A_195 : memref<128xi32, #tpu.memory_space<vmem>>) semaphore(%arg12 : memref<!tpu.dma_semaphore, #tpu.memory_space<semaphore_mem>>)
      %dma_wait3A_199 = arith.constant 0 : i32
      %dma_wait3A_200 = arith.constant 0 : i32
      %dma_wait3A_201 = tpu.memref_slice %arg7[%dma_wait3A_199, %dma_wait3A_200] : memref<16x128xi32, #tpu.memory_space<vmem>> -> memref<1x128xi32, #tpu.memory_space<vmem>>
      %dma_wait3A_202 = tpu.memref_squeeze %dma_wait3A_201 : memref<1x128xi32, #tpu.memory_space<vmem>> -> memref<128xi32, #tpu.memory_space<vmem>>
      %dma_wait3A_203 = arith.constant 0 : i32
      %dma_wait3A_204 = arith.constant 0 : i32
      %dma_wait3A_205 = tpu.memref_slice %arg5[%dma_wait3A_203, %dma_wait3A_204] : memref<10240x64xf32, #tpu.memory_space<vmem_shared>> -> memref<10240x64xf32, #tpu.memory_space<vmem_shared>>
      tpu.wait_indirect_dma semaphore(%arg11 : memref<!tpu.dma_semaphore, #tpu.memory_space<semaphore_mem>>) src(%dma_wait3A_205 : memref<10240x64xf32, #tpu.memory_space<vmem_shared>>) dst(%arg9 : memref<128x64xf32, #tpu.memory_space<vmem>>)
      %dma_start3A_206 = arith.constant 14 : i32
      %dma_start3A_207 = arith.constant 0 : i32
      %dma_start3A_208 = tpu.memref_slice %arg7[%dma_start3A_206, %dma_start3A_207] : memref<16x128xi32, #tpu.memory_space<vmem>> -> memref<1x128xi32, #tpu.memory_space<vmem>>
      %dma_start3A_209 = tpu.memref_squeeze %dma_start3A_208 : memref<1x128xi32, #tpu.memory_space<vmem>> -> memref<128xi32, #tpu.memory_space<vmem>>
      %dma_start3A_210 = arith.constant 0 : i32
      %dma_start3A_211 = arith.constant 0 : i32
      %dma_start3A_212 = tpu.memref_slice %arg6[%dma_start3A_210, %dma_start3A_211] : memref<10240x64xf32, #tpu.memory_space<vmem_shared>> -> memref<10240x64xf32, #tpu.memory_space<vmem_shared>>
      tpu.enqueue_indirect_dma source(%arg9 : memref<128x64xf32, #tpu.memory_space<vmem>>) target(%dma_start3A_212 : memref<10240x64xf32, #tpu.memory_space<vmem_shared>>) offsets(%dma_start3A_209 : memref<128xi32, #tpu.memory_space<vmem>>) semaphore(%arg13 : memref<!tpu.dma_semaphore, #tpu.memory_space<semaphore_mem>>) {add = true}
      %dma_wait3A_213 = arith.constant 0 : i32
      %dma_wait3A_214 = arith.constant 0 : i32
      %dma_wait3A_215 = tpu.memref_slice %arg7[%dma_wait3A_213, %dma_wait3A_214] : memref<16x128xi32, #tpu.memory_space<vmem>> -> memref<1x128xi32, #tpu.memory_space<vmem>>
      %dma_wait3A_216 = tpu.memref_squeeze %dma_wait3A_215 : memref<1x128xi32, #tpu.memory_space<vmem>> -> memref<128xi32, #tpu.memory_space<vmem>>
      %dma_wait3A_217 = arith.constant 0 : i32
      %dma_wait3A_218 = arith.constant 0 : i32
      %dma_wait3A_219 = tpu.memref_slice %arg5[%dma_wait3A_217, %dma_wait3A_218] : memref<10240x64xf32, #tpu.memory_space<vmem_shared>> -> memref<10240x64xf32, #tpu.memory_space<vmem_shared>>
      tpu.wait_indirect_dma semaphore(%arg12 : memref<!tpu.dma_semaphore, #tpu.memory_space<semaphore_mem>>) src(%dma_wait3A_219 : memref<10240x64xf32, #tpu.memory_space<vmem_shared>>) dst(%arg10 : memref<128x64xf32, #tpu.memory_space<vmem>>)
      %dma_start3A_220 = arith.constant 15 : i32
      %dma_start3A_221 = arith.constant 0 : i32
      %dma_start3A_222 = tpu.memref_slice %arg7[%dma_start3A_220, %dma_start3A_221] : memref<16x128xi32, #tpu.memory_space<vmem>> -> memref<1x128xi32, #tpu.memory_space<vmem>>
      %dma_start3A_223 = tpu.memref_squeeze %dma_start3A_222 : memref<1x128xi32, #tpu.memory_space<vmem>> -> memref<128xi32, #tpu.memory_space<vmem>>
      %dma_start3A_224 = arith.constant 0 : i32
      %dma_start3A_225 = arith.constant 0 : i32
      %dma_start3A_226 = tpu.memref_slice %arg6[%dma_start3A_224, %dma_start3A_225] : memref<10240x64xf32, #tpu.memory_space<vmem_shared>> -> memref<10240x64xf32, #tpu.memory_space<vmem_shared>>
      tpu.enqueue_indirect_dma source(%arg10 : memref<128x64xf32, #tpu.memory_space<vmem>>) target(%dma_start3A_226 : memref<10240x64xf32, #tpu.memory_space<vmem_shared>>) offsets(%dma_start3A_223 : memref<128xi32, #tpu.memory_space<vmem>>) semaphore(%arg14 : memref<!tpu.dma_semaphore, #tpu.memory_space<semaphore_mem>>) {add = true}
      %cond3A = arith.constant 1 : i32
      %dma_wait3A_227 = arith.constant 0 : i32
      %dma_wait3A_228 = arith.constant 0 : i32
      %dma_wait3A_229 = arith.constant 0 : i32
      %dma_wait3A_230 = tpu.memref_slice %arg3[%arg1, %dma_wait3A_227, %dma_wait3A_228, %dma_wait3A_229] : memref<16x20x16x128xi32, #tpu.memory_space<hbm>> -> memref<1x1x16x128xi32, #tpu.memory_space<hbm>>
      %dma_wait3A_231 = tpu.memref_squeeze %dma_wait3A_230 : memref<1x1x16x128xi32, #tpu.memory_space<hbm>> -> memref<16x128xi32, #tpu.memory_space<hbm>>
      %dma_wait3A_232 = arith.constant 0 : i32
      %dma_wait3A_233 = arith.constant 0 : i32
      %dma_wait3A_234 = tpu.memref_slice %arg3[%arg1, %dma_wait3A_227, %dma_wait3A_232, %dma_wait3A_233] : memref<16x20x16x128xi32, #tpu.memory_space<hbm>> -> memref<1x1x16x128xi32, #tpu.memory_space<hbm>>
      %dma_wait3A_235 = tpu.memref_squeeze %dma_wait3A_234 : memref<1x1x16x128xi32, #tpu.memory_space<hbm>> -> memref<16x128xi32, #tpu.memory_space<hbm>>
      tpu.wait_dma2 semaphore(%arg16 : memref<!tpu.dma_semaphore, #tpu.memory_space<semaphore_mem>>) src(%dma_wait3A_235 : memref<16x128xi32, #tpu.memory_space<hbm>>) dst(%arg8 : memref<16x128xi32, #tpu.memory_space<vmem>>)
      %dma_wait3A_236 = arith.constant 8 : i32
      %dma_wait3A_237 = arith.constant 0 : i32
      %dma_wait3A_238 = tpu.memref_slice %arg7[%dma_wait3A_236, %dma_wait3A_237] : memref<16x128xi32, #tpu.memory_space<vmem>> -> memref<1x128xi32, #tpu.memory_space<vmem>>
      %dma_wait3A_239 = tpu.memref_squeeze %dma_wait3A_238 : memref<1x128xi32, #tpu.memory_space<vmem>> -> memref<128xi32, #tpu.memory_space<vmem>>
      %dma_wait3A_240 = arith.constant 0 : i32
      %dma_wait3A_241 = arith.constant 0 : i32
      %dma_wait3A_242 = tpu.memref_slice %arg6[%dma_wait3A_240, %dma_wait3A_241] : memref<10240x64xf32, #tpu.memory_space<vmem_shared>> -> memref<10240x64xf32, #tpu.memory_space<vmem_shared>>
      tpu.wait_indirect_dma semaphore(%arg13 : memref<!tpu.dma_semaphore, #tpu.memory_space<semaphore_mem>>) src(%arg9 : memref<128x64xf32, #tpu.memory_space<vmem>>) dst(%dma_wait3A_242 : memref<10240x64xf32, #tpu.memory_space<vmem_shared>>)
      %dma_start3A_243 = arith.constant 0 : i32
      %dma_start3A_244 = arith.constant 0 : i32
      %dma_start3A_245 = tpu.memref_slice %arg8[%dma_start3A_243, %dma_start3A_244] : memref<16x128xi32, #tpu.memory_space<vmem>> -> memref<1x128xi32, #tpu.memory_space<vmem>>
      %dma_start3A_246 = tpu.memref_squeeze %dma_start3A_245 : memref<1x128xi32, #tpu.memory_space<vmem>> -> memref<128xi32, #tpu.memory_space<vmem>>
      %dma_start3A_247 = arith.constant 0 : i32
      %dma_start3A_248 = arith.constant 0 : i32
      %dma_start3A_249 = tpu.memref_slice %arg5[%dma_start3A_247, %dma_start3A_248] : memref<10240x64xf32, #tpu.memory_space<vmem_shared>> -> memref<10240x64xf32, #tpu.memory_space<vmem_shared>>
      tpu.enqueue_indirect_dma source(%dma_start3A_249 : memref<10240x64xf32, #tpu.memory_space<vmem_shared>>) target(%arg9 : memref<128x64xf32, #tpu.memory_space<vmem>>) offsets(%dma_start3A_246 : memref<128xi32, #tpu.memory_space<vmem>>) semaphore(%arg11 : memref<!tpu.dma_semaphore, #tpu.memory_space<semaphore_mem>>)
      %dma_wait3A_250 = arith.constant 8 : i32
      %dma_wait3A_251 = arith.constant 0 : i32
      %dma_wait3A_252 = tpu.memref_slice %arg7[%dma_wait3A_250, %dma_wait3A_251] : memref<16x128xi32, #tpu.memory_space<vmem>> -> memref<1x128xi32, #tpu.memory_space<vmem>>
      %dma_wait3A_253 = tpu.memref_squeeze %dma_wait3A_252 : memref<1x128xi32, #tpu.memory_space<vmem>> -> memref<128xi32, #tpu.memory_space<vmem>>
      %dma_wait3A_254 = arith.constant 0 : i32
      %dma_wait3A_255 = arith.constant 0 : i32
      %dma_wait3A_256 = tpu.memref_slice %arg6[%dma_wait3A_254, %dma_wait3A_255] : memref<10240x64xf32, #tpu.memory_space<vmem_shared>> -> memref<10240x64xf32, #tpu.memory_space<vmem_shared>>
      tpu.wait_indirect_dma semaphore(%arg14 : memref<!tpu.dma_semaphore, #tpu.memory_space<semaphore_mem>>) src(%arg10 : memref<128x64xf32, #tpu.memory_space<vmem>>) dst(%dma_wait3A_256 : memref<10240x64xf32, #tpu.memory_space<vmem_shared>>)
      %dma_start3A_257 = arith.constant 1 : i32
      %dma_start3A_258 = arith.constant 0 : i32
      %dma_start3A_259 = tpu.memref_slice %arg8[%dma_start3A_257, %dma_start3A_258] : memref<16x128xi32, #tpu.memory_space<vmem>> -> memref<1x128xi32, #tpu.memory_space<vmem>>
      %dma_start3A_260 = tpu.memref_squeeze %dma_start3A_259 : memref<1x128xi32, #tpu.memory_space<vmem>> -> memref<128xi32, #tpu.memory_space<vmem>>
      %dma_start3A_261 = arith.constant 0 : i32
      %dma_start3A_262 = arith.constant 0 : i32
      %dma_start3A_263 = tpu.memref_slice %arg5[%dma_start3A_261, %dma_start3A_262] : memref<10240x64xf32, #tpu.memory_space<vmem_shared>> -> memref<10240x64xf32, #tpu.memory_space<vmem_shared>>
      tpu.enqueue_indirect_dma source(%dma_start3A_263 : memref<10240x64xf32, #tpu.memory_space<vmem_shared>>) target(%arg10 : memref<128x64xf32, #tpu.memory_space<vmem>>) offsets(%dma_start3A_260 : memref<128xi32, #tpu.memory_space<vmem>>) semaphore(%arg12 : memref<!tpu.dma_semaphore, #tpu.memory_space<semaphore_mem>>)
      %not3A = arith.constant true
      %not3A_264 = arith.constant true
      %not3A_265 = arith.xori %not3A, %not3A_264 : i1
      %convert_element_type3A = arith.extui %not3A_265 : i1 to i32
      %cond3A_266 = arith.constant 0 : i32
      %cond3A_267 = arith.cmpi ne, %convert_element_type3A, %cond3A_266 : i32
      scf.if %cond3A_267 {
        %dma_wait3A_488 = arith.constant 8 : i32
        %dma_wait3A_489 = arith.constant 0 : i32
        %dma_wait3A_490 = tpu.memref_slice %arg7[%dma_wait3A_488, %dma_wait3A_489] : memref<16x128xi32, #tpu.memory_space<vmem>> -> memref<1x128xi32, #tpu.memory_space<vmem>>
        %dma_wait3A_491 = tpu.memref_squeeze %dma_wait3A_490 : memref<1x128xi32, #tpu.memory_space<vmem>> -> memref<128xi32, #tpu.memory_space<vmem>>
        %dma_wait3A_492 = arith.constant 0 : i32
        %dma_wait3A_493 = arith.constant 0 : i32
        %dma_wait3A_494 = tpu.memref_slice %arg6[%dma_wait3A_492, %dma_wait3A_493] : memref<10240x64xf32, #tpu.memory_space<vmem_shared>> -> memref<10240x64xf32, #tpu.memory_space<vmem_shared>>
        tpu.wait_indirect_dma semaphore(%arg13 : memref<!tpu.dma_semaphore, #tpu.memory_space<semaphore_mem>>) src(%arg9 : memref<128x64xf32, #tpu.memory_space<vmem>>) dst(%dma_wait3A_494 : memref<10240x64xf32, #tpu.memory_space<vmem_shared>>)
        %dma_wait3A_495 = arith.constant 8 : i32
        %dma_wait3A_496 = arith.constant 0 : i32
        %dma_wait3A_497 = tpu.memref_slice %arg7[%dma_wait3A_495, %dma_wait3A_496] : memref<16x128xi32, #tpu.memory_space<vmem>> -> memref<1x128xi32, #tpu.memory_space<vmem>>
        %dma_wait3A_498 = tpu.memref_squeeze %dma_wait3A_497 : memref<1x128xi32, #tpu.memory_space<vmem>> -> memref<128xi32, #tpu.memory_space<vmem>>
        %dma_wait3A_499 = arith.constant 0 : i32
        %dma_wait3A_500 = arith.constant 0 : i32
        %dma_wait3A_501 = tpu.memref_slice %arg6[%dma_wait3A_499, %dma_wait3A_500] : memref<10240x64xf32, #tpu.memory_space<vmem_shared>> -> memref<10240x64xf32, #tpu.memory_space<vmem_shared>>
        tpu.wait_indirect_dma semaphore(%arg14 : memref<!tpu.dma_semaphore, #tpu.memory_space<semaphore_mem>>) src(%arg10 : memref<128x64xf32, #tpu.memory_space<vmem>>) dst(%dma_wait3A_501 : memref<10240x64xf32, #tpu.memory_space<vmem_shared>>)
      } else {
      }
      %add3A = arith.constant 2 : i32
      %add3A_268 = arith.addi %mul3A_31, %add3A : i32
      %lt3A = arith.constant 20 : i32
      %lt3A_269 = arith.cmpi slt, %add3A_268, %lt3A : i32
      %convert_element_type3A_270 = arith.extui %lt3A_269 : i1 to i32
      %cond3A_271 = arith.constant 0 : i32
      %cond3A_272 = arith.cmpi ne, %convert_element_type3A_270, %cond3A_271 : i32
      scf.if %cond3A_272 {
        %add3A_488 = arith.constant 2 : i32
        %add3A_489 = arith.addi %mul3A_31, %add3A_488 : i32
        %dma_start3A_490 = arith.constant 0 : i32
        %dma_start3A_491 = arith.constant 0 : i32
        %dma_start3A_492 = tpu.memref_slice %arg3[%arg1, %add3A_489, %dma_start3A_490, %dma_start3A_491] : memref<16x20x16x128xi32, #tpu.memory_space<hbm>> -> memref<1x1x16x128xi32, #tpu.memory_space<hbm>>
        %dma_start3A_493 = tpu.memref_squeeze %dma_start3A_492 : memref<1x1x16x128xi32, #tpu.memory_space<hbm>> -> memref<16x128xi32, #tpu.memory_space<hbm>>
        %dma_start3A_494 = arith.constant 0 : i32
        %dma_start3A_495 = arith.constant 0 : i32
        %dma_start3A_496 = tpu.memref_slice %arg3[%arg1, %add3A_489, %dma_start3A_494, %dma_start3A_495] : memref<16x20x16x128xi32, #tpu.memory_space<hbm>> -> memref<1x1x16x128xi32, #tpu.memory_space<hbm>>
        %dma_start3A_497 = tpu.memref_squeeze %dma_start3A_496 : memref<1x1x16x128xi32, #tpu.memory_space<hbm>> -> memref<16x128xi32, #tpu.memory_space<hbm>>
        tpu.enqueue_dma source(%dma_start3A_497 : memref<16x128xi32, #tpu.memory_space<hbm>>) target(%arg7 : memref<16x128xi32, #tpu.memory_space<vmem>>) target_semaphore(%arg15 : memref<!tpu.dma_semaphore, #tpu.memory_space<semaphore_mem>>)
      } else {
      }
      %add3A_273 = arith.constant 2 : i32
      %add3A_274 = arith.addi %mul3A_31, %add3A_273 : i32
      %lt3A_275 = arith.constant 20 : i32
      %lt3A_276 = arith.cmpi slt, %add3A_274, %lt3A_275 : i32
      %dma_wait3A_277 = arith.constant 0 : i32
      %dma_wait3A_278 = arith.constant 0 : i32
      %dma_wait3A_279 = tpu.memref_slice %arg8[%dma_wait3A_277, %dma_wait3A_278] : memref<16x128xi32, #tpu.memory_space<vmem>> -> memref<1x128xi32, #tpu.memory_space<vmem>>
      %dma_wait3A_280 = tpu.memref_squeeze %dma_wait3A_279 : memref<1x128xi32, #tpu.memory_space<vmem>> -> memref<128xi32, #tpu.memory_space<vmem>>
      %dma_wait3A_281 = arith.constant 0 : i32
      %dma_wait3A_282 = arith.constant 0 : i32
      %dma_wait3A_283 = tpu.memref_slice %arg5[%dma_wait3A_281, %dma_wait3A_282] : memref<10240x64xf32, #tpu.memory_space<vmem_shared>> -> memref<10240x64xf32, #tpu.memory_space<vmem_shared>>
      tpu.wait_indirect_dma semaphore(%arg11 : memref<!tpu.dma_semaphore, #tpu.memory_space<semaphore_mem>>) src(%dma_wait3A_283 : memref<10240x64xf32, #tpu.memory_space<vmem_shared>>) dst(%arg9 : memref<128x64xf32, #tpu.memory_space<vmem>>)
      %dma_start3A_284 = arith.constant 8 : i32
      %dma_start3A_285 = arith.constant 0 : i32
      %dma_start3A_286 = tpu.memref_slice %arg8[%dma_start3A_284, %dma_start3A_285] : memref<16x128xi32, #tpu.memory_space<vmem>> -> memref<1x128xi32, #tpu.memory_space<vmem>>
      %dma_start3A_287 = tpu.memref_squeeze %dma_start3A_286 : memref<1x128xi32, #tpu.memory_space<vmem>> -> memref<128xi32, #tpu.memory_space<vmem>>
      %dma_start3A_288 = arith.constant 0 : i32
      %dma_start3A_289 = arith.constant 0 : i32
      %dma_start3A_290 = tpu.memref_slice %arg6[%dma_start3A_288, %dma_start3A_289] : memref<10240x64xf32, #tpu.memory_space<vmem_shared>> -> memref<10240x64xf32, #tpu.memory_space<vmem_shared>>
      tpu.enqueue_indirect_dma source(%arg9 : memref<128x64xf32, #tpu.memory_space<vmem>>) target(%dma_start3A_290 : memref<10240x64xf32, #tpu.memory_space<vmem_shared>>) offsets(%dma_start3A_287 : memref<128xi32, #tpu.memory_space<vmem>>) semaphore(%arg13 : memref<!tpu.dma_semaphore, #tpu.memory_space<semaphore_mem>>) {add = true}
      %dma_wait3A_291 = arith.constant 0 : i32
      %dma_wait3A_292 = arith.constant 0 : i32
      %dma_wait3A_293 = tpu.memref_slice %arg8[%dma_wait3A_291, %dma_wait3A_292] : memref<16x128xi32, #tpu.memory_space<vmem>> -> memref<1x128xi32, #tpu.memory_space<vmem>>
      %dma_wait3A_294 = tpu.memref_squeeze %dma_wait3A_293 : memref<1x128xi32, #tpu.memory_space<vmem>> -> memref<128xi32, #tpu.memory_space<vmem>>
      %dma_wait3A_295 = arith.constant 0 : i32
      %dma_wait3A_296 = arith.constant 0 : i32
      %dma_wait3A_297 = tpu.memref_slice %arg5[%dma_wait3A_295, %dma_wait3A_296] : memref<10240x64xf32, #tpu.memory_space<vmem_shared>> -> memref<10240x64xf32, #tpu.memory_space<vmem_shared>>
      tpu.wait_indirect_dma semaphore(%arg12 : memref<!tpu.dma_semaphore, #tpu.memory_space<semaphore_mem>>) src(%dma_wait3A_297 : memref<10240x64xf32, #tpu.memory_space<vmem_shared>>) dst(%arg10 : memref<128x64xf32, #tpu.memory_space<vmem>>)
      %dma_start3A_298 = arith.constant 9 : i32
      %dma_start3A_299 = arith.constant 0 : i32
      %dma_start3A_300 = tpu.memref_slice %arg8[%dma_start3A_298, %dma_start3A_299] : memref<16x128xi32, #tpu.memory_space<vmem>> -> memref<1x128xi32, #tpu.memory_space<vmem>>
      %dma_start3A_301 = tpu.memref_squeeze %dma_start3A_300 : memref<1x128xi32, #tpu.memory_space<vmem>> -> memref<128xi32, #tpu.memory_space<vmem>>
      %dma_start3A_302 = arith.constant 0 : i32
      %dma_start3A_303 = arith.constant 0 : i32
      %dma_start3A_304 = tpu.memref_slice %arg6[%dma_start3A_302, %dma_start3A_303] : memref<10240x64xf32, #tpu.memory_space<vmem_shared>> -> memref<10240x64xf32, #tpu.memory_space<vmem_shared>>
      tpu.enqueue_indirect_dma source(%arg10 : memref<128x64xf32, #tpu.memory_space<vmem>>) target(%dma_start3A_304 : memref<10240x64xf32, #tpu.memory_space<vmem_shared>>) offsets(%dma_start3A_301 : memref<128xi32, #tpu.memory_space<vmem>>) semaphore(%arg14 : memref<!tpu.dma_semaphore, #tpu.memory_space<semaphore_mem>>) {add = true}
      %dma_wait3A_305 = arith.constant 8 : i32
      %dma_wait3A_306 = arith.constant 0 : i32
      %dma_wait3A_307 = tpu.memref_slice %arg8[%dma_wait3A_305, %dma_wait3A_306] : memref<16x128xi32, #tpu.memory_space<vmem>> -> memref<1x128xi32, #tpu.memory_space<vmem>>
      %dma_wait3A_308 = tpu.memref_squeeze %dma_wait3A_307 : memref<1x128xi32, #tpu.memory_space<vmem>> -> memref<128xi32, #tpu.memory_space<vmem>>
      %dma_wait3A_309 = arith.constant 0 : i32
      %dma_wait3A_310 = arith.constant 0 : i32
      %dma_wait3A_311 = tpu.memref_slice %arg6[%dma_wait3A_309, %dma_wait3A_310] : memref<10240x64xf32, #tpu.memory_space<vmem_shared>> -> memref<10240x64xf32, #tpu.memory_space<vmem_shared>>
      tpu.wait_indirect_dma semaphore(%arg13 : memref<!tpu.dma_semaphore, #tpu.memory_space<semaphore_mem>>) src(%arg9 : memref<128x64xf32, #tpu.memory_space<vmem>>) dst(%dma_wait3A_311 : memref<10240x64xf32, #tpu.memory_space<vmem_shared>>)
      %dma_start3A_312 = arith.constant 2 : i32
      %dma_start3A_313 = arith.constant 0 : i32
      %dma_start3A_314 = tpu.memref_slice %arg8[%dma_start3A_312, %dma_start3A_313] : memref<16x128xi32, #tpu.memory_space<vmem>> -> memref<1x128xi32, #tpu.memory_space<vmem>>
      %dma_start3A_315 = tpu.memref_squeeze %dma_start3A_314 : memref<1x128xi32, #tpu.memory_space<vmem>> -> memref<128xi32, #tpu.memory_space<vmem>>
      %dma_start3A_316 = arith.constant 0 : i32
      %dma_start3A_317 = arith.constant 0 : i32
      %dma_start3A_318 = tpu.memref_slice %arg5[%dma_start3A_316, %dma_start3A_317] : memref<10240x64xf32, #tpu.memory_space<vmem_shared>> -> memref<10240x64xf32, #tpu.memory_space<vmem_shared>>
      tpu.enqueue_indirect_dma source(%dma_start3A_318 : memref<10240x64xf32, #tpu.memory_space<vmem_shared>>) target(%arg9 : memref<128x64xf32, #tpu.memory_space<vmem>>) offsets(%dma_start3A_315 : memref<128xi32, #tpu.memory_space<vmem>>) semaphore(%arg11 : memref<!tpu.dma_semaphore, #tpu.memory_space<semaphore_mem>>)
      %dma_wait3A_319 = arith.constant 8 : i32
      %dma_wait3A_320 = arith.constant 0 : i32
      %dma_wait3A_321 = tpu.memref_slice %arg8[%dma_wait3A_319, %dma_wait3A_320] : memref<16x128xi32, #tpu.memory_space<vmem>> -> memref<1x128xi32, #tpu.memory_space<vmem>>
      %dma_wait3A_322 = tpu.memref_squeeze %dma_wait3A_321 : memref<1x128xi32, #tpu.memory_space<vmem>> -> memref<128xi32, #tpu.memory_space<vmem>>
      %dma_wait3A_323 = arith.constant 0 : i32
      %dma_wait3A_324 = arith.constant 0 : i32
      %dma_wait3A_325 = tpu.memref_slice %arg6[%dma_wait3A_323, %dma_wait3A_324] : memref<10240x64xf32, #tpu.memory_space<vmem_shared>> -> memref<10240x64xf32, #tpu.memory_space<vmem_shared>>
      tpu.wait_indirect_dma semaphore(%arg14 : memref<!tpu.dma_semaphore, #tpu.memory_space<semaphore_mem>>) src(%arg10 : memref<128x64xf32, #tpu.memory_space<vmem>>) dst(%dma_wait3A_325 : memref<10240x64xf32, #tpu.memory_space<vmem_shared>>)
      %dma_start3A_326 = arith.constant 3 : i32
      %dma_start3A_327 = arith.constant 0 : i32
      %dma_start3A_328 = tpu.memref_slice %arg8[%dma_start3A_326, %dma_start3A_327] : memref<16x128xi32, #tpu.memory_space<vmem>> -> memref<1x128xi32, #tpu.memory_space<vmem>>
      %dma_start3A_329 = tpu.memref_squeeze %dma_start3A_328 : memref<1x128xi32, #tpu.memory_space<vmem>> -> memref<128xi32, #tpu.memory_space<vmem>>
      %dma_start3A_330 = arith.constant 0 : i32
      %dma_start3A_331 = arith.constant 0 : i32
      %dma_start3A_332 = tpu.memref_slice %arg5[%dma_start3A_330, %dma_start3A_331] : memref<10240x64xf32, #tpu.memory_space<vmem_shared>> -> memref<10240x64xf32, #tpu.memory_space<vmem_shared>>
      tpu.enqueue_indirect_dma source(%dma_start3A_332 : memref<10240x64xf32, #tpu.memory_space<vmem_shared>>) target(%arg10 : memref<128x64xf32, #tpu.memory_space<vmem>>) offsets(%dma_start3A_329 : memref<128xi32, #tpu.memory_space<vmem>>) semaphore(%arg12 : memref<!tpu.dma_semaphore, #tpu.memory_space<semaphore_mem>>)
      %dma_wait3A_333 = arith.constant 0 : i32
      %dma_wait3A_334 = arith.constant 0 : i32
      %dma_wait3A_335 = tpu.memref_slice %arg8[%dma_wait3A_333, %dma_wait3A_334] : memref<16x128xi32, #tpu.memory_space<vmem>> -> memref<1x128xi32, #tpu.memory_space<vmem>>
      %dma_wait3A_336 = tpu.memref_squeeze %dma_wait3A_335 : memref<1x128xi32, #tpu.memory_space<vmem>> -> memref<128xi32, #tpu.memory_space<vmem>>
      %dma_wait3A_337 = arith.constant 0 : i32
      %dma_wait3A_338 = arith.constant 0 : i32
      %dma_wait3A_339 = tpu.memref_slice %arg5[%dma_wait3A_337, %dma_wait3A_338] : memref<10240x64xf32, #tpu.memory_space<vmem_shared>> -> memref<10240x64xf32, #tpu.memory_space<vmem_shared>>
      tpu.wait_indirect_dma semaphore(%arg11 : memref<!tpu.dma_semaphore, #tpu.memory_space<semaphore_mem>>) src(%dma_wait3A_339 : memref<10240x64xf32, #tpu.memory_space<vmem_shared>>) dst(%arg9 : memref<128x64xf32, #tpu.memory_space<vmem>>)
      %dma_start3A_340 = arith.constant 10 : i32
      %dma_start3A_341 = arith.constant 0 : i32
      %dma_start3A_342 = tpu.memref_slice %arg8[%dma_start3A_340, %dma_start3A_341] : memref<16x128xi32, #tpu.memory_space<vmem>> -> memref<1x128xi32, #tpu.memory_space<vmem>>
      %dma_start3A_343 = tpu.memref_squeeze %dma_start3A_342 : memref<1x128xi32, #tpu.memory_space<vmem>> -> memref<128xi32, #tpu.memory_space<vmem>>
      %dma_start3A_344 = arith.constant 0 : i32
      %dma_start3A_345 = arith.constant 0 : i32
      %dma_start3A_346 = tpu.memref_slice %arg6[%dma_start3A_344, %dma_start3A_345] : memref<10240x64xf32, #tpu.memory_space<vmem_shared>> -> memref<10240x64xf32, #tpu.memory_space<vmem_shared>>
      tpu.enqueue_indirect_dma source(%arg9 : memref<128x64xf32, #tpu.memory_space<vmem>>) target(%dma_start3A_346 : memref<10240x64xf32, #tpu.memory_space<vmem_shared>>) offsets(%dma_start3A_343 : memref<128xi32, #tpu.memory_space<vmem>>) semaphore(%arg13 : memref<!tpu.dma_semaphore, #tpu.memory_space<semaphore_mem>>) {add = true}
      %dma_wait3A_347 = arith.constant 0 : i32
      %dma_wait3A_348 = arith.constant 0 : i32
      %dma_wait3A_349 = tpu.memref_slice %arg8[%dma_wait3A_347, %dma_wait3A_348] : memref<16x128xi32, #tpu.memory_space<vmem>> -> memref<1x128xi32, #tpu.memory_space<vmem>>
      %dma_wait3A_350 = tpu.memref_squeeze %dma_wait3A_349 : memref<1x128xi32, #tpu.memory_space<vmem>> -> memref<128xi32, #tpu.memory_space<vmem>>
      %dma_wait3A_351 = arith.constant 0 : i32
      %dma_wait3A_352 = arith.constant 0 : i32
      %dma_wait3A_353 = tpu.memref_slice %arg5[%dma_wait3A_351, %dma_wait3A_352] : memref<10240x64xf32, #tpu.memory_space<vmem_shared>> -> memref<10240x64xf32, #tpu.memory_space<vmem_shared>>
      tpu.wait_indirect_dma semaphore(%arg12 : memref<!tpu.dma_semaphore, #tpu.memory_space<semaphore_mem>>) src(%dma_wait3A_353 : memref<10240x64xf32, #tpu.memory_space<vmem_shared>>) dst(%arg10 : memref<128x64xf32, #tpu.memory_space<vmem>>)
      %dma_start3A_354 = arith.constant 11 : i32
      %dma_start3A_355 = arith.constant 0 : i32
      %dma_start3A_356 = tpu.memref_slice %arg8[%dma_start3A_354, %dma_start3A_355] : memref<16x128xi32, #tpu.memory_space<vmem>> -> memref<1x128xi32, #tpu.memory_space<vmem>>
      %dma_start3A_357 = tpu.memref_squeeze %dma_start3A_356 : memref<1x128xi32, #tpu.memory_space<vmem>> -> memref<128xi32, #tpu.memory_space<vmem>>
      %dma_start3A_358 = arith.constant 0 : i32
      %dma_start3A_359 = arith.constant 0 : i32
      %dma_start3A_360 = tpu.memref_slice %arg6[%dma_start3A_358, %dma_start3A_359] : memref<10240x64xf32, #tpu.memory_space<vmem_shared>> -> memref<10240x64xf32, #tpu.memory_space<vmem_shared>>
      tpu.enqueue_indirect_dma source(%arg10 : memref<128x64xf32, #tpu.memory_space<vmem>>) target(%dma_start3A_360 : memref<10240x64xf32, #tpu.memory_space<vmem_shared>>) offsets(%dma_start3A_357 : memref<128xi32, #tpu.memory_space<vmem>>) semaphore(%arg14 : memref<!tpu.dma_semaphore, #tpu.memory_space<semaphore_mem>>) {add = true}
      %dma_wait3A_361 = arith.constant 8 : i32
      %dma_wait3A_362 = arith.constant 0 : i32
      %dma_wait3A_363 = tpu.memref_slice %arg8[%dma_wait3A_361, %dma_wait3A_362] : memref<16x128xi32, #tpu.memory_space<vmem>> -> memref<1x128xi32, #tpu.memory_space<vmem>>
      %dma_wait3A_364 = tpu.memref_squeeze %dma_wait3A_363 : memref<1x128xi32, #tpu.memory_space<vmem>> -> memref<128xi32, #tpu.memory_space<vmem>>
      %dma_wait3A_365 = arith.constant 0 : i32
      %dma_wait3A_366 = arith.constant 0 : i32
      %dma_wait3A_367 = tpu.memref_slice %arg6[%dma_wait3A_365, %dma_wait3A_366] : memref<10240x64xf32, #tpu.memory_space<vmem_shared>> -> memref<10240x64xf32, #tpu.memory_space<vmem_shared>>
      tpu.wait_indirect_dma semaphore(%arg13 : memref<!tpu.dma_semaphore, #tpu.memory_space<semaphore_mem>>) src(%arg9 : memref<128x64xf32, #tpu.memory_space<vmem>>) dst(%dma_wait3A_367 : memref<10240x64xf32, #tpu.memory_space<vmem_shared>>)
      %dma_start3A_368 = arith.constant 4 : i32
      %dma_start3A_369 = arith.constant 0 : i32
      %dma_start3A_370 = tpu.memref_slice %arg8[%dma_start3A_368, %dma_start3A_369] : memref<16x128xi32, #tpu.memory_space<vmem>> -> memref<1x128xi32, #tpu.memory_space<vmem>>
      %dma_start3A_371 = tpu.memref_squeeze %dma_start3A_370 : memref<1x128xi32, #tpu.memory_space<vmem>> -> memref<128xi32, #tpu.memory_space<vmem>>
      %dma_start3A_372 = arith.constant 0 : i32
      %dma_start3A_373 = arith.constant 0 : i32
      %dma_start3A_374 = tpu.memref_slice %arg5[%dma_start3A_372, %dma_start3A_373] : memref<10240x64xf32, #tpu.memory_space<vmem_shared>> -> memref<10240x64xf32, #tpu.memory_space<vmem_shared>>
      tpu.enqueue_indirect_dma source(%dma_start3A_374 : memref<10240x64xf32, #tpu.memory_space<vmem_shared>>) target(%arg9 : memref<128x64xf32, #tpu.memory_space<vmem>>) offsets(%dma_start3A_371 : memref<128xi32, #tpu.memory_space<vmem>>) semaphore(%arg11 : memref<!tpu.dma_semaphore, #tpu.memory_space<semaphore_mem>>)
      %dma_wait3A_375 = arith.constant 8 : i32
      %dma_wait3A_376 = arith.constant 0 : i32
      %dma_wait3A_377 = tpu.memref_slice %arg8[%dma_wait3A_375, %dma_wait3A_376] : memref<16x128xi32, #tpu.memory_space<vmem>> -> memref<1x128xi32, #tpu.memory_space<vmem>>
      %dma_wait3A_378 = tpu.memref_squeeze %dma_wait3A_377 : memref<1x128xi32, #tpu.memory_space<vmem>> -> memref<128xi32, #tpu.memory_space<vmem>>
      %dma_wait3A_379 = arith.constant 0 : i32
      %dma_wait3A_380 = arith.constant 0 : i32
      %dma_wait3A_381 = tpu.memref_slice %arg6[%dma_wait3A_379, %dma_wait3A_380] : memref<10240x64xf32, #tpu.memory_space<vmem_shared>> -> memref<10240x64xf32, #tpu.memory_space<vmem_shared>>
      tpu.wait_indirect_dma semaphore(%arg14 : memref<!tpu.dma_semaphore, #tpu.memory_space<semaphore_mem>>) src(%arg10 : memref<128x64xf32, #tpu.memory_space<vmem>>) dst(%dma_wait3A_381 : memref<10240x64xf32, #tpu.memory_space<vmem_shared>>)
      %dma_start3A_382 = arith.constant 5 : i32
      %dma_start3A_383 = arith.constant 0 : i32
      %dma_start3A_384 = tpu.memref_slice %arg8[%dma_start3A_382, %dma_start3A_383] : memref<16x128xi32, #tpu.memory_space<vmem>> -> memref<1x128xi32, #tpu.memory_space<vmem>>
      %dma_start3A_385 = tpu.memref_squeeze %dma_start3A_384 : memref<1x128xi32, #tpu.memory_space<vmem>> -> memref<128xi32, #tpu.memory_space<vmem>>
      %dma_start3A_386 = arith.constant 0 : i32
      %dma_start3A_387 = arith.constant 0 : i32
      %dma_start3A_388 = tpu.memref_slice %arg5[%dma_start3A_386, %dma_start3A_387] : memref<10240x64xf32, #tpu.memory_space<vmem_shared>> -> memref<10240x64xf32, #tpu.memory_space<vmem_shared>>
      tpu.enqueue_indirect_dma source(%dma_start3A_388 : memref<10240x64xf32, #tpu.memory_space<vmem_shared>>) target(%arg10 : memref<128x64xf32, #tpu.memory_space<vmem>>) offsets(%dma_start3A_385 : memref<128xi32, #tpu.memory_space<vmem>>) semaphore(%arg12 : memref<!tpu.dma_semaphore, #tpu.memory_space<semaphore_mem>>)
      %dma_wait3A_389 = arith.constant 0 : i32
      %dma_wait3A_390 = arith.constant 0 : i32
      %dma_wait3A_391 = tpu.memref_slice %arg8[%dma_wait3A_389, %dma_wait3A_390] : memref<16x128xi32, #tpu.memory_space<vmem>> -> memref<1x128xi32, #tpu.memory_space<vmem>>
      %dma_wait3A_392 = tpu.memref_squeeze %dma_wait3A_391 : memref<1x128xi32, #tpu.memory_space<vmem>> -> memref<128xi32, #tpu.memory_space<vmem>>
      %dma_wait3A_393 = arith.constant 0 : i32
      %dma_wait3A_394 = arith.constant 0 : i32
      %dma_wait3A_395 = tpu.memref_slice %arg5[%dma_wait3A_393, %dma_wait3A_394] : memref<10240x64xf32, #tpu.memory_space<vmem_shared>> -> memref<10240x64xf32, #tpu.memory_space<vmem_shared>>
      tpu.wait_indirect_dma semaphore(%arg11 : memref<!tpu.dma_semaphore, #tpu.memory_space<semaphore_mem>>) src(%dma_wait3A_395 : memref<10240x64xf32, #tpu.memory_space<vmem_shared>>) dst(%arg9 : memref<128x64xf32, #tpu.memory_space<vmem>>)
      %dma_start3A_396 = arith.constant 12 : i32
      %dma_start3A_397 = arith.constant 0 : i32
      %dma_start3A_398 = tpu.memref_slice %arg8[%dma_start3A_396, %dma_start3A_397] : memref<16x128xi32, #tpu.memory_space<vmem>> -> memref<1x128xi32, #tpu.memory_space<vmem>>
      %dma_start3A_399 = tpu.memref_squeeze %dma_start3A_398 : memref<1x128xi32, #tpu.memory_space<vmem>> -> memref<128xi32, #tpu.memory_space<vmem>>
      %dma_start3A_400 = arith.constant 0 : i32
      %dma_start3A_401 = arith.constant 0 : i32
      %dma_start3A_402 = tpu.memref_slice %arg6[%dma_start3A_400, %dma_start3A_401] : memref<10240x64xf32, #tpu.memory_space<vmem_shared>> -> memref<10240x64xf32, #tpu.memory_space<vmem_shared>>
      tpu.enqueue_indirect_dma source(%arg9 : memref<128x64xf32, #tpu.memory_space<vmem>>) target(%dma_start3A_402 : memref<10240x64xf32, #tpu.memory_space<vmem_shared>>) offsets(%dma_start3A_399 : memref<128xi32, #tpu.memory_space<vmem>>) semaphore(%arg13 : memref<!tpu.dma_semaphore, #tpu.memory_space<semaphore_mem>>) {add = true}
      %dma_wait3A_403 = arith.constant 0 : i32
      %dma_wait3A_404 = arith.constant 0 : i32
      %dma_wait3A_405 = tpu.memref_slice %arg8[%dma_wait3A_403, %dma_wait3A_404] : memref<16x128xi32, #tpu.memory_space<vmem>> -> memref<1x128xi32, #tpu.memory_space<vmem>>
      %dma_wait3A_406 = tpu.memref_squeeze %dma_wait3A_405 : memref<1x128xi32, #tpu.memory_space<vmem>> -> memref<128xi32, #tpu.memory_space<vmem>>
      %dma_wait3A_407 = arith.constant 0 : i32
      %dma_wait3A_408 = arith.constant 0 : i32
      %dma_wait3A_409 = tpu.memref_slice %arg5[%dma_wait3A_407, %dma_wait3A_408] : memref<10240x64xf32, #tpu.memory_space<vmem_shared>> -> memref<10240x64xf32, #tpu.memory_space<vmem_shared>>
      tpu.wait_indirect_dma semaphore(%arg12 : memref<!tpu.dma_semaphore, #tpu.memory_space<semaphore_mem>>) src(%dma_wait3A_409 : memref<10240x64xf32, #tpu.memory_space<vmem_shared>>) dst(%arg10 : memref<128x64xf32, #tpu.memory_space<vmem>>)
      %dma_start3A_410 = arith.constant 13 : i32
      %dma_start3A_411 = arith.constant 0 : i32
      %dma_start3A_412 = tpu.memref_slice %arg8[%dma_start3A_410, %dma_start3A_411] : memref<16x128xi32, #tpu.memory_space<vmem>> -> memref<1x128xi32, #tpu.memory_space<vmem>>
      %dma_start3A_413 = tpu.memref_squeeze %dma_start3A_412 : memref<1x128xi32, #tpu.memory_space<vmem>> -> memref<128xi32, #tpu.memory_space<vmem>>
      %dma_start3A_414 = arith.constant 0 : i32
      %dma_start3A_415 = arith.constant 0 : i32
      %dma_start3A_416 = tpu.memref_slice %arg6[%dma_start3A_414, %dma_start3A_415] : memref<10240x64xf32, #tpu.memory_space<vmem_shared>> -> memref<10240x64xf32, #tpu.memory_space<vmem_shared>>
      tpu.enqueue_indirect_dma source(%arg10 : memref<128x64xf32, #tpu.memory_space<vmem>>) target(%dma_start3A_416 : memref<10240x64xf32, #tpu.memory_space<vmem_shared>>) offsets(%dma_start3A_413 : memref<128xi32, #tpu.memory_space<vmem>>) semaphore(%arg14 : memref<!tpu.dma_semaphore, #tpu.memory_space<semaphore_mem>>) {add = true}
      %dma_wait3A_417 = arith.constant 8 : i32
      %dma_wait3A_418 = arith.constant 0 : i32
      %dma_wait3A_419 = tpu.memref_slice %arg8[%dma_wait3A_417, %dma_wait3A_418] : memref<16x128xi32, #tpu.memory_space<vmem>> -> memref<1x128xi32, #tpu.memory_space<vmem>>
      %dma_wait3A_420 = tpu.memref_squeeze %dma_wait3A_419 : memref<1x128xi32, #tpu.memory_space<vmem>> -> memref<128xi32, #tpu.memory_space<vmem>>
      %dma_wait3A_421 = arith.constant 0 : i32
      %dma_wait3A_422 = arith.constant 0 : i32
      %dma_wait3A_423 = tpu.memref_slice %arg6[%dma_wait3A_421, %dma_wait3A_422] : memref<10240x64xf32, #tpu.memory_space<vmem_shared>> -> memref<10240x64xf32, #tpu.memory_space<vmem_shared>>
      tpu.wait_indirect_dma semaphore(%arg13 : memref<!tpu.dma_semaphore, #tpu.memory_space<semaphore_mem>>) src(%arg9 : memref<128x64xf32, #tpu.memory_space<vmem>>) dst(%dma_wait3A_423 : memref<10240x64xf32, #tpu.memory_space<vmem_shared>>)
      %dma_start3A_424 = arith.constant 6 : i32
      %dma_start3A_425 = arith.constant 0 : i32
      %dma_start3A_426 = tpu.memref_slice %arg8[%dma_start3A_424, %dma_start3A_425] : memref<16x128xi32, #tpu.memory_space<vmem>> -> memref<1x128xi32, #tpu.memory_space<vmem>>
      %dma_start3A_427 = tpu.memref_squeeze %dma_start3A_426 : memref<1x128xi32, #tpu.memory_space<vmem>> -> memref<128xi32, #tpu.memory_space<vmem>>
      %dma_start3A_428 = arith.constant 0 : i32
      %dma_start3A_429 = arith.constant 0 : i32
      %dma_start3A_430 = tpu.memref_slice %arg5[%dma_start3A_428, %dma_start3A_429] : memref<10240x64xf32, #tpu.memory_space<vmem_shared>> -> memref<10240x64xf32, #tpu.memory_space<vmem_shared>>
      tpu.enqueue_indirect_dma source(%dma_start3A_430 : memref<10240x64xf32, #tpu.memory_space<vmem_shared>>) target(%arg9 : memref<128x64xf32, #tpu.memory_space<vmem>>) offsets(%dma_start3A_427 : memref<128xi32, #tpu.memory_space<vmem>>) semaphore(%arg11 : memref<!tpu.dma_semaphore, #tpu.memory_space<semaphore_mem>>)
      %dma_wait3A_431 = arith.constant 8 : i32
      %dma_wait3A_432 = arith.constant 0 : i32
      %dma_wait3A_433 = tpu.memref_slice %arg8[%dma_wait3A_431, %dma_wait3A_432] : memref<16x128xi32, #tpu.memory_space<vmem>> -> memref<1x128xi32, #tpu.memory_space<vmem>>
      %dma_wait3A_434 = tpu.memref_squeeze %dma_wait3A_433 : memref<1x128xi32, #tpu.memory_space<vmem>> -> memref<128xi32, #tpu.memory_space<vmem>>
      %dma_wait3A_435 = arith.constant 0 : i32
      %dma_wait3A_436 = arith.constant 0 : i32
      %dma_wait3A_437 = tpu.memref_slice %arg6[%dma_wait3A_435, %dma_wait3A_436] : memref<10240x64xf32, #tpu.memory_space<vmem_shared>> -> memref<10240x64xf32, #tpu.memory_space<vmem_shared>>
      tpu.wait_indirect_dma semaphore(%arg14 : memref<!tpu.dma_semaphore, #tpu.memory_space<semaphore_mem>>) src(%arg10 : memref<128x64xf32, #tpu.memory_space<vmem>>) dst(%dma_wait3A_437 : memref<10240x64xf32, #tpu.memory_space<vmem_shared>>)
      %dma_start3A_438 = arith.constant 7 : i32
      %dma_start3A_439 = arith.constant 0 : i32
      %dma_start3A_440 = tpu.memref_slice %arg8[%dma_start3A_438, %dma_start3A_439] : memref<16x128xi32, #tpu.memory_space<vmem>> -> memref<1x128xi32, #tpu.memory_space<vmem>>
      %dma_start3A_441 = tpu.memref_squeeze %dma_start3A_440 : memref<1x128xi32, #tpu.memory_space<vmem>> -> memref<128xi32, #tpu.memory_space<vmem>>
      %dma_start3A_442 = arith.constant 0 : i32
      %dma_start3A_443 = arith.constant 0 : i32
      %dma_start3A_444 = tpu.memref_slice %arg5[%dma_start3A_442, %dma_start3A_443] : memref<10240x64xf32, #tpu.memory_space<vmem_shared>> -> memref<10240x64xf32, #tpu.memory_space<vmem_shared>>
      tpu.enqueue_indirect_dma source(%dma_start3A_444 : memref<10240x64xf32, #tpu.memory_space<vmem_shared>>) target(%arg10 : memref<128x64xf32, #tpu.memory_space<vmem>>) offsets(%dma_start3A_441 : memref<128xi32, #tpu.memory_space<vmem>>) semaphore(%arg12 : memref<!tpu.dma_semaphore, #tpu.memory_space<semaphore_mem>>)
      %dma_wait3A_445 = arith.constant 0 : i32
      %dma_wait3A_446 = arith.constant 0 : i32
      %dma_wait3A_447 = tpu.memref_slice %arg8[%dma_wait3A_445, %dma_wait3A_446] : memref<16x128xi32, #tpu.memory_space<vmem>> -> memref<1x128xi32, #tpu.memory_space<vmem>>
      %dma_wait3A_448 = tpu.memref_squeeze %dma_wait3A_447 : memref<1x128xi32, #tpu.memory_space<vmem>> -> memref<128xi32, #tpu.memory_space<vmem>>
      %dma_wait3A_449 = arith.constant 0 : i32
      %dma_wait3A_450 = arith.constant 0 : i32
      %dma_wait3A_451 = tpu.memref_slice %arg5[%dma_wait3A_449, %dma_wait3A_450] : memref<10240x64xf32, #tpu.memory_space<vmem_shared>> -> memref<10240x64xf32, #tpu.memory_space<vmem_shared>>
      tpu.wait_indirect_dma semaphore(%arg11 : memref<!tpu.dma_semaphore, #tpu.memory_space<semaphore_mem>>) src(%dma_wait3A_451 : memref<10240x64xf32, #tpu.memory_space<vmem_shared>>) dst(%arg9 : memref<128x64xf32, #tpu.memory_space<vmem>>)
      %dma_start3A_452 = arith.constant 14 : i32
      %dma_start3A_453 = arith.constant 0 : i32
      %dma_start3A_454 = tpu.memref_slice %arg8[%dma_start3A_452, %dma_start3A_453] : memref<16x128xi32, #tpu.memory_space<vmem>> -> memref<1x128xi32, #tpu.memory_space<vmem>>
      %dma_start3A_455 = tpu.memref_squeeze %dma_start3A_454 : memref<1x128xi32, #tpu.memory_space<vmem>> -> memref<128xi32, #tpu.memory_space<vmem>>
      %dma_start3A_456 = arith.constant 0 : i32
      %dma_start3A_457 = arith.constant 0 : i32
      %dma_start3A_458 = tpu.memref_slice %arg6[%dma_start3A_456, %dma_start3A_457] : memref<10240x64xf32, #tpu.memory_space<vmem_shared>> -> memref<10240x64xf32, #tpu.memory_space<vmem_shared>>
      tpu.enqueue_indirect_dma source(%arg9 : memref<128x64xf32, #tpu.memory_space<vmem>>) target(%dma_start3A_458 : memref<10240x64xf32, #tpu.memory_space<vmem_shared>>) offsets(%dma_start3A_455 : memref<128xi32, #tpu.memory_space<vmem>>) semaphore(%arg13 : memref<!tpu.dma_semaphore, #tpu.memory_space<semaphore_mem>>) {add = true}
      %dma_wait3A_459 = arith.constant 0 : i32
      %dma_wait3A_460 = arith.constant 0 : i32
      %dma_wait3A_461 = tpu.memref_slice %arg8[%dma_wait3A_459, %dma_wait3A_460] : memref<16x128xi32, #tpu.memory_space<vmem>> -> memref<1x128xi32, #tpu.memory_space<vmem>>
      %dma_wait3A_462 = tpu.memref_squeeze %dma_wait3A_461 : memref<1x128xi32, #tpu.memory_space<vmem>> -> memref<128xi32, #tpu.memory_space<vmem>>
      %dma_wait3A_463 = arith.constant 0 : i32
      %dma_wait3A_464 = arith.constant 0 : i32
      %dma_wait3A_465 = tpu.memref_slice %arg5[%dma_wait3A_463, %dma_wait3A_464] : memref<10240x64xf32, #tpu.memory_space<vmem_shared>> -> memref<10240x64xf32, #tpu.memory_space<vmem_shared>>
      tpu.wait_indirect_dma semaphore(%arg12 : memref<!tpu.dma_semaphore, #tpu.memory_space<semaphore_mem>>) src(%dma_wait3A_465 : memref<10240x64xf32, #tpu.memory_space<vmem_shared>>) dst(%arg10 : memref<128x64xf32, #tpu.memory_space<vmem>>)
      %dma_start3A_466 = arith.constant 15 : i32
      %dma_start3A_467 = arith.constant 0 : i32
      %dma_start3A_468 = tpu.memref_slice %arg8[%dma_start3A_466, %dma_start3A_467] : memref<16x128xi32, #tpu.memory_space<vmem>> -> memref<1x128xi32, #tpu.memory_space<vmem>>
      %dma_start3A_469 = tpu.memref_squeeze %dma_start3A_468 : memref<1x128xi32, #tpu.memory_space<vmem>> -> memref<128xi32, #tpu.memory_space<vmem>>
      %dma_start3A_470 = arith.constant 0 : i32
      %dma_start3A_471 = arith.constant 0 : i32
      %dma_start3A_472 = tpu.memref_slice %arg6[%dma_start3A_470, %dma_start3A_471] : memref<10240x64xf32, #tpu.memory_space<vmem_shared>> -> memref<10240x64xf32, #tpu.memory_space<vmem_shared>>
      tpu.enqueue_indirect_dma source(%arg10 : memref<128x64xf32, #tpu.memory_space<vmem>>) target(%dma_start3A_472 : memref<10240x64xf32, #tpu.memory_space<vmem_shared>>) offsets(%dma_start3A_469 : memref<128xi32, #tpu.memory_space<vmem>>) semaphore(%arg14 : memref<!tpu.dma_semaphore, #tpu.memory_space<semaphore_mem>>) {add = true}
      %convert_element_type3A_473 = arith.extui %lt3A_276 : i1 to i32
      %cond3A_474 = arith.constant 0 : i32
      %cond3A_475 = arith.cmpi ne, %convert_element_type3A_473, %cond3A_474 : i32
      scf.if %cond3A_475 {
        %dma_wait3A_488 = arith.constant 0 : i32
        %dma_wait3A_489 = arith.constant 0 : i32
        %dma_wait3A_490 = arith.constant 0 : i32
        %dma_wait3A_491 = tpu.memref_slice %arg3[%arg1, %dma_wait3A_488, %dma_wait3A_489, %dma_wait3A_490] : memref<16x20x16x128xi32, #tpu.memory_space<hbm>> -> memref<1x1x16x128xi32, #tpu.memory_space<hbm>>
        %dma_wait3A_492 = tpu.memref_squeeze %dma_wait3A_491 : memref<1x1x16x128xi32, #tpu.memory_space<hbm>> -> memref<16x128xi32, #tpu.memory_space<hbm>>
        %dma_wait3A_493 = arith.constant 0 : i32
        %dma_wait3A_494 = arith.constant 0 : i32
        %dma_wait3A_495 = tpu.memref_slice %arg3[%arg1, %dma_wait3A_488, %dma_wait3A_493, %dma_wait3A_494] : memref<16x20x16x128xi32, #tpu.memory_space<hbm>> -> memref<1x1x16x128xi32, #tpu.memory_space<hbm>>
        %dma_wait3A_496 = tpu.memref_squeeze %dma_wait3A_495 : memref<1x1x16x128xi32, #tpu.memory_space<hbm>> -> memref<16x128xi32, #tpu.memory_space<hbm>>
        tpu.wait_dma2 semaphore(%arg15 : memref<!tpu.dma_semaphore, #tpu.memory_space<semaphore_mem>>) src(%dma_wait3A_496 : memref<16x128xi32, #tpu.memory_space<hbm>>) dst(%arg7 : memref<16x128xi32, #tpu.memory_space<vmem>>)
        %dma_wait3A_497 = arith.constant 8 : i32
        %dma_wait3A_498 = arith.constant 0 : i32
        %dma_wait3A_499 = tpu.memref_slice %arg8[%dma_wait3A_497, %dma_wait3A_498] : memref<16x128xi32, #tpu.memory_space<vmem>> -> memref<1x128xi32, #tpu.memory_space<vmem>>
        %dma_wait3A_500 = tpu.memref_squeeze %dma_wait3A_499 : memref<1x128xi32, #tpu.memory_space<vmem>> -> memref<128xi32, #tpu.memory_space<vmem>>
        %dma_wait3A_501 = arith.constant 0 : i32
        %dma_wait3A_502 = arith.constant 0 : i32
        %dma_wait3A_503 = tpu.memref_slice %arg6[%dma_wait3A_501, %dma_wait3A_502] : memref<10240x64xf32, #tpu.memory_space<vmem_shared>> -> memref<10240x64xf32, #tpu.memory_space<vmem_shared>>
        tpu.wait_indirect_dma semaphore(%arg13 : memref<!tpu.dma_semaphore, #tpu.memory_space<semaphore_mem>>) src(%arg9 : memref<128x64xf32, #tpu.memory_space<vmem>>) dst(%dma_wait3A_503 : memref<10240x64xf32, #tpu.memory_space<vmem_shared>>)
        %dma_start3A_504 = arith.constant 0 : i32
        %dma_start3A_505 = arith.constant 0 : i32
        %dma_start3A_506 = tpu.memref_slice %arg7[%dma_start3A_504, %dma_start3A_505] : memref<16x128xi32, #tpu.memory_space<vmem>> -> memref<1x128xi32, #tpu.memory_space<vmem>>
        %dma_start3A_507 = tpu.memref_squeeze %dma_start3A_506 : memref<1x128xi32, #tpu.memory_space<vmem>> -> memref<128xi32, #tpu.memory_space<vmem>>
        %dma_start3A_508 = arith.constant 0 : i32
        %dma_start3A_509 = arith.constant 0 : i32
        %dma_start3A_510 = tpu.memref_slice %arg5[%dma_start3A_508, %dma_start3A_509] : memref<10240x64xf32, #tpu.memory_space<vmem_shared>> -> memref<10240x64xf32, #tpu.memory_space<vmem_shared>>
        tpu.enqueue_indirect_dma source(%dma_start3A_510 : memref<10240x64xf32, #tpu.memory_space<vmem_shared>>) target(%arg9 : memref<128x64xf32, #tpu.memory_space<vmem>>) offsets(%dma_start3A_507 : memref<128xi32, #tpu.memory_space<vmem>>) semaphore(%arg11 : memref<!tpu.dma_semaphore, #tpu.memory_space<semaphore_mem>>)
        %dma_wait3A_511 = arith.constant 8 : i32
        %dma_wait3A_512 = arith.constant 0 : i32
        %dma_wait3A_513 = tpu.memref_slice %arg8[%dma_wait3A_511, %dma_wait3A_512] : memref<16x128xi32, #tpu.memory_space<vmem>> -> memref<1x128xi32, #tpu.memory_space<vmem>>
        %dma_wait3A_514 = tpu.memref_squeeze %dma_wait3A_513 : memref<1x128xi32, #tpu.memory_space<vmem>> -> memref<128xi32, #tpu.memory_space<vmem>>
        %dma_wait3A_515 = arith.constant 0 : i32
        %dma_wait3A_516 = arith.constant 0 : i32
        %dma_wait3A_517 = tpu.memref_slice %arg6[%dma_wait3A_515, %dma_wait3A_516] : memref<10240x64xf32, #tpu.memory_space<vmem_shared>> -> memref<10240x64xf32, #tpu.memory_space<vmem_shared>>
        tpu.wait_indirect_dma semaphore(%arg14 : memref<!tpu.dma_semaphore, #tpu.memory_space<semaphore_mem>>) src(%arg10 : memref<128x64xf32, #tpu.memory_space<vmem>>) dst(%dma_wait3A_517 : memref<10240x64xf32, #tpu.memory_space<vmem_shared>>)
        %dma_start3A_518 = arith.constant 1 : i32
        %dma_start3A_519 = arith.constant 0 : i32
        %dma_start3A_520 = tpu.memref_slice %arg7[%dma_start3A_518, %dma_start3A_519] : memref<16x128xi32, #tpu.memory_space<vmem>> -> memref<1x128xi32, #tpu.memory_space<vmem>>
        %dma_start3A_521 = tpu.memref_squeeze %dma_start3A_520 : memref<1x128xi32, #tpu.memory_space<vmem>> -> memref<128xi32, #tpu.memory_space<vmem>>
        %dma_start3A_522 = arith.constant 0 : i32
        %dma_start3A_523 = arith.constant 0 : i32
        %dma_start3A_524 = tpu.memref_slice %arg5[%dma_start3A_522, %dma_start3A_523] : memref<10240x64xf32, #tpu.memory_space<vmem_shared>> -> memref<10240x64xf32, #tpu.memory_space<vmem_shared>>
        tpu.enqueue_indirect_dma source(%dma_start3A_524 : memref<10240x64xf32, #tpu.memory_space<vmem_shared>>) target(%arg10 : memref<128x64xf32, #tpu.memory_space<vmem>>) offsets(%dma_start3A_521 : memref<128xi32, #tpu.memory_space<vmem>>) semaphore(%arg12 : memref<!tpu.dma_semaphore, #tpu.memory_space<semaphore_mem>>)
      } else {
      }
      %not3A_476 = arith.constant true
      %not3A_477 = arith.xori %lt3A_276, %not3A_476 : i1
      %convert_element_type3A_478 = arith.extui %not3A_477 : i1 to i32
      %cond3A_479 = arith.constant 0 : i32
      %cond3A_480 = arith.cmpi ne, %convert_element_type3A_478, %cond3A_479 : i32
      scf.if %cond3A_480 {
        %dma_wait3A_488 = arith.constant 8 : i32
        %dma_wait3A_489 = arith.constant 0 : i32
        %dma_wait3A_490 = tpu.memref_slice %arg8[%dma_wait3A_488, %dma_wait3A_489] : memref<16x128xi32, #tpu.memory_space<vmem>> -> memref<1x128xi32, #tpu.memory_space<vmem>>
        %dma_wait3A_491 = tpu.memref_squeeze %dma_wait3A_490 : memref<1x128xi32, #tpu.memory_space<vmem>> -> memref<128xi32, #tpu.memory_space<vmem>>
        %dma_wait3A_492 = arith.constant 0 : i32
        %dma_wait3A_493 = arith.constant 0 : i32
        %dma_wait3A_494 = tpu.memref_slice %arg6[%dma_wait3A_492, %dma_wait3A_493] : memref<10240x64xf32, #tpu.memory_space<vmem_shared>> -> memref<10240x64xf32, #tpu.memory_space<vmem_shared>>
        tpu.wait_indirect_dma semaphore(%arg13 : memref<!tpu.dma_semaphore, #tpu.memory_space<semaphore_mem>>) src(%arg9 : memref<128x64xf32, #tpu.memory_space<vmem>>) dst(%dma_wait3A_494 : memref<10240x64xf32, #tpu.memory_space<vmem_shared>>)
        %dma_wait3A_495 = arith.constant 8 : i32
        %dma_wait3A_496 = arith.constant 0 : i32
        %dma_wait3A_497 = tpu.memref_slice %arg8[%dma_wait3A_495, %dma_wait3A_496] : memref<16x128xi32, #tpu.memory_space<vmem>> -> memref<1x128xi32, #tpu.memory_space<vmem>>
        %dma_wait3A_498 = tpu.memref_squeeze %dma_wait3A_497 : memref<1x128xi32, #tpu.memory_space<vmem>> -> memref<128xi32, #tpu.memory_space<vmem>>
        %dma_wait3A_499 = arith.constant 0 : i32
        %dma_wait3A_500 = arith.constant 0 : i32
        %dma_wait3A_501 = tpu.memref_slice %arg6[%dma_wait3A_499, %dma_wait3A_500] : memref<10240x64xf32, #tpu.memory_space<vmem_shared>> -> memref<10240x64xf32, #tpu.memory_space<vmem_shared>>
        tpu.wait_indirect_dma semaphore(%arg14 : memref<!tpu.dma_semaphore, #tpu.memory_space<semaphore_mem>>) src(%arg10 : memref<128x64xf32, #tpu.memory_space<vmem>>) dst(%dma_wait3A_501 : memref<10240x64xf32, #tpu.memory_space<vmem_shared>>)
      } else {
      }
      %add3A_481 = arith.constant 3 : i32
      %add3A_482 = arith.addi %mul3A_31, %add3A_481 : i32
      %lt3A_483 = arith.constant 20 : i32
      %lt3A_484 = arith.cmpi slt, %add3A_482, %lt3A_483 : i32
      %convert_element_type3A_485 = arith.extui %lt3A_484 : i1 to i32
      %cond3A_486 = arith.constant 0 : i32
      %cond3A_487 = arith.cmpi ne, %convert_element_type3A_485, %cond3A_486 : i32
      scf.if %cond3A_487 {
        %add3A_488 = arith.constant 3 : i32
        %add3A_489 = arith.addi %mul3A_31, %add3A_488 : i32
        %dma_start3A_490 = arith.constant 0 : i32
        %dma_start3A_491 = arith.constant 0 : i32
        %dma_start3A_492 = tpu.memref_slice %arg3[%arg1, %add3A_489, %dma_start3A_490, %dma_start3A_491] : memref<16x20x16x128xi32, #tpu.memory_space<hbm>> -> memref<1x1x16x128xi32, #tpu.memory_space<hbm>>
        %dma_start3A_493 = tpu.memref_squeeze %dma_start3A_492 : memref<1x1x16x128xi32, #tpu.memory_space<hbm>> -> memref<16x128xi32, #tpu.memory_space<hbm>>
        %dma_start3A_494 = arith.constant 0 : i32
        %dma_start3A_495 = arith.constant 0 : i32
        %dma_start3A_496 = tpu.memref_slice %arg3[%arg1, %add3A_489, %dma_start3A_494, %dma_start3A_495] : memref<16x20x16x128xi32, #tpu.memory_space<hbm>> -> memref<1x1x16x128xi32, #tpu.memory_space<hbm>>
        %dma_start3A_497 = tpu.memref_squeeze %dma_start3A_496 : memref<1x1x16x128xi32, #tpu.memory_space<hbm>> -> memref<16x128xi32, #tpu.memory_space<hbm>>
        tpu.enqueue_dma source(%dma_start3A_497 : memref<16x128xi32, #tpu.memory_space<hbm>>) target(%arg8 : memref<16x128xi32, #tpu.memory_space<vmem>>) target_semaphore(%arg16 : memref<!tpu.dma_semaphore, #tpu.memory_space<semaphore_mem>>)
      } else {
      }
    }
    %scan3A_27 = arith.constant 10 : i32
    %barrier3A_28 = arith.constant 0 : index
    tpu.barrier barrier_id(%barrier3A_28)
    "tpu.region"() ({
      %run_scoped3A_29 = tpu.sem_alloc : memref<!tpu.dma_semaphore, #tpu.memory_space<semaphore_mem>>
      %dma_start3A_30 = arith.constant 0 : i32
      %dma_start3A_31 = tpu.memref_slice %arg4[%arg0, %mul3A_0, %dma_start3A_30] : memref<2x10240x64xf32, #tpu.memory_space<hbm>> -> memref<1x640x64xf32, #tpu.memory_space<hbm>>
      %dma_start3A_32 = tpu.memref_squeeze %dma_start3A_31 : memref<1x640x64xf32, #tpu.memory_space<hbm>> -> memref<640x64xf32, #tpu.memory_space<hbm>>
      %dma_start3A_33 = arith.constant 0 : i32
      %dma_start3A_34 = tpu.memref_slice %arg6[%mul3A_0, %dma_start3A_33] : memref<10240x64xf32, #tpu.memory_space<vmem_shared>> -> memref<640x64xf32, #tpu.memory_space<vmem_shared>>
      tpu.enqueue_dma source(%dma_start3A_34 : memref<640x64xf32, #tpu.memory_space<vmem_shared>>) target(%dma_start3A_32 : memref<640x64xf32, #tpu.memory_space<hbm>>) target_semaphore(%run_scoped3A_29 : memref<!tpu.dma_semaphore, #tpu.memory_space<semaphore_mem>>)
      %dma_wait3A = arith.constant 0 : i32
      %dma_wait3A_35 = tpu.memref_slice %arg4[%arg0, %mul3A_0, %dma_wait3A] : memref<2x10240x64xf32, #tpu.memory_space<hbm>> -> memref<1x640x64xf32, #tpu.memory_space<hbm>>
      %dma_wait3A_36 = tpu.memref_squeeze %dma_wait3A_35 : memref<1x640x64xf32, #tpu.memory_space<hbm>> -> memref<640x64xf32, #tpu.memory_space<hbm>>
      %dma_wait3A_37 = arith.constant 0 : i32
      %dma_wait3A_38 = tpu.memref_slice %arg6[%mul3A_0, %dma_wait3A_37] : memref<10240x64xf32, #tpu.memory_space<vmem_shared>> -> memref<640x64xf32, #tpu.memory_space<vmem_shared>>
      tpu.wait_dma2 semaphore(%run_scoped3A_29 : memref<!tpu.dma_semaphore, #tpu.memory_space<semaphore_mem>>) src(%dma_wait3A_38 : memref<640x64xf32, #tpu.memory_space<vmem_shared>>) dst(%dma_wait3A_36 : memref<640x64xf32, #tpu.memory_space<hbm>>)
      tpu.yield
    }) : () -> ()
    return
  }
}

module attributes {stable_mosaic.version = 14 : i64} {
  func.func @_mlp_body(%arg0: i32, %arg1: memref<10240x64xf32, #tpu.memory_space<vmem>>, %arg2: memref<10240x64xf32, #tpu.memory_space<vmem>>, %arg3: memref<128x128xf32, #tpu.memory_space<vmem>>, %arg4: memref<1x128xf32, #tpu.memory_space<vmem>>, %arg5: memref<128x128xf32, #tpu.memory_space<vmem>>, %arg6: memref<1x128xf32, #tpu.memory_space<vmem>>, %arg7: memref<10240x128xf32, #tpu.memory_space<vmem>>) attributes {dimension_semantics = [#tpu.dimension_semantics<arbitrary>], iteration_bounds = array<i64: 1>, scalar_prefetch = 0 : i64, scratch_operands = 0 : i64, tpu.core_type = #tpu.core_type<tc>, window_params = [{transform_indices = @transform_0, window_bounds = array<i64: 10240, 64>}, {transform_indices = @transform_1, window_bounds = array<i64: 10240, 64>}, {pipeline_mode = #tpu.pipeline_mode<synchronous>, transform_indices = @transform_2, window_bounds = array<i64: 128, 128>}, {pipeline_mode = #tpu.pipeline_mode<synchronous>, transform_indices = @transform_3, window_bounds = array<i64: 1, 128>}, {pipeline_mode = #tpu.pipeline_mode<synchronous>, transform_indices = @transform_4, window_bounds = array<i64: 128, 128>}, {pipeline_mode = #tpu.pipeline_mode<synchronous>, transform_indices = @transform_5, window_bounds = array<i64: 1, 128>}, {transform_indices = @transform_6, window_bounds = array<i64: 10240, 128>}]} {
    %get3A = arith.constant 0 : index
    %get3A_0 = arith.constant 0 : index
    %get3A_1 = vector.load %arg1[%get3A, %get3A_0] : memref<10240x64xf32, #tpu.memory_space<vmem>>, vector<10240x64xf32>
    %get3A_2 = arith.constant 0 : index
    %get3A_3 = arith.constant 0 : index
    %get3A_4 = vector.load %arg2[%get3A_2, %get3A_3] : memref<10240x64xf32, #tpu.memory_space<vmem>>, vector<10240x64xf32>
    %concatenate3A = tpu.concatenate %get3A_1, %get3A_4 in 1 : vector<10240x64xf32>, vector<10240x64xf32> -> vector<10240x128xf32>
    %get3A_5 = arith.constant 0 : index
    %get3A_6 = arith.constant 0 : index
    %get3A_7 = vector.load %arg3[%get3A_5, %get3A_6] : memref<128x128xf32, #tpu.memory_space<vmem>>, vector<128x128xf32>
    %dot_general3A = arith.constant dense<0.000000e+00> : vector<10240x128xf32>
    %dot_general3A_8 = tpu.matmul %concatenate3A, %get3A_7, %dot_general3A {dimension_numbers = #tpu.dot_dimension_numbers<[1], [0], [0], [1], [0, 0, 1, 1], [], []>, transpose_lhs_hint = false} : vector<10240x128xf32>, vector<128x128xf32>, vector<10240x128xf32> -> vector<10240x128xf32>
    %get3A_9 = arith.constant 0 : index
    %get3A_10 = arith.constant 0 : index
    %get3A_11 = vector.load %arg4[%get3A_9, %get3A_10] : memref<1x128xf32, #tpu.memory_space<vmem>>, vector<1x128xf32>
    %add3A = vector.broadcast %get3A_11 : vector<1x128xf32> to vector<10240x128xf32>
    %add3A_12 = arith.addf %dot_general3A_8, %add3A : vector<10240x128xf32>
    %max3A = arith.constant 0.000000e+00 : f32
    %max3A_13 = vector.broadcast %max3A : f32 to vector<10240x128xf32>
    %max3A_14 = arith.maximumf %add3A_12, %max3A_13 : vector<10240x128xf32>
    %get3A_15 = arith.constant 0 : index
    %get3A_16 = arith.constant 0 : index
    %get3A_17 = vector.load %arg5[%get3A_15, %get3A_16] : memref<128x128xf32, #tpu.memory_space<vmem>>, vector<128x128xf32>
    %dot_general3A_18 = arith.constant dense<0.000000e+00> : vector<10240x128xf32>
    %dot_general3A_19 = tpu.matmul %max3A_14, %get3A_17, %dot_general3A_18 {dimension_numbers = #tpu.dot_dimension_numbers<[1], [0], [0], [1], [0, 0, 1, 1], [], []>, transpose_lhs_hint = false} : vector<10240x128xf32>, vector<128x128xf32>, vector<10240x128xf32> -> vector<10240x128xf32>
    %get3A_20 = arith.constant 0 : index
    %get3A_21 = arith.constant 0 : index
    %get3A_22 = vector.load %arg6[%get3A_20, %get3A_21] : memref<1x128xf32, #tpu.memory_space<vmem>>, vector<1x128xf32>
    %add3A_23 = vector.broadcast %get3A_22 : vector<1x128xf32> to vector<10240x128xf32>
    %add3A_24 = arith.addf %dot_general3A_19, %add3A_23 : vector<10240x128xf32>
    %swap3A = arith.constant 0 : index
    %swap3A_25 = arith.constant 0 : index
    %swap3A_26 = vector.load %arg7[%swap3A, %swap3A_25] : memref<10240x128xf32, #tpu.memory_space<vmem>>, vector<10240x128xf32>
    tpu.vector_store %arg7[%swap3A, %swap3A_25], %add3A_24 {strides = array<i32>} : memref<10240x128xf32, #tpu.memory_space<vmem>>, vector<10240x128xf32>,
    return
  }
  func.func @transform_0(%arg0: i32) -> (i32, i32) {
    %c0_i32 = arith.constant 0 : i32
    %c0_i32_0 = arith.constant 0 : i32
    return %arg0, %c0_i32 : i32, i32
  }
  func.func @transform_1(%arg0: i32) -> (i32, i32) {
    %c0_i32 = arith.constant 0 : i32
    %c0_i32_0 = arith.constant 0 : i32
    return %arg0, %c0_i32 : i32, i32
  }
  func.func @transform_2(%arg0: i32) -> (i32, i32) {
    %c0_i32 = arith.constant 0 : i32
    %c0_i32_0 = arith.constant 0 : i32
    %c0_i32_1 = arith.constant 0 : i32
    return %c0_i32, %c0_i32_0 : i32, i32
  }
  func.func @transform_3(%arg0: i32) -> (i32, i32) {
    %c0_i32 = arith.constant 0 : i32
    %c0_i32_0 = arith.constant 0 : i32
    %c0_i32_1 = arith.constant 0 : i32
    return %c0_i32, %c0_i32_0 : i32, i32
  }
  func.func @transform_4(%arg0: i32) -> (i32, i32) {
    %c0_i32 = arith.constant 0 : i32
    %c0_i32_0 = arith.constant 0 : i32
    %c0_i32_1 = arith.constant 0 : i32
    return %c0_i32, %c0_i32_0 : i32, i32
  }
  func.func @transform_5(%arg0: i32) -> (i32, i32) {
    %c0_i32 = arith.constant 0 : i32
    %c0_i32_0 = arith.constant 0 : i32
    %c0_i32_1 = arith.constant 0 : i32
    return %c0_i32, %c0_i32_0 : i32, i32
  }
  func.func @transform_6(%arg0: i32) -> (i32, i32) {
    %c0_i32 = arith.constant 0 : i32
    %c0_i32_0 = arith.constant 0 : i32
    return %arg0, %c0_i32 : i32, i32
  }
}

module attributes {stable_mosaic.version = 14 : i64} {
  func.func @_mlp_body(%arg0: i32, %arg1: memref<10240x64xf32, #tpu.memory_space<vmem>>, %arg2: memref<10240x64xf32, #tpu.memory_space<vmem>>, %arg3: memref<128x128xf32, #tpu.memory_space<vmem>>, %arg4: memref<1x128xf32, #tpu.memory_space<vmem>>, %arg5: memref<128x128xf32, #tpu.memory_space<vmem>>, %arg6: memref<1x128xf32, #tpu.memory_space<vmem>>, %arg7: memref<2x10240x64xf32, #tpu.memory_space<vmem>>) attributes {dimension_semantics = [#tpu.dimension_semantics<arbitrary>], iteration_bounds = array<i64: 1>, scalar_prefetch = 0 : i64, scratch_operands = 0 : i64, tpu.core_type = #tpu.core_type<tc>, window_params = [{transform_indices = @transform_0, window_bounds = array<i64: 10240, 64>}, {transform_indices = @transform_1, window_bounds = array<i64: 10240, 64>}, {pipeline_mode = #tpu.pipeline_mode<synchronous>, transform_indices = @transform_2, window_bounds = array<i64: 128, 128>}, {pipeline_mode = #tpu.pipeline_mode<synchronous>, transform_indices = @transform_3, window_bounds = array<i64: 1, 128>}, {pipeline_mode = #tpu.pipeline_mode<synchronous>, transform_indices = @transform_4, window_bounds = array<i64: 128, 128>}, {pipeline_mode = #tpu.pipeline_mode<synchronous>, transform_indices = @transform_5, window_bounds = array<i64: 1, 128>}, {transform_indices = @transform_6, window_bounds = array<i64: 2, 10240, 64>}]} {
    %get3A = arith.constant 0 : index
    %get3A_0 = arith.constant 0 : index
    %get3A_1 = vector.load %arg1[%get3A, %get3A_0] : memref<10240x64xf32, #tpu.memory_space<vmem>>, vector<10240x64xf32>
    %get3A_2 = arith.constant 0 : index
    %get3A_3 = arith.constant 0 : index
    %get3A_4 = vector.load %arg2[%get3A_2, %get3A_3] : memref<10240x64xf32, #tpu.memory_space<vmem>>, vector<10240x64xf32>
    %concatenate3A = tpu.concatenate %get3A_1, %get3A_4 in 1 : vector<10240x64xf32>, vector<10240x64xf32> -> vector<10240x128xf32>
    %get3A_5 = arith.constant 0 : index
    %get3A_6 = arith.constant 0 : index
    %get3A_7 = vector.load %arg3[%get3A_5, %get3A_6] : memref<128x128xf32, #tpu.memory_space<vmem>>, vector<128x128xf32>
    %dot_general3A = arith.constant dense<0.000000e+00> : vector<10240x128xf32>
    %dot_general3A_8 = tpu.matmul %concatenate3A, %get3A_7, %dot_general3A {dimension_numbers = #tpu.dot_dimension_numbers<[1], [0], [0], [1], [0, 0, 1, 1], [], []>, transpose_lhs_hint = false} : vector<10240x128xf32>, vector<128x128xf32>, vector<10240x128xf32> -> vector<10240x128xf32>
    %get3A_9 = arith.constant 0 : index
    %get3A_10 = arith.constant 0 : index
    %get3A_11 = vector.load %arg4[%get3A_9, %get3A_10] : memref<1x128xf32, #tpu.memory_space<vmem>>, vector<1x128xf32>
    %add3A = vector.broadcast %get3A_11 : vector<1x128xf32> to vector<10240x128xf32>
    %add3A_12 = arith.addf %dot_general3A_8, %add3A : vector<10240x128xf32>
    %max3A = arith.constant 0.000000e+00 : f32
    %max3A_13 = vector.broadcast %max3A : f32 to vector<10240x128xf32>
    %max3A_14 = arith.maximumf %add3A_12, %max3A_13 : vector<10240x128xf32>
    %get3A_15 = arith.constant 0 : index
    %get3A_16 = arith.constant 0 : index
    %get3A_17 = vector.load %arg5[%get3A_15, %get3A_16] : memref<128x128xf32, #tpu.memory_space<vmem>>, vector<128x128xf32>
    %dot_general3A_18 = arith.constant dense<0.000000e+00> : vector<10240x128xf32>
    %dot_general3A_19 = tpu.matmul %max3A_14, %get3A_17, %dot_general3A_18 {dimension_numbers = #tpu.dot_dimension_numbers<[1], [0], [0], [1], [0, 0, 1, 1], [], []>, transpose_lhs_hint = false} : vector<10240x128xf32>, vector<128x128xf32>, vector<10240x128xf32> -> vector<10240x128xf32>
    %get3A_20 = arith.constant 0 : index
    %get3A_21 = arith.constant 0 : index
    %get3A_22 = vector.load %arg6[%get3A_20, %get3A_21] : memref<1x128xf32, #tpu.memory_space<vmem>>, vector<1x128xf32>
    %add3A_23 = vector.broadcast %get3A_22 : vector<1x128xf32> to vector<10240x128xf32>
    %add3A_24 = arith.addf %dot_general3A_19, %add3A_23 : vector<10240x128xf32>
    %max3A_25 = arith.constant 0.000000e+00 : f32
    %max3A_26 = vector.broadcast %max3A_25 : f32 to vector<10240x128xf32>
    %max3A_27 = arith.maximumf %add3A_24, %max3A_26 : vector<10240x128xf32>
    %slice3A = vector.extract_strided_slice %max3A_27 {offsets = [0, 0], sizes = [10240, 64], strides = [1, 1]} : vector<10240x128xf32> to vector<10240x64xf32>
    %swap3A = arith.constant 0 : index
    %swap3A_28 = arith.constant 0 : index
    %swap3A_29 = arith.constant 0 : index
    %swap3A_30 = vector.load %arg7[%swap3A, %swap3A_28, %swap3A_29] : memref<2x10240x64xf32, #tpu.memory_space<vmem>>, vector<1x10240x64xf32>
    %swap3A_31 = vector.shape_cast %swap3A_30 : vector<1x10240x64xf32> to vector<10240x64xf32>
    %swap3A_32 = vector.shape_cast %slice3A : vector<10240x64xf32> to vector<1x10240x64xf32>
    tpu.vector_store %arg7[%swap3A, %swap3A_28, %swap3A_29], %swap3A_32 {strides = array<i32>} : memref<2x10240x64xf32, #tpu.memory_space<vmem>>, vector<1x10240x64xf32>,
    %slice3A_33 = vector.extract_strided_slice %max3A_27 {offsets = [0, 64], sizes = [10240, 64], strides = [1, 1]} : vector<10240x128xf32> to vector<10240x64xf32>
    %swap3A_34 = arith.constant 1 : index
    %swap3A_35 = arith.constant 0 : index
    %swap3A_36 = arith.constant 0 : index
    %swap3A_37 = vector.load %arg7[%swap3A_34, %swap3A_35, %swap3A_36] : memref<2x10240x64xf32, #tpu.memory_space<vmem>>, vector<1x10240x64xf32>
    %swap3A_38 = vector.shape_cast %swap3A_37 : vector<1x10240x64xf32> to vector<10240x64xf32>
    %swap3A_39 = vector.shape_cast %slice3A_33 : vector<10240x64xf32> to vector<1x10240x64xf32>
    tpu.vector_store %arg7[%swap3A_34, %swap3A_35, %swap3A_36], %swap3A_39 {strides = array<i32>} : memref<2x10240x64xf32, #tpu.memory_space<vmem>>, vector<1x10240x64xf32>,
    return
  }
  func.func @transform_0(%arg0: i32) -> (i32, i32) {
    %c0_i32 = arith.constant 0 : i32
    %c0_i32_0 = arith.constant 0 : i32
    return %arg0, %c0_i32 : i32, i32
  }
  func.func @transform_1(%arg0: i32) -> (i32, i32) {
    %c0_i32 = arith.constant 0 : i32
    %c0_i32_0 = arith.constant 0 : i32
    return %arg0, %c0_i32 : i32, i32
  }
  func.func @transform_2(%arg0: i32) -> (i32, i32) {
    %c0_i32 = arith.constant 0 : i32
    %c0_i32_0 = arith.constant 0 : i32
    %c0_i32_1 = arith.constant 0 : i32
    return %c0_i32, %c0_i32_0 : i32, i32
  }
  func.func @transform_3(%arg0: i32) -> (i32, i32) {
    %c0_i32 = arith.constant 0 : i32
    %c0_i32_0 = arith.constant 0 : i32
    %c0_i32_1 = arith.constant 0 : i32
    return %c0_i32, %c0_i32_0 : i32, i32
  }
  func.func @transform_4(%arg0: i32) -> (i32, i32) {
    %c0_i32 = arith.constant 0 : i32
    %c0_i32_0 = arith.constant 0 : i32
    %c0_i32_1 = arith.constant 0 : i32
    return %c0_i32, %c0_i32_0 : i32, i32
  }
  func.func @transform_5(%arg0: i32) -> (i32, i32) {
    %c0_i32 = arith.constant 0 : i32
    %c0_i32_0 = arith.constant 0 : i32
    %c0_i32_1 = arith.constant 0 : i32
    return %c0_i32, %c0_i32_0 : i32, i32
  }
  func.func @transform_6(%arg0: i32) -> (i32, i32, i32) {
    %c0_i32 = arith.constant 0 : i32
    %c0_i32_0 = arith.constant 0 : i32
    %c0_i32_1 = arith.constant 0 : i32
    return %c0_i32, %arg0, %c0_i32_0 : i32, i32, i32
  }
}

</mosaic_0001>

<sc_bundles>
// kernel: kernel.6.cloned.1.call-start
scs
__scs_entry_jumppad:
0x0: {  	(pc) =	sbr.rel $0x88, $3  }
0x1: {  	(tag) =	ssettag $0x0;
	lr =	simm.s32 $0x1  }
0x2: {  	[smem:$0x3F97] =	sst lr;
	_ =	strace $0xD0000000  }
0x3: {  	_ = 	snop  }
0x4: {  	_ = 	snop  }
0x5: {  	_ = 	snop  }
0x6: {  	_ = 	snop  }
0x7: {  	_ = 	snop  }
__scs_overlays_trampoline_lowered:
0x8: {  	[smem:$0x3FA6] =	sst s0  }
0x9: {  	[smem:$0x3FA7] =	sst s1  }
0xa: {  	[smem:$0x3FA8] =	sst s2  }
0xb: {  	[smem:$0x3FA9] =	sst s3  }
0xc: {  	[smem:$0x3FAA] =	sst s4  }
0xd: {  	[smem:$0x3FAB] =	sst s5  }
0xe: {  	[smem:$0x3FAC] =	sst s6  }
0xf: {  	[smem:$0x3FAD] =	sst s7  }
0x10: {  	[smem:$0x3FAE] =	sst s8  }
0x11: {  	[smem:$0x3FAF] =	sst s9;
	s0 =	simm.s32 @!p0 $0x0  }
0x12: {  	s1 =	sld [smem:$0x3F95];
	s0 =	simm.s32 @p0 $0x1  }
0x13: {  	[smem:$0x3FB0] =	sst s0;
	s0 =	simm.s32 @!p1 $0x0  }
0x14: {  	s2 =	sld [smem:$0x3F94];
	s0 =	simm.s32 @p1 $0x1  }
0x15: {  	[smem:$0x3FB1] =	sst s0;
	s0 =	simm.s32 @!p2 $0x0  }
0x16: {  	s3 =	sld [smem:$0x3FDB];
	s0 =	simm.s32 @p2 $0x1  }
0x17: {  	s4 =	simm.s32 $0x1BF5;
	[smem:$0x3FB3] =	sst s0  }
0x18: {  	s0 =	sld [smem:$0x3F96];
	_ =	swait.ge [sflag:s4], $0x0  }
0x19: {  	s7 =	sld [smem:$0x3F97]  }
0x1a: {  	s8 =	sadd.s32 $0xFFFFE003, lr  }
0x1b: {  	s9 =	sadd.s32 $0xFFFFFEF7, lr;
	s5 =	simm.s32 $0xFFFFFFFF;
	p2 =	slt.u32 s8, $0xFFFFF086  }
0x1c: {  	p1 =	slt.u32 s9, $0xF7A;
	s5 =	simm.s32 @!p2 $0x0  }
0x1d: {  	s5 =	simm.s32 @p1 $0x1;
	p0 =	seq.s32 s7, s2  }
0x1e: {  	s7 =	smul.u32 @!p0 $0xF7A, s2;
	p2 =	seq.s32 @!p0 s5, $0x0  }
0x1f: {  	s9 =	smul.u32 $0xF7A, s1;
	s8 =	simm.s32 @!p0 $0x1BF5;
	p2 =	por !p2, p0  }
0x20: {  	[sflag:s8] =	ssyncset.s32 @!p0 $0xFFFFF086;
	s6 =	sadd.s32 @!p0 s3, s7;
	s7 =	simm.s32 @!p0 $0x108  }
0x21: {  	s3 =	sadd.s32 s3, s9;
	s6 =	sadd.s32 @!p0 $0x88, s6;
	s7 =	simm.s32 @p2 $0x1082  }
0x22: {  	[simem:s7], [sflag:s8] =	dma.local @!p0 [hbm:s6], $0xF7A  }
0x23: {  	s9 =	sor.u32 $0xD0000000, s2;
	s6 =	simm.s32 $0x108;
	_ =	swait.ge @!p0 [sflag:s8], $0x0  }
0x24: {  	s3 =	sadd.s32 $0x88, s3;
	s6 =	simm.s32 @!p1 $0x1082;
	[sflag:s4] =	ssyncset.s32 $0xFFFFF086  }
0x25: {  	[simem:s6], [sflag:s4] =	dma.local [hbm:s3], $0xF7A  }
0x26: {  	[smem:$0x3F97] =	sst s1;
	(tag) =	ssettag s2;
	_ =	strace s9  }
0x27: {  	s1 =	sld [smem:$0x3FA7]  }
0x28: {  	s2 =	sld [smem:$0x3FA8]  }
0x29: {  	s4 =	sld [smem:$0x3FAA]  }
0x2a: {  	p0 =	seq.s32 s5, $0x0;
	s5 =	sld [smem:$0x3FAB]  }
0x2b: {  	s6 =	sld [smem:$0x3FAC]  }
0x2c: {  	s7 =	sld [smem:$0x3FAD]  }
0x2d: {  	s3 =	simm.s32 $0x108;
	s8 =	sld [smem:$0x3FAE]  }
0x2e: {  	s3 =	simm.s32 @!p0 $0x1082;
	s9 =	sld [smem:$0x3FAF]  }
0x2f: {  	lr =	sadd.s32 s0, s3;
	s0 =	sld [smem:$0x3FA6]  }
0x30: {  	s3 =	sld [smem:$0x3FA9]  }
0x31: {  	[smem:$0x3FB2] =	sst s10  }
0x32: {  	s10 =	sld [smem:$0x3FB0];
	_ =	sdelay $0x3  }
0x33: {  	p0 =	seq.s32 s10, $0x1;
	s10 =	sld [smem:$0x3FB2];
	_ =	sdelay $0x3  }
0x34: {  	[smem:$0x3FB2] =	sst s10  }
0x35: {  	s10 =	sld [smem:$0x3FB1];
	_ =	sdelay $0x3  }
0x36: {  	p1 =	seq.s32 s10, $0x1;
	s10 =	sld [smem:$0x3FB2];
	_ =	sdelay $0x3  }
0x37: {  	[smem:$0x3FB2] =	sst s10  }
0x38: {  	s10 =	sld [smem:$0x3FB3]  }
0x39: {  	_ = 	snop;
	(pc) =	sbr.ind lr, $3  }
0x3a: {  	_ = 	snop  }
0x3b: {  	_ = 	snop  }
0x3c: {  	p2 =	seq.s32 s10, $0x1;
	s10 =	sld [smem:$0x3FB2]  }
0x3d: {  	_ =	shalt  }
0x3e: {  	_ =	shalt  }
0x3f: {  	_ =	shalt  }
0x40: {  	_ =	shalt  }
0x41: {  	_ =	shalt  }
0x42: {  	_ =	shalt  }
0x43: {  	_ =	shalt  }
0x44: {  	_ =	shalt  }
0x45: {  	_ =	shalt  }
0x46: {  	_ =	shalt  }
0x47: {  	_ =	shalt  }
0x48: {  	_ =	shalt  }
0x49: {  	_ =	shalt  }
0x4a: {  	_ =	shalt  }
0x4b: {  	_ =	shalt  }
0x4c: {  	_ =	shalt  }
0x4d: {  	_ =	shalt  }
0x4e: {  	_ =	shalt  }
0x4f: {  	_ =	shalt  }
0x50: {  	_ =	shalt  }
0x51: {  	_ =	shalt  }
0x52: {  	_ =	shalt  }
0x53: {  	_ =	shalt  }
0x54: {  	_ =	shalt  }
0x55: {  	_ =	shalt  }
0x56: {  	_ =	shalt  }
0x57: {  	_ =	shalt  }
0x58: {  	_ =	shalt  }
0x59: {  	_ =	shalt  }
0x5a: {  	_ =	shalt  }
0x5b: {  	_ =	shalt  }
0x5c: {  	_ =	shalt  }
0x5d: {  	_ =	shalt  }
0x5e: {  	_ =	shalt  }
0x5f: {  	_ =	shalt  }
0x60: {  	_ =	shalt  }
0x61: {  	_ =	shalt  }
0x62: {  	_ =	shalt  }
0x63: {  	_ =	shalt  }
0x64: {  	_ =	shalt  }
0x65: {  	_ =	shalt  }
0x66: {  	_ =	shalt  }
0x67: {  	_ =	shalt  }
0x68: {  	_ =	shalt  }
0x69: {  	_ =	shalt  }
0x6a: {  	_ =	shalt  }
0x6b: {  	_ =	shalt  }
0x6c: {  	_ =	shalt  }
0x6d: {  	_ =	shalt  }
0x6e: {  	_ =	shalt  }
0x6f: {  	_ =	shalt  }
0x70: {  	_ =	shalt  }
0x71: {  	_ =	shalt  }
0x72: {  	_ =	shalt  }
0x73: {  	_ =	shalt  }
0x74: {  	_ =	shalt  }
0x75: {  	_ =	shalt  }
0x76: {  	_ =	shalt  }
0x77: {  	_ =	shalt  }
0x78: {  	_ =	shalt  }
0x79: {  	_ =	shalt  }
0x7a: {  	_ =	shalt  }
0x7b: {  	_ =	shalt  }
0x7c: {  	_ =	shalt  }
0x7d: {  	_ =	shalt  }
0x7e: {  	_ =	shalt  }
0x7f: {  	_ =	shalt  }
0x80: {  	_ =	shalt  }
0x81: {  	_ =	shalt  }
0x82: {  	_ =	shalt  }
0x83: {  	_ =	shalt  }
0x84: {  	_ =	shalt  }
0x85: {  	_ =	shalt  }
0x86: {  	_ =	shalt  }
0x87: {  	_ =	shalt  }
.Lfunc_end0:
.L_simem_size_0:
called_computation_lowered:
.L_overlay_start_0:
0x88: {  	s2 =	sld [smem:$0x3FD9]  }
0x89: {  	s3 =	sld [smem:$0x3FFE];
	_ =	sdelay $0x1  }
0x8a: {  	s1 =	srdreg.scid  }
0x8b: {  	s0 =	sand.u32 $0x1, s1  }
0x8c: {  	s17 =	sshll.u32 s0, $0xA;
	s2 =	sadd.s32 s3, s2  }
0x8d: {  	s2 =	sadd.s32 s2, s17  }
0x8e: {  	[smem:$0x3FBE] =	sst s2  }
0x8f: {  	_ = 	snop  }
0x90: {  	s2 =	sld [smem:$0x3FD0];
	(tm) =	ssettm $0x1  }
0x91: {  	s18 =	sld [smem:$0x3FFB];
	_ =	sdelay $0x3  }
0x92: {  	_ =	strace s18  }
0x93: {  	s3 =	sld [smem:$0x3FFC];
	_ =	sdelay $0x3  }
0x94: {  	_ =	strace s3  }
0x95: {  	s3 =	sld [smem:$0x3FFD];
	_ =	sdelay $0x3  }
0x96: {  	_ =	strace s3  }
0x97: {  	_ =	strace $0x8FFFFFFF  }
0x98: {  	s19 =	sld [smem:$0x3FDB];
	_ =	sdelay $0x1  }
0x99: {  	s4 =	simm.s32 $_scs_section_size  }
0x9a: {  	s5 =	simm.s32 $_size__tile_overlayer_lowered;
	s6 =	simm.s32 $_tile_overlayer_lowered  }
0x9b: {  	s22 =	simm.s32 $0x1BFF;
	s21 =	sshll.u32 s6, $0x1;
	s3 =	sadd.s32 s4, s19  }
0x9c: {  	s7 =	simm.s32 $0x0;
	s20 =	sshll.u32 s5, $0x1;
	s5 =	sadd.s32 s21, s3  }
0x9d: {  	[timem:s7], [sflag:s22] =	dma.local [hbm:s5], s20  }
0x9e: {  	_ =	swait.ge [sflag:s22], s20  }
0x9f: {  	s4 =	ssub.s32 $0x0, s20;
	[sflag:s22] =	ssyncset.done $0x0  }
0xa0: {  	[sflag:s22] =	ssyncadd.s32 s4;
	_ =	sdelay $0x1  }
0xa1: {  	s23 =	simm.s32 $0x1B8B  }
0xa2: {  	_ =	swait.ge [sflag:s23], $0x1  }
0xa3: {  	[sflag:s23] =	ssyncset.done $0x0  }
0xa4: {  	s25 =	simm.s32 $0x1B8E;
	s24 =	sld [smem:$0x3FFE];
	[sflag:s23] =	ssyncadd.s32 $0xFFFFFFFF  }
0xa5: {  	s26 =	simm.s32 $execute0_lowered;
	[smem:$0x3FD2] =	sst s25  }
0xa6: {  	s5 =	sshll.u32 s26, $0x1;
	_ =	strace $0x80000046;
	[dreg:$0x1] =	wrdreg $0xFFFFFFFF  }
0xa7: {  	s28 =	simm.s32 $_size_execute0_lowered;
	s3 =	sadd.s32 s3, s5;
	[dreg:$0x0] =	wrdreg $0x0  }
0xa8: {  	s5 =	sshll.u32 s28, $0x1;
	[dreg:$0x2] =	wrdreg s3  }
0xa9: {  	[dreg:$0x3] =	wrdreg s5  }
0xaa: {  	[dreg:$0x4] =	wrdreg $0xC0  }
0xab: {  	_ =	task [dreg:s7], $0x5FFFF  }
0xac: {  	[dreg:$0x1] =	wrdreg $0xFFFFFFFF  }
0xad: {  	[dreg:$0x0] =	wrdreg $0x60  }
0xae: {  	[dreg:$0x2] =	wrdreg s24  }
0xaf: {  	[dreg:$0x3] =	wrdreg s2  }
0xb0: {  	[dreg:$0x4] =	wrdreg $0x0  }
0xb1: {  	[dreg:$0x5] =	wrdreg $0xA0000  }
0xb2: {  	[dreg:$0x6] =	wrdreg $0x9  }
0xb3: {  	_ =	task.clear_ibuf [dreg:s7], $0x7FFFF;
	_ =	strace $0x90000046  }
0xb4: {  	s29 =	simm.s32 $0x9;
	_ =	strace $0x80000048  }
0xb5: {  	_ =	swait.ge [sflag:s29], $0x1  }
0xb6: {  	[sflag:s29] =	ssyncadd.s32 $0xFFFFFFFF  }
0xb7: {  	_ =	strace $0x90000048  }
0xb8: {  	_ =	sfence  }
0xb9: {  	s30 =	sld [smem:$0x0];
	_ =	sdelay $0x2  }
0xba: {  	s31 =	sshll.u32 s1, $0xD;
	s1 =	sshrl.u32 s1, $0x2  }
0xbb: {  	s3 =	sand.u32 $0x4000, s31;
	s1 =	sadd.s32 s1, s30  }
0xbc: {  	s0 =	sor.u32 s3, s0;
	s1 =	sshll.u32 s1, $0x11  }
0xbd: {  	s0 =	sor.u32 s1, s0  }
0xbe: {  	s0 =	sadd.s32 $0x8F2B, s0  }
0xbf: {  	[sflag:s0] =	ssyncadd.remote.s32 $0x1  }
0xc0: {  	_ =	sfence.sel $0xFFFF  }
0xc1: {  	[dreg:$0x0] =	wrdreg $0xFFFFFFFF;
	(pc) =	sbr.abs _section_cstart, $3  }
0xc2: {  	[dreg:$0x1] =	wrdreg $0xFFFFFFFF  }
0xc3: {  	_ =	task.clear_ibuf [dreg:s7], $0x2FFFF;
	_ =	strace $0x9FFFFFFF  }
0xc4: {  	(tm) =	ssettm $0x7FFFFFFF  }
0xc5: {  	_ =	shalt  }
tec
execute0_lowered:
.L_overlay_start_1:
0x0: {  	(tag) =	ssettag $0x1  }
0x1: {  	s0 =	rddreg [dreg:$0x0]  }
0x2: {  	s1 =	rddreg [dreg:$0x1];
	s3 =	srdreg.scid  }
0x3: {  	s2 =	rddreg [dreg:$0x2];
	s9 =	stileid.u32;
	s7 =	simm.s32 $0x0  }
0x4: {  	s16 =	simm.s32 $0x14800;
	s17 =	simm.s32 $0x80;
	s28 =	simm.s32 $0x4  }
0x5: {  	s14 =	simm.s32 $0x6;
	s15 =	simm.s32 $0x14D00;
	s29 =	simm.s32 $0x14A80  }
0x6: {  	s30 =	simm.s32 $0x14E00;
	s31 =	simm.s32 $0x14E80;
	s6 =	smul.u32 $0x14000, s9  }
0x7: {  	s4 =	sand.u32 $0x1, s3;
	s3 =	rddreg [dreg:$0x3];
	s8 =	smul.u32 $0xA000, s9  }
0x8: {  	[smem:$0x7FF] =	sst s7;
	s22 =	sshll.u32 s9, $0x6;
	s23 =	smul.u32 $0x1400, s9  }
0x9: {  	s7 =	simm.s32 $0x7;
	s9 =	simm.s32 $0x14F80;
	s5 =	smul.u32 $0x140000, s4  }
0xa: {  	s4 =	ssub.s32 $0x2, s4;
	_ =	strace $0x80000047;
	s12 =	sor.u32 $0x1C07, s22  }
0xb: {  	s22 =	simm.s32 $0x14980;
	s18 =	sshrl.u32 s4, $0x1;
	s19 =	sadd.s32 s6, s2  }
0xc: {  	s21 =	sshrl.u32 s8, $0x3;
	s11 =	sadd.s32 s23, s1;
	s23 =	simm.s32 $0x2  }
0xd: {  	s8 =	simm.s32 $0x14F00;
	[dreg:$0x7] =	wrdreg s12;
	s5 =	sadd.s32 s6, s5  }
0xe: {  	s4 =	ssub.s32 s4, s18;
	s10 =	sadd.s32 s1, s21;
	s6 =	sadd.s32 s6, s3  }
0xf: {  	s26 =	sshrl.u32 s19, $0x3;
	s18 =	simm.s32 $0x15000;
	s21 =	simm.s32 $0x1  }
0x10: {  	s19 =	simm.s32 $0x14900;
	s1 =	simm.s32 $0x14B00;
	s5 =	sshrl.u32 s5, $0x3  }
0x11: {  	[dreg:$0x6] =	wrdreg s10;
	s24 =	sadd.s32 $0x100, s10;
	s25 =	smax.u32 s4, $0x1  }
0x12: {  	[dreg:$0xb] =	wrdreg s26;
	s13 =	sshrl.u32 s6, $0x3;
	s26 =	simm.s32 $0x14A00  }
.Ltmp0:
0x13: {  	s10 =	simm.s32 $0x5;
	[dreg:$0x8] =	wrdreg s24;
	(pc) =	sbr.rel .LBB2_1-.Ltmp0, $4  }
0x14: {  	s4 =	simm.s32 $0x0;
	s0 =	sadd.s32 s5, s0;
	[dreg:$0xa] =	wrdreg s25  }
0x15: {  	s25 =	simm.s32 $0x3;
	[dreg:$0xc] =	wrdreg s13;
	s20 =	sadd.s32 $0x1A00, s0  }
0x16: {  	s24 =	simm.s32 $0x14D80;
	s0 =	sadd.s32 $0x51A00, s0;
	[dreg:$0x5] =	wrdreg s20  }
0x17: {  	[dreg:$0x9] =	wrdreg s0;
	s20 =	simm.s32 $0x19000;
	s0 =	simm.s32 $0x14B80  }
.LBB2_4:
0x18: {  	_ =	swait.ge [sflag:s25], $0x2000  }
0x19: {  	[sflag:s25] =	ssyncset.done $0x0  }
0x1a: {  	[sflag:s25] =	ssyncadd.s32 $0xFFFFE000  }
0x1b: {  	_ =	swait.ge [sflag:s28], $0x2000  }
0x1c: {  	[sflag:s28] =	ssyncset.done $0x0  }
0x1d: {  	[sflag:s28] =	ssyncadd.s32 $0xFFFFE000  }
0x1e: {  	[bflag:$0x0] =	sbarrier.arrive $0xFFFF  }
0x1f: {  	s12 =	rddreg [dreg:$0x7]  }
0x20: {  	s5 =	rddreg [dreg:$0x9]  }
0x21: {  	s7 =	simm.s32 $0x7;
	s13 =	rddreg [dreg:$0xc]  }
0x22: {  	[hbm:s5], [sflag:s12] =	dma.local [spmem:s13], $0x2800  }
0x23: {  	_ =	swait.ge [sflag:s7], $0x2800  }
0x24: {  	s4 =	rddreg [dreg:$0xd]  }
0x25: {  	s6 =	rddreg [dreg:$0xa];
	s4 =	sadd.s32 $0x1, s4  }
0x26: {  	p0 =	sne.s32 s4, s6  }
.Ltmp1:
0x27: {  	_ = 	snop;
	(pc) =	sbr.rel @!p0 .LBB2_5-.Ltmp1, $3  }
0x28: {  	_ =	sdelay $0x1  }
0x29: {  	[sflag:s7] =	ssyncset.done $0x0  }
0x2a: {  	[sflag:s7] =	ssyncadd.s32 $0xFFFFD800  }
.LBB2_1:
0x2b: {  	[dreg:$0xd] =	wrdreg s4  }
0x2c: {  	s5 =	rddreg [dreg:$0x5]  }
0x2d: {  	s6 =	rddreg [dreg:$0xb]  }
0x2e: {  	[spmem:s6], [sflag:s12] =	dma.local [hbm:s5], $0x2800  }
0x2f: {  	_ =	swait.ge [sflag:s7], $0x2800  }
0x30: {  	[sflag:s7] =	ssyncset.done $0x0  }
0x31: {  	[sflag:s7] =	ssyncadd.s32 $0xFFFFD800  }
0x32: {  	[spmem:s13], [sflag:s12] =	dma.local [hbm:s5], $0x2800  }
0x33: {  	_ =	swait.ge [sflag:s7], $0x2800  }
0x34: {  	[sflag:s7] =	ssyncset.done $0x0  }
0x35: {  	[sflag:s7] =	ssyncadd.s32 $0xFFFFD800  }
0x36: {  	[bflag:$0x0] =	sbarrier.arrive $0xFFFF  }
0x37: {  	s5 =	simm.s32 $0x0;
	s12 =	simm.s32 $0x14000;
	s4 =	rddreg [dreg:$0x6]  }
0x38: {  	[tilespmem:s12], [sflag:$0x7] =	stream.linear.gather [hbm4b:s4+s5], $0x800, $0x38;
	[tilespmem:$0x1D000] =	vst v63  }
0x39: {  	_ =	swait.ge [sflag:s7], $0x800  }
0x3a: {  	[sflag:s7] =	ssyncset.done $0x0  }
0x3b: {  	[sflag:s7] =	ssyncadd.s32 $0xFFFFF800;
	s7 =	rddreg [dreg:$0x8]  }
0x3c: {  	[tilespmem:s16], [sflag:$0x6] =	stream.linear.gather [hbm4b:s7+s5], $0x800, $0x38;
	[tilespmem:$0x1D000] =	vst v63  }
0x3d: {  	s6 =	simm.s32 $0xFFFFEE00  }
0x3e: {  	[tilespmem:s18], [sflag:$0x1] =	stream.indirect.gather [spmem:s2], $0x40, s12, s17, $0xb8;
	[tilespmem:$0x1D000] =	vst v63  }
0x3f: {  	s13 =	simm.s32 $0x0;
	s4 =	simm.s32 $0x14000;
	s12 =	simm.s32 $0x14080  }
0x40: {  	[tilespmem:s20], [sflag:$0x2] =	stream.indirect.gather [spmem:s2], $0x40, s12, s17, $0xb8;
	[tilespmem:$0x1D000] =	vst v63  }
.LBB2_2:
0x41: {  	_ =	swait.ge [sflag:s21], $0x2000  }
0x42: {  	[sflag:s21] =	ssyncset.done $0x0  }
0x43: {  	s5 =	simm.s32 $0x14400;
	[sflag:s21] =	ssyncadd.s32 $0xFFFFE000  }
0x44: {  	[spmem:s3] =	stream.indirect.scatter.add.f32 [tilespmem:s18], [sflag:$0x3], $0x40, s5, s17, $0xb8;
	[tilespmem:$0x1D000] =	vst v63  }
0x45: {  	_ =	swait.ge [sflag:s23], $0x2000  }
0x46: {  	[sflag:s23] =	ssyncset.done $0x0  }
0x47: {  	s7 =	simm.s32 $0x14480;
	[sflag:s23] =	ssyncadd.s32 $0xFFFFE000  }
0x48: {  	[spmem:s3] =	stream.indirect.scatter.add.f32 [tilespmem:s20], [sflag:$0x4], $0x40, s7, s17, $0xb8;
	[tilespmem:$0x1D000] =	vst v63  }
0x49: {  	_ =	swait.ge [sflag:s25], $0x2000  }
0x4a: {  	[sflag:s25] =	ssyncset.done $0x0  }
0x4b: {  	s12 =	simm.s32 $0x14100;
	[sflag:s25] =	ssyncadd.s32 $0xFFFFE000  }
0x4c: {  	[tilespmem:s18], [sflag:$0x1] =	stream.indirect.gather [spmem:s2], $0x40, s12, s17, $0xb8;
	[tilespmem:$0x1D000] =	vst v63  }
0x4d: {  	_ =	swait.ge [sflag:s28], $0x2000  }
0x4e: {  	[sflag:s28] =	ssyncset.done $0x0  }
0x4f: {  	s7 =	simm.s32 $0x14180;
	[sflag:s28] =	ssyncadd.s32 $0xFFFFE000  }
0x50: {  	[tilespmem:s20], [sflag:$0x2] =	stream.indirect.gather [spmem:s2], $0x40, s7, s17, $0xb8;
	[tilespmem:$0x1D000] =	vst v63  }
0x51: {  	_ =	swait.ge [sflag:s21], $0x2000  }
0x52: {  	[sflag:s21] =	ssyncset.done $0x0  }
0x53: {  	s12 =	simm.s32 $0x14500;
	[sflag:s21] =	ssyncadd.s32 $0xFFFFE000  }
0x54: {  	[spmem:s3] =	stream.indirect.scatter.add.f32 [tilespmem:s18], [sflag:$0x3], $0x40, s12, s17, $0xb8;
	[tilespmem:$0x1D000] =	vst v63  }
0x55: {  	_ =	swait.ge [sflag:s23], $0x2000  }
0x56: {  	[sflag:s23] =	ssyncset.done $0x0  }
0x57: {  	s7 =	simm.s32 $0x14580;
	[sflag:s23] =	ssyncadd.s32 $0xFFFFE000  }
0x58: {  	[spmem:s3] =	stream.indirect.scatter.add.f32 [tilespmem:s20], [sflag:$0x4], $0x40, s7, s17, $0xb8;
	[tilespmem:$0x1D000] =	vst v63  }
0x59: {  	_ =	swait.ge [sflag:s25], $0x2000  }
0x5a: {  	[sflag:s25] =	ssyncset.done $0x0  }
0x5b: {  	s12 =	simm.s32 $0x14200;
	[sflag:s25] =	ssyncadd.s32 $0xFFFFE000  }
0x5c: {  	[tilespmem:s18], [sflag:$0x1] =	stream.indirect.gather [spmem:s2], $0x40, s12, s17, $0xb8;
	[tilespmem:$0x1D000] =	vst v63  }
0x5d: {  	_ =	swait.ge [sflag:s28], $0x2000  }
0x5e: {  	[sflag:s28] =	ssyncset.done $0x0  }
0x5f: {  	s7 =	simm.s32 $0x14280;
	[sflag:s28] =	ssyncadd.s32 $0xFFFFE000  }
0x60: {  	[tilespmem:s20], [sflag:$0x2] =	stream.indirect.gather [spmem:s2], $0x40, s7, s17, $0xb8;
	[tilespmem:$0x1D000] =	vst v63  }
0x61: {  	_ =	swait.ge [sflag:s21], $0x2000  }
0x62: {  	[sflag:s21] =	ssyncset.done $0x0  }
0x63: {  	s12 =	simm.s32 $0x14600;
	[sflag:s21] =	ssyncadd.s32 $0xFFFFE000  }
0x64: {  	[spmem:s3] =	stream.indirect.scatter.add.f32 [tilespmem:s18], [sflag:$0x3], $0x40, s12, s17, $0xb8;
	[tilespmem:$0x1D000] =	vst v63  }
0x65: {  	_ =	swait.ge [sflag:s23], $0x2000  }
0x66: {  	[sflag:s23] =	ssyncset.done $0x0  }
0x67: {  	s7 =	simm.s32 $0x14680;
	[sflag:s23] =	ssyncadd.s32 $0xFFFFE000  }
0x68: {  	[spmem:s3] =	stream.indirect.scatter.add.f32 [tilespmem:s20], [sflag:$0x4], $0x40, s7, s17, $0xb8;
	[tilespmem:$0x1D000] =	vst v63  }
0x69: {  	_ =	swait.ge [sflag:s25], $0x2000  }
0x6a: {  	[sflag:s25] =	ssyncset.done $0x0  }
0x6b: {  	s12 =	simm.s32 $0x14300;
	[sflag:s25] =	ssyncadd.s32 $0xFFFFE000  }
0x6c: {  	[tilespmem:s18], [sflag:$0x1] =	stream.indirect.gather [spmem:s2], $0x40, s12, s17, $0xb8;
	[tilespmem:$0x1D000] =	vst v63  }
0x6d: {  	_ =	swait.ge [sflag:s28], $0x2000  }
0x6e: {  	[sflag:s28] =	ssyncset.done $0x0  }
0x6f: {  	s7 =	simm.s32 $0x14380;
	[sflag:s28] =	ssyncadd.s32 $0xFFFFE000  }
0x70: {  	[tilespmem:s20], [sflag:$0x2] =	stream.indirect.gather [spmem:s2], $0x40, s7, s17, $0xb8;
	[tilespmem:$0x1D000] =	vst v63  }
0x71: {  	_ =	swait.ge [sflag:s21], $0x2000  }
0x72: {  	[sflag:s21] =	ssyncset.done $0x0  }
0x73: {  	s12 =	simm.s32 $0x14700;
	[sflag:s21] =	ssyncadd.s32 $0xFFFFE000  }
0x74: {  	[spmem:s3] =	stream.indirect.scatter.add.f32 [tilespmem:s18], [sflag:$0x3], $0x40, s12, s17, $0xb8;
	[tilespmem:$0x1D000] =	vst v63  }
0x75: {  	_ =	swait.ge [sflag:s23], $0x2000  }
0x76: {  	[sflag:s23] =	ssyncset.done $0x0  }
0x77: {  	s7 =	simm.s32 $0x14780;
	[sflag:s23] =	ssyncadd.s32 $0xFFFFE000  }
0x78: {  	[spmem:s3] =	stream.indirect.scatter.add.f32 [tilespmem:s20], [sflag:$0x4], $0x40, s7, s17, $0xb8;
	[tilespmem:$0x1D000] =	vst v63  }
0x79: {  	_ =	swait.ge [sflag:s14], $0x800  }
0x7a: {  	[sflag:s14] =	ssyncset.done $0x0  }
0x7b: {  	[sflag:s14] =	ssyncadd.s32 $0xFFFFF800  }
0x7c: {  	_ =	swait.ge [sflag:s25], $0x2000  }
0x7d: {  	[sflag:s25] =	ssyncset.done $0x0  }
0x7e: {  	[sflag:s25] =	ssyncadd.s32 $0xFFFFE000  }
0x7f: {  	[tilespmem:s18], [sflag:$0x1] =	stream.indirect.gather [spmem:s2], $0x40, s16, s17, $0xb8;
	[tilespmem:$0x1D000] =	vst v63  }
0x80: {  	_ =	swait.ge [sflag:s28], $0x2000  }
0x81: {  	[sflag:s28] =	ssyncset.done $0x0  }
0x82: {  	p0 =	seq.s32 s6, $0x0;
	s12 =	simm.s32 $0x14880;
	[sflag:s28] =	ssyncadd.s32 $0xFFFFE000  }
0x83: {  	[tilespmem:s20], [sflag:$0x2] =	stream.indirect.gather [spmem:s2], $0x40, s12, s17, $0xb8;
	[tilespmem:$0x1D000] =	vst v63  }
0x84: {  	s12 =	sadd.s32 @!p0 s6, s11  }
0x85: {  	s5 =	simm.s32 @!p0 $0x0;
	s7 =	simm.s32 @!p0 $0x14000;
	s12 =	sadd.s32 @!p0 $0x1400, s12  }
0x86: {  	[tilespmem:s7], [sflag:$0x5] =	stream.linear.gather @!p0 [hbm4b:s12+s5], $0x800, $0x38;
	[tilespmem:$0x1D000] =	vst v63  }
0x87: {  	_ =	swait.ge [sflag:s21], $0x2000  }
0x88: {  	[sflag:s21] =	ssyncset.done $0x0  }
0x89: {  	s7 =	simm.s32 $0x14C00;
	[sflag:s21] =	ssyncadd.s32 $0xFFFFE000  }
0x8a: {  	[spmem:s3] =	stream.indirect.scatter.add.f32 [tilespmem:s18], [sflag:$0x3], $0x40, s7, s17, $0xb8;
	[tilespmem:$0x1D000] =	vst v63  }
0x8b: {  	_ =	swait.ge [sflag:s23], $0x2000  }
0x8c: {  	[sflag:s23] =	ssyncset.done $0x0  }
0x8d: {  	s12 =	simm.s32 $0x14C80;
	[sflag:s23] =	ssyncadd.s32 $0xFFFFE000  }
0x8e: {  	[spmem:s3] =	stream.indirect.scatter.add.f32 [tilespmem:s20], [sflag:$0x4], $0x40, s12, s17, $0xb8;
	[tilespmem:$0x1D000] =	vst v63  }
0x8f: {  	_ =	swait.ge [sflag:s25], $0x2000  }
0x90: {  	[sflag:s25] =	ssyncset.done $0x0  }
0x91: {  	[sflag:s25] =	ssyncadd.s32 $0xFFFFE000  }
0x92: {  	[tilespmem:s18], [sflag:$0x1] =	stream.indirect.gather [spmem:s2], $0x40, s19, s17, $0xb8;
	[tilespmem:$0x1D000] =	vst v63  }
0x93: {  	_ =	swait.ge [sflag:s28], $0x2000  }
0x94: {  	[sflag:s28] =	ssyncset.done $0x0  }
0x95: {  	[sflag:s28] =	ssyncadd.s32 $0xFFFFE000  }
0x96: {  	[tilespmem:s20], [sflag:$0x2] =	stream.indirect.gather [spmem:s2], $0x40, s22, s17, $0xb8;
	[tilespmem:$0x1D000] =	vst v63  }
0x97: {  	_ =	swait.ge [sflag:s21], $0x2000  }
0x98: {  	[sflag:s21] =	ssyncset.done $0x0  }
0x99: {  	[sflag:s21] =	ssyncadd.s32 $0xFFFFE000  }
0x9a: {  	[spmem:s3] =	stream.indirect.scatter.add.f32 [tilespmem:s18], [sflag:$0x3], $0x40, s15, s17, $0xb8;
	[tilespmem:$0x1D000] =	vst v63  }
0x9b: {  	_ =	swait.ge [sflag:s23], $0x2000  }
0x9c: {  	[sflag:s23] =	ssyncset.done $0x0  }
0x9d: {  	[sflag:s23] =	ssyncadd.s32 $0xFFFFE000  }
0x9e: {  	[spmem:s3] =	stream.indirect.scatter.add.f32 [tilespmem:s20], [sflag:$0x4], $0x40, s24, s17, $0xb8;
	[tilespmem:$0x1D000] =	vst v63  }
0x9f: {  	_ =	swait.ge [sflag:s25], $0x2000  }
0xa0: {  	[sflag:s25] =	ssyncset.done $0x0  }
0xa1: {  	[sflag:s25] =	ssyncadd.s32 $0xFFFFE000  }
0xa2: {  	[tilespmem:s18], [sflag:$0x1] =	stream.indirect.gather [spmem:s2], $0x40, s26, s17, $0xb8;
	[tilespmem:$0x1D000] =	vst v63  }
0xa3: {  	_ =	swait.ge [sflag:s28], $0x2000  }
0xa4: {  	[sflag:s28] =	ssyncset.done $0x0  }
0xa5: {  	[sflag:s28] =	ssyncadd.s32 $0xFFFFE000  }
0xa6: {  	[tilespmem:s20], [sflag:$0x2] =	stream.indirect.gather [spmem:s2], $0x40, s29, s17, $0xb8;
	[tilespmem:$0x1D000] =	vst v63  }
0xa7: {  	_ =	swait.ge [sflag:s21], $0x2000  }
0xa8: {  	[sflag:s21] =	ssyncset.done $0x0  }
0xa9: {  	[sflag:s21] =	ssyncadd.s32 $0xFFFFE000  }
0xaa: {  	[spmem:s3] =	stream.indirect.scatter.add.f32 [tilespmem:s18], [sflag:$0x3], $0x40, s30, s17, $0xb8;
	[tilespmem:$0x1D000] =	vst v63  }
0xab: {  	_ =	swait.ge [sflag:s23], $0x2000  }
0xac: {  	[sflag:s23] =	ssyncset.done $0x0  }
0xad: {  	[sflag:s23] =	ssyncadd.s32 $0xFFFFE000  }
0xae: {  	[spmem:s3] =	stream.indirect.scatter.add.f32 [tilespmem:s20], [sflag:$0x4], $0x40, s31, s17, $0xb8;
	[tilespmem:$0x1D000] =	vst v63  }
0xaf: {  	_ =	swait.ge [sflag:s25], $0x2000  }
0xb0: {  	[sflag:s25] =	ssyncset.done $0x0  }
0xb1: {  	[sflag:s25] =	ssyncadd.s32 $0xFFFFE000  }
0xb2: {  	[tilespmem:s18], [sflag:$0x1] =	stream.indirect.gather [spmem:s2], $0x40, s1, s17, $0xb8;
	[tilespmem:$0x1D000] =	vst v63  }
0xb3: {  	_ =	swait.ge [sflag:s28], $0x2000  }
0xb4: {  	[sflag:s28] =	ssyncset.done $0x0  }
0xb5: {  	[sflag:s28] =	ssyncadd.s32 $0xFFFFE000  }
0xb6: {  	[tilespmem:s20], [sflag:$0x2] =	stream.indirect.gather [spmem:s2], $0x40, s0, s17, $0xb8;
	[tilespmem:$0x1D000] =	vst v63  }
0xb7: {  	_ =	swait.ge [sflag:s21], $0x2000  }
0xb8: {  	[sflag:s21] =	ssyncset.done $0x0  }
0xb9: {  	[sflag:s21] =	ssyncadd.s32 $0xFFFFE000  }
0xba: {  	[spmem:s3] =	stream.indirect.scatter.add.f32 [tilespmem:s18], [sflag:$0x3], $0x40, s8, s17, $0xb8;
	[tilespmem:$0x1D000] =	vst v63  }
.Ltmp2:
0xbb: {  	_ = 	snop;
	(pc) =	sbr.rel @p0 .LBB2_4-.Ltmp2, $4  }
0xbc: {  	_ =	swait.ge [sflag:s23], $0x2000  }
0xbd: {  	[sflag:s23] =	ssyncset.done $0x0  }
0xbe: {  	[sflag:s23] =	ssyncadd.s32 $0xFFFFE000  }
0xbf: {  	[spmem:s3] =	stream.indirect.scatter.add.f32 [tilespmem:s20], [sflag:$0x4], $0x40, s9, s17, $0xb8;
	[tilespmem:$0x1D000] =	vst v63  }
0xc0: {  	_ =	swait.ge [sflag:s10], $0x800  }
0xc1: {  	[sflag:s10] =	ssyncset.done $0x0  }
0xc2: {  	[sflag:s10] =	ssyncadd.s32 $0xFFFFF800  }
0xc3: {  	_ =	swait.ge [sflag:s25], $0x2000  }
0xc4: {  	[sflag:s25] =	ssyncset.done $0x0  }
0xc5: {  	[sflag:s25] =	ssyncadd.s32 $0xFFFFE000  }
0xc6: {  	[tilespmem:s18], [sflag:$0x1] =	stream.indirect.gather [spmem:s2], $0x40, s4, s17, $0xb8;
	[tilespmem:$0x1D000] =	vst v63  }
0xc7: {  	_ =	swait.ge [sflag:s28], $0x2000  }
.Ltmp3:
0xc8: {  	[sflag:s28] =	ssyncset.done $0x0;
	(pc) =	sbr.rel .LBB2_2-.Ltmp3, $4  }
0xc9: {  	s5 =	simm.s32 $0x14080;
	s12 =	sadd.s32 s6, s11;
	[sflag:s28] =	ssyncadd.s32 $0xFFFFE000  }
0xca: {  	[tilespmem:s20], [sflag:$0x2] =	stream.indirect.gather [spmem:s2], $0x40, s5, s17, $0xb8;
	[tilespmem:$0x1D000] =	vst v63  }
0xcb: {  	s6 =	sadd.s32 $0x200, s6;
	s5 =	sadd.s32 $0x1500, s12  }
0xcc: {  	[tilespmem:s16], [sflag:$0x6] =	stream.linear.gather [hbm4b:s5+s13], $0x800, $0x38;
	[tilespmem:$0x1D000] =	vst v63  }
.LBB2_5:
0xcd: {  	_ =	sfence.sel $0x180000  }
0xce: {  	[bflag:$0x0] =	sbarrier.arrive $0xFFFF  }
0xcf: {  	_ =	strace $0x90000047  }
0xd0: {  	s0 =	stileid.u32;
	[bflag:$0x2] =	sbarrier.arrive $0xFFFF  }
0xd1: {  	p0 =	sne.s32 s0, $0x0;
	s0 =	rddreg [dreg:$0x4]  }
0xd2: {  	s0 =	sadd.s32 @!p0 $0x100000, s0  }
0xd3: {  	[sflag:s0] =	ssyncadd.tile.s32 @!p0 $0x1;
	_ =	shalt  }
.Lfunc_end2:
_tile_overlayer_lowered:
.L_overlay_start_2:
0xd4: {  	(tag) =	ssettag $0x2  }
0xd5: {  	s0 =	rddreg [dreg:$0x0];
	s2 =	stileid.u32  }
0xd6: {  	s1 =	rddreg [dreg:$0x1];
	p0 =	sne.s32 s2, $0x0  }
0xd7: {  	s3 =	rddreg [dreg:$0x2];
	[bflag:$0x3] =	sbarrier.arrive $0xFFFF;
	s2 =	simm.s32 @!p0 $0x1C07  }
0xd8: {  	[timem:s3], [sflag:s2] =	dma.local @!p0 [hbm:s0], s1  }
0xd9: {  	s0 =	simm.s32 @!p0 $0x7  }
0xda: {  	_ =	swait.ge @!p0 [sflag:s0], s1  }
0xdb: {  	s1 =	ssub.s32 @!p0 $0x0, s1;
	[sflag:s0] =	ssyncset.done @!p0 $0x0  }
0xdc: {  	[sflag:s0] =	ssyncadd.s32 @!p0 s1  }
0xdd: {  	[bflag:$0x3] =	sbarrier.arrive $0xFFFF  }
0xde: {  	_ =	shalt  }

// kernel: kernel.9.cloned.1.call-start
scs
__scs_entry_jumppad:
0x0: {  	(pc) =	sbr.rel $0x88, $3  }
0x1: {  	(tag) =	ssettag $0x0;
	lr =	simm.s32 $0x1  }
0x2: {  	[smem:$0x3F97] =	sst lr;
	_ =	strace $0xD0000000  }
0x3: {  	_ = 	snop  }
0x4: {  	_ = 	snop  }
0x5: {  	_ = 	snop  }
0x6: {  	_ = 	snop  }
0x7: {  	_ = 	snop  }
__scs_overlays_trampoline_lowered:
0x8: {  	[smem:$0x3FA6] =	sst s0  }
0x9: {  	[smem:$0x3FA7] =	sst s1  }
0xa: {  	[smem:$0x3FA8] =	sst s2  }
0xb: {  	[smem:$0x3FA9] =	sst s3  }
0xc: {  	[smem:$0x3FAA] =	sst s4  }
0xd: {  	[smem:$0x3FAB] =	sst s5  }
0xe: {  	[smem:$0x3FAC] =	sst s6  }
0xf: {  	[smem:$0x3FAD] =	sst s7  }
0x10: {  	[smem:$0x3FAE] =	sst s8  }
0x11: {  	[smem:$0x3FAF] =	sst s9;
	s0 =	simm.s32 @!p0 $0x0  }
0x12: {  	s1 =	sld [smem:$0x3F95];
	s0 =	simm.s32 @p0 $0x1  }
0x13: {  	[smem:$0x3FB0] =	sst s0;
	s0 =	simm.s32 @!p1 $0x0  }
0x14: {  	s2 =	sld [smem:$0x3F94];
	s0 =	simm.s32 @p1 $0x1  }
0x15: {  	[smem:$0x3FB1] =	sst s0;
	s0 =	simm.s32 @!p2 $0x0  }
0x16: {  	s3 =	sld [smem:$0x3FDB];
	s0 =	simm.s32 @p2 $0x1  }
0x17: {  	s4 =	simm.s32 $0x1BF5;
	[smem:$0x3FB3] =	sst s0  }
0x18: {  	s0 =	sld [smem:$0x3F96];
	_ =	swait.ge [sflag:s4], $0x0  }
0x19: {  	s7 =	sld [smem:$0x3F97]  }
0x1a: {  	s8 =	sadd.s32 $0xFFFFE003, lr  }
0x1b: {  	s9 =	sadd.s32 $0xFFFFFEF7, lr;
	s5 =	simm.s32 $0xFFFFFFFF;
	p2 =	slt.u32 s8, $0xFFFFF086  }
0x1c: {  	p1 =	slt.u32 s9, $0xF7A;
	s5 =	simm.s32 @!p2 $0x0  }
0x1d: {  	s5 =	simm.s32 @p1 $0x1;
	p0 =	seq.s32 s7, s2  }
0x1e: {  	s7 =	smul.u32 @!p0 $0xF7A, s2;
	p2 =	seq.s32 @!p0 s5, $0x0  }
0x1f: {  	s9 =	smul.u32 $0xF7A, s1;
	s8 =	simm.s32 @!p0 $0x1BF5;
	p2 =	por !p2, p0  }
0x20: {  	[sflag:s8] =	ssyncset.s32 @!p0 $0xFFFFF086;
	s6 =	sadd.s32 @!p0 s3, s7;
	s7 =	simm.s32 @!p0 $0x108  }
0x21: {  	s3 =	sadd.s32 s3, s9;
	s6 =	sadd.s32 @!p0 $0x88, s6;
	s7 =	simm.s32 @p2 $0x1082  }
0x22: {  	[simem:s7], [sflag:s8] =	dma.local @!p0 [hbm:s6], $0xF7A  }
0x23: {  	s9 =	sor.u32 $0xD0000000, s2;
	s6 =	simm.s32 $0x108;
	_ =	swait.ge @!p0 [sflag:s8], $0x0  }
0x24: {  	s3 =	sadd.s32 $0x88, s3;
	s6 =	simm.s32 @!p1 $0x1082;
	[sflag:s4] =	ssyncset.s32 $0xFFFFF086  }
0x25: {  	[simem:s6], [sflag:s4] =	dma.local [hbm:s3], $0xF7A  }
0x26: {  	[smem:$0x3F97] =	sst s1;
	(tag) =	ssettag s2;
	_ =	strace s9  }
0x27: {  	s1 =	sld [smem:$0x3FA7]  }
0x28: {  	s2 =	sld [smem:$0x3FA8]  }
0x29: {  	s4 =	sld [smem:$0x3FAA]  }
0x2a: {  	p0 =	seq.s32 s5, $0x0;
	s5 =	sld [smem:$0x3FAB]  }
0x2b: {  	s6 =	sld [smem:$0x3FAC]  }
0x2c: {  	s7 =	sld [smem:$0x3FAD]  }
0x2d: {  	s3 =	simm.s32 $0x108;
	s8 =	sld [smem:$0x3FAE]  }
0x2e: {  	s3 =	simm.s32 @!p0 $0x1082;
	s9 =	sld [smem:$0x3FAF]  }
0x2f: {  	lr =	sadd.s32 s0, s3;
	s0 =	sld [smem:$0x3FA6]  }
0x30: {  	s3 =	sld [smem:$0x3FA9]  }
0x31: {  	[smem:$0x3FB2] =	sst s10  }
0x32: {  	s10 =	sld [smem:$0x3FB0];
	_ =	sdelay $0x3  }
0x33: {  	p0 =	seq.s32 s10, $0x1;
	s10 =	sld [smem:$0x3FB2];
	_ =	sdelay $0x3  }
0x34: {  	[smem:$0x3FB2] =	sst s10  }
0x35: {  	s10 =	sld [smem:$0x3FB1];
	_ =	sdelay $0x3  }
0x36: {  	p1 =	seq.s32 s10, $0x1;
	s10 =	sld [smem:$0x3FB2];
	_ =	sdelay $0x3  }
0x37: {  	[smem:$0x3FB2] =	sst s10  }
0x38: {  	s10 =	sld [smem:$0x3FB3]  }
0x39: {  	_ = 	snop;
	(pc) =	sbr.ind lr, $3  }
0x3a: {  	_ = 	snop  }
0x3b: {  	_ = 	snop  }
0x3c: {  	p2 =	seq.s32 s10, $0x1;
	s10 =	sld [smem:$0x3FB2]  }
0x3d: {  	_ =	shalt  }
0x3e: {  	_ =	shalt  }
0x3f: {  	_ =	shalt  }
0x40: {  	_ =	shalt  }
0x41: {  	_ =	shalt  }
0x42: {  	_ =	shalt  }
0x43: {  	_ =	shalt  }
0x44: {  	_ =	shalt  }
0x45: {  	_ =	shalt  }
0x46: {  	_ =	shalt  }
0x47: {  	_ =	shalt  }
0x48: {  	_ =	shalt  }
0x49: {  	_ =	shalt  }
0x4a: {  	_ =	shalt  }
0x4b: {  	_ =	shalt  }
0x4c: {  	_ =	shalt  }
0x4d: {  	_ =	shalt  }
0x4e: {  	_ =	shalt  }
0x4f: {  	_ =	shalt  }
0x50: {  	_ =	shalt  }
0x51: {  	_ =	shalt  }
0x52: {  	_ =	shalt  }
0x53: {  	_ =	shalt  }
0x54: {  	_ =	shalt  }
0x55: {  	_ =	shalt  }
0x56: {  	_ =	shalt  }
0x57: {  	_ =	shalt  }
0x58: {  	_ =	shalt  }
0x59: {  	_ =	shalt  }
0x5a: {  	_ =	shalt  }
0x5b: {  	_ =	shalt  }
0x5c: {  	_ =	shalt  }
0x5d: {  	_ =	shalt  }
0x5e: {  	_ =	shalt  }
0x5f: {  	_ =	shalt  }
0x60: {  	_ =	shalt  }
0x61: {  	_ =	shalt  }
0x62: {  	_ =	shalt  }
0x63: {  	_ =	shalt  }
0x64: {  	_ =	shalt  }
0x65: {  	_ =	shalt  }
0x66: {  	_ =	shalt  }
0x67: {  	_ =	shalt  }
0x68: {  	_ =	shalt  }
0x69: {  	_ =	shalt  }
0x6a: {  	_ =	shalt  }
0x6b: {  	_ =	shalt  }
0x6c: {  	_ =	shalt  }
0x6d: {  	_ =	shalt  }
0x6e: {  	_ =	shalt  }
0x6f: {  	_ =	shalt  }
0x70: {  	_ =	shalt  }
0x71: {  	_ =	shalt  }
0x72: {  	_ =	shalt  }
0x73: {  	_ =	shalt  }
0x74: {  	_ =	shalt  }
0x75: {  	_ =	shalt  }
0x76: {  	_ =	shalt  }
0x77: {  	_ =	shalt  }
0x78: {  	_ =	shalt  }
0x79: {  	_ =	shalt  }
0x7a: {  	_ =	shalt  }
0x7b: {  	_ =	shalt  }
0x7c: {  	_ =	shalt  }
0x7d: {  	_ =	shalt  }
0x7e: {  	_ =	shalt  }
0x7f: {  	_ =	shalt  }
0x80: {  	_ =	shalt  }
0x81: {  	_ =	shalt  }
0x82: {  	_ =	shalt  }
0x83: {  	_ =	shalt  }
0x84: {  	_ =	shalt  }
0x85: {  	_ =	shalt  }
0x86: {  	_ =	shalt  }
0x87: {  	_ =	shalt  }
.Lfunc_end0:
.L_simem_size_0:
called_computation.1_lowered:
.L_overlay_start_0:
0x88: {  	s2 =	sld [smem:$0x3FD9]  }
0x89: {  	s3 =	sld [smem:$0x3FFE];
	_ =	sdelay $0x1  }
0x8a: {  	s1 =	srdreg.scid  }
0x8b: {  	s0 =	sand.u32 $0x1, s1  }
0x8c: {  	s17 =	sshll.u32 s0, $0xA;
	s2 =	sadd.s32 s3, s2  }
0x8d: {  	s2 =	sadd.s32 s2, s17  }
0x8e: {  	[smem:$0x3FBE] =	sst s2  }
0x8f: {  	_ = 	snop  }
0x90: {  	s2 =	sld [smem:$0x3FD0];
	(tm) =	ssettm $0x1  }
0x91: {  	s18 =	sld [smem:$0x3FFB];
	_ =	sdelay $0x3  }
0x92: {  	_ =	strace s18  }
0x93: {  	s3 =	sld [smem:$0x3FFC];
	_ =	sdelay $0x3  }
0x94: {  	_ =	strace s3  }
0x95: {  	s3 =	sld [smem:$0x3FFD];
	_ =	sdelay $0x3  }
0x96: {  	_ =	strace s3  }
0x97: {  	_ =	strace $0x8FFFFFFF  }
0x98: {  	s19 =	sld [smem:$0x3FDB];
	_ =	sdelay $0x1  }
0x99: {  	s4 =	simm.s32 $_scs_section_size  }
0x9a: {  	s5 =	simm.s32 $_size__tile_overlayer_lowered;
	s6 =	simm.s32 $_tile_overlayer_lowered  }
0x9b: {  	s22 =	simm.s32 $0x1BFF;
	s21 =	sshll.u32 s6, $0x1;
	s3 =	sadd.s32 s4, s19  }
0x9c: {  	s7 =	simm.s32 $0x0;
	s20 =	sshll.u32 s5, $0x1;
	s5 =	sadd.s32 s21, s3  }
0x9d: {  	[timem:s7], [sflag:s22] =	dma.local [hbm:s5], s20  }
0x9e: {  	_ =	swait.ge [sflag:s22], s20  }
0x9f: {  	s4 =	ssub.s32 $0x0, s20;
	[sflag:s22] =	ssyncset.done $0x0  }
0xa0: {  	[sflag:s22] =	ssyncadd.s32 s4;
	_ =	sdelay $0x1  }
0xa1: {  	s23 =	simm.s32 $0x1B8B  }
0xa2: {  	_ =	swait.ge [sflag:s23], $0x1  }
0xa3: {  	[sflag:s23] =	ssyncset.done $0x0  }
0xa4: {  	s25 =	simm.s32 $0x1B8E;
	s24 =	sld [smem:$0x3FFE];
	[sflag:s23] =	ssyncadd.s32 $0xFFFFFFFF  }
0xa5: {  	s26 =	simm.s32 $execute0_lowered;
	[smem:$0x3FD2] =	sst s25  }
0xa6: {  	s5 =	sshll.u32 s26, $0x1;
	_ =	strace $0x80000049;
	[dreg:$0x1] =	wrdreg $0xFFFFFFFF  }
0xa7: {  	s28 =	simm.s32 $_size_execute0_lowered;
	s3 =	sadd.s32 s3, s5;
	[dreg:$0x0] =	wrdreg $0x0  }
0xa8: {  	s5 =	sshll.u32 s28, $0x1;
	[dreg:$0x2] =	wrdreg s3  }
0xa9: {  	[dreg:$0x3] =	wrdreg s5  }
0xaa: {  	[dreg:$0x4] =	wrdreg $0xC0  }
0xab: {  	_ =	task [dreg:s7], $0x5FFFF  }
0xac: {  	[dreg:$0x1] =	wrdreg $0xFFFFFFFF  }
0xad: {  	[dreg:$0x0] =	wrdreg $0x60  }
0xae: {  	[dreg:$0x2] =	wrdreg s24  }
0xaf: {  	[dreg:$0x3] =	wrdreg s2  }
0xb0: {  	[dreg:$0x4] =	wrdreg $0x0  }
0xb1: {  	[dreg:$0x5] =	wrdreg $0xA0000  }
0xb2: {  	[dreg:$0x6] =	wrdreg $0x9  }
0xb3: {  	_ =	task.clear_ibuf [dreg:s7], $0x7FFFF;
	_ =	strace $0x90000049  }
0xb4: {  	s29 =	simm.s32 $0x9;
	_ =	strace $0x8000004B  }
0xb5: {  	_ =	swait.ge [sflag:s29], $0x1  }
0xb6: {  	[sflag:s29] =	ssyncadd.s32 $0xFFFFFFFF  }
0xb7: {  	_ =	strace $0x9000004B  }
0xb8: {  	_ =	sfence  }
0xb9: {  	s30 =	sld [smem:$0x0];
	_ =	sdelay $0x2  }
0xba: {  	s31 =	sshll.u32 s1, $0xD;
	s1 =	sshrl.u32 s1, $0x2  }
0xbb: {  	s3 =	sand.u32 $0x4000, s31;
	s1 =	sadd.s32 s1, s30  }
0xbc: {  	s0 =	sor.u32 s3, s0;
	s1 =	sshll.u32 s1, $0x11  }
0xbd: {  	s0 =	sor.u32 s1, s0  }
0xbe: {  	s0 =	sadd.s32 $0x8F2B, s0  }
0xbf: {  	[sflag:s0] =	ssyncadd.remote.s32 $0x1  }
0xc0: {  	_ =	sfence.sel $0xFFFF  }
0xc1: {  	[dreg:$0x0] =	wrdreg $0xFFFFFFFF;
	(pc) =	sbr.abs _section_cstart, $3  }
0xc2: {  	[dreg:$0x1] =	wrdreg $0xFFFFFFFF  }
0xc3: {  	_ =	task.clear_ibuf [dreg:s7], $0x2FFFF;
	_ =	strace $0x9FFFFFFF  }
0xc4: {  	(tm) =	ssettm $0x7FFFFFFF  }
0xc5: {  	_ =	shalt  }
tec
execute0_lowered:
.L_overlay_start_1:
0x0: {  	(tag) =	ssettag $0x1  }
0x1: {  	s0 =	rddreg [dreg:$0x0]  }
0x2: {  	s1 =	rddreg [dreg:$0x1];
	s3 =	srdreg.scid  }
0x3: {  	s2 =	rddreg [dreg:$0x2];
	s9 =	stileid.u32;
	s7 =	simm.s32 $0x0  }
0x4: {  	s16 =	simm.s32 $0x14800;
	s17 =	simm.s32 $0x80;
	s28 =	simm.s32 $0x4  }
0x5: {  	s14 =	simm.s32 $0x6;
	s15 =	simm.s32 $0x14D00;
	s29 =	simm.s32 $0x14A80  }
0x6: {  	s30 =	simm.s32 $0x14E00;
	s31 =	simm.s32 $0x14E80;
	s6 =	smul.u32 $0x14000, s9  }
0x7: {  	s4 =	sand.u32 $0x1, s3;
	s3 =	rddreg [dreg:$0x3];
	s8 =	smul.u32 $0xA000, s9  }
0x8: {  	[smem:$0x7FF] =	sst s7;
	s22 =	sshll.u32 s9, $0x6;
	s23 =	smul.u32 $0x1400, s9  }
0x9: {  	s7 =	simm.s32 $0x7;
	s9 =	simm.s32 $0x14F80;
	s5 =	smul.u32 $0x140000, s4  }
0xa: {  	s4 =	ssub.s32 $0x2, s4;
	_ =	strace $0x8000004A;
	s12 =	sor.u32 $0x1C07, s22  }
0xb: {  	s22 =	simm.s32 $0x14980;
	s18 =	sshrl.u32 s4, $0x1;
	s19 =	sadd.s32 s6, s2  }
0xc: {  	s21 =	sshrl.u32 s8, $0x3;
	s11 =	sadd.s32 s23, s1;
	s23 =	simm.s32 $0x2  }
0xd: {  	s8 =	simm.s32 $0x14F00;
	[dreg:$0x7] =	wrdreg s12;
	s5 =	sadd.s32 s6, s5  }
0xe: {  	s4 =	ssub.s32 s4, s18;
	s10 =	sadd.s32 s1, s21;
	s6 =	sadd.s32 s6, s3  }
0xf: {  	s26 =	sshrl.u32 s19, $0x3;
	s18 =	simm.s32 $0x15000;
	s21 =	simm.s32 $0x1  }
0x10: {  	s19 =	simm.s32 $0x14900;
	s1 =	simm.s32 $0x14B00;
	s5 =	sshrl.u32 s5, $0x3  }
0x11: {  	[dreg:$0x6] =	wrdreg s10;
	s24 =	sadd.s32 $0x100, s10;
	s25 =	smax.u32 s4, $0x1  }
0x12: {  	[dreg:$0xb] =	wrdreg s26;
	s13 =	sshrl.u32 s6, $0x3;
	s26 =	simm.s32 $0x14A00  }
.Ltmp0:
0x13: {  	s10 =	simm.s32 $0x5;
	[dreg:$0x8] =	wrdreg s24;
	(pc) =	sbr.rel .LBB2_1-.Ltmp0, $4  }
0x14: {  	s4 =	simm.s32 $0x0;
	s0 =	sadd.s32 s5, s0;
	[dreg:$0xa] =	wrdreg s25  }
0x15: {  	s25 =	simm.s32 $0x3;
	[dreg:$0xc] =	wrdreg s13;
	s20 =	sadd.s32 $0x1A00, s0  }
0x16: {  	s24 =	simm.s32 $0x14D80;
	s0 =	sadd.s32 $0x51A00, s0;
	[dreg:$0x5] =	wrdreg s20  }
0x17: {  	[dreg:$0x9] =	wrdreg s0;
	s20 =	simm.s32 $0x19000;
	s0 =	simm.s32 $0x14B80  }
.LBB2_4:
0x18: {  	_ =	swait.ge [sflag:s25], $0x2000  }
0x19: {  	[sflag:s25] =	ssyncset.done $0x0  }
0x1a: {  	[sflag:s25] =	ssyncadd.s32 $0xFFFFE000  }
0x1b: {  	_ =	swait.ge [sflag:s28], $0x2000  }
0x1c: {  	[sflag:s28] =	ssyncset.done $0x0  }
0x1d: {  	[sflag:s28] =	ssyncadd.s32 $0xFFFFE000  }
0x1e: {  	[bflag:$0x0] =	sbarrier.arrive $0xFFFF  }
0x1f: {  	s12 =	rddreg [dreg:$0x7]  }
0x20: {  	s5 =	rddreg [dreg:$0x9]  }
0x21: {  	s7 =	simm.s32 $0x7;
	s13 =	rddreg [dreg:$0xc]  }
0x22: {  	[hbm:s5], [sflag:s12] =	dma.local [spmem:s13], $0x2800  }
0x23: {  	_ =	swait.ge [sflag:s7], $0x2800  }
0x24: {  	s4 =	rddreg [dreg:$0xd]  }
0x25: {  	s6 =	rddreg [dreg:$0xa];
	s4 =	sadd.s32 $0x1, s4  }
0x26: {  	p0 =	sne.s32 s4, s6  }
.Ltmp1:
0x27: {  	_ = 	snop;
	(pc) =	sbr.rel @!p0 .LBB2_5-.Ltmp1, $3  }
0x28: {  	_ =	sdelay $0x1  }
0x29: {  	[sflag:s7] =	ssyncset.done $0x0  }
0x2a: {  	[sflag:s7] =	ssyncadd.s32 $0xFFFFD800  }
.LBB2_1:
0x2b: {  	[dreg:$0xd] =	wrdreg s4  }
0x2c: {  	s5 =	rddreg [dreg:$0x5]  }
0x2d: {  	s6 =	rddreg [dreg:$0xb]  }
0x2e: {  	[spmem:s6], [sflag:s12] =	dma.local [hbm:s5], $0x2800  }
0x2f: {  	_ =	swait.ge [sflag:s7], $0x2800  }
0x30: {  	[sflag:s7] =	ssyncset.done $0x0  }
0x31: {  	[sflag:s7] =	ssyncadd.s32 $0xFFFFD800  }
0x32: {  	[spmem:s13], [sflag:s12] =	dma.local [hbm:s5], $0x2800  }
0x33: {  	_ =	swait.ge [sflag:s7], $0x2800  }
0x34: {  	[sflag:s7] =	ssyncset.done $0x0  }
0x35: {  	[sflag:s7] =	ssyncadd.s32 $0xFFFFD800  }
0x36: {  	[bflag:$0x0] =	sbarrier.arrive $0xFFFF  }
0x37: {  	s5 =	simm.s32 $0x0;
	s12 =	simm.s32 $0x14000;
	s4 =	rddreg [dreg:$0x6]  }
0x38: {  	[tilespmem:s12], [sflag:$0x7] =	stream.linear.gather [hbm4b:s4+s5], $0x800, $0x38;
	[tilespmem:$0x1D000] =	vst v63  }
0x39: {  	_ =	swait.ge [sflag:s7], $0x800  }
0x3a: {  	[sflag:s7] =	ssyncset.done $0x0  }
0x3b: {  	[sflag:s7] =	ssyncadd.s32 $0xFFFFF800;
	s7 =	rddreg [dreg:$0x8]  }
0x3c: {  	[tilespmem:s16], [sflag:$0x6] =	stream.linear.gather [hbm4b:s7+s5], $0x800, $0x38;
	[tilespmem:$0x1D000] =	vst v63  }
0x3d: {  	s6 =	simm.s32 $0xFFFFEE00  }
0x3e: {  	[tilespmem:s18], [sflag:$0x1] =	stream.indirect.gather [spmem:s2], $0x40, s12, s17, $0xb8;
	[tilespmem:$0x1D000] =	vst v63  }
0x3f: {  	s13 =	simm.s32 $0x0;
	s4 =	simm.s32 $0x14000;
	s12 =	simm.s32 $0x14080  }
0x40: {  	[tilespmem:s20], [sflag:$0x2] =	stream.indirect.gather [spmem:s2], $0x40, s12, s17, $0xb8;
	[tilespmem:$0x1D000] =	vst v63  }
.LBB2_2:
0x41: {  	_ =	swait.ge [sflag:s21], $0x2000  }
0x42: {  	[sflag:s21] =	ssyncset.done $0x0  }
0x43: {  	s5 =	simm.s32 $0x14400;
	[sflag:s21] =	ssyncadd.s32 $0xFFFFE000  }
0x44: {  	[spmem:s3] =	stream.indirect.scatter.add.f32 [tilespmem:s18], [sflag:$0x3], $0x40, s5, s17, $0xb8;
	[tilespmem:$0x1D000] =	vst v63  }
0x45: {  	_ =	swait.ge [sflag:s23], $0x2000  }
0x46: {  	[sflag:s23] =	ssyncset.done $0x0  }
0x47: {  	s7 =	simm.s32 $0x14480;
	[sflag:s23] =	ssyncadd.s32 $0xFFFFE000  }
0x48: {  	[spmem:s3] =	stream.indirect.scatter.add.f32 [tilespmem:s20], [sflag:$0x4], $0x40, s7, s17, $0xb8;
	[tilespmem:$0x1D000] =	vst v63  }
0x49: {  	_ =	swait.ge [sflag:s25], $0x2000  }
0x4a: {  	[sflag:s25] =	ssyncset.done $0x0  }
0x4b: {  	s12 =	simm.s32 $0x14100;
	[sflag:s25] =	ssyncadd.s32 $0xFFFFE000  }
0x4c: {  	[tilespmem:s18], [sflag:$0x1] =	stream.indirect.gather [spmem:s2], $0x40, s12, s17, $0xb8;
	[tilespmem:$0x1D000] =	vst v63  }
0x4d: {  	_ =	swait.ge [sflag:s28], $0x2000  }
0x4e: {  	[sflag:s28] =	ssyncset.done $0x0  }
0x4f: {  	s7 =	simm.s32 $0x14180;
	[sflag:s28] =	ssyncadd.s32 $0xFFFFE000  }
0x50: {  	[tilespmem:s20], [sflag:$0x2] =	stream.indirect.gather [spmem:s2], $0x40, s7, s17, $0xb8;
	[tilespmem:$0x1D000] =	vst v63  }
0x51: {  	_ =	swait.ge [sflag:s21], $0x2000  }
0x52: {  	[sflag:s21] =	ssyncset.done $0x0  }
0x53: {  	s12 =	simm.s32 $0x14500;
	[sflag:s21] =	ssyncadd.s32 $0xFFFFE000  }
0x54: {  	[spmem:s3] =	stream.indirect.scatter.add.f32 [tilespmem:s18], [sflag:$0x3], $0x40, s12, s17, $0xb8;
	[tilespmem:$0x1D000] =	vst v63  }
0x55: {  	_ =	swait.ge [sflag:s23], $0x2000  }
0x56: {  	[sflag:s23] =	ssyncset.done $0x0  }
0x57: {  	s7 =	simm.s32 $0x14580;
	[sflag:s23] =	ssyncadd.s32 $0xFFFFE000  }
0x58: {  	[spmem:s3] =	stream.indirect.scatter.add.f32 [tilespmem:s20], [sflag:$0x4], $0x40, s7, s17, $0xb8;
	[tilespmem:$0x1D000] =	vst v63  }
0x59: {  	_ =	swait.ge [sflag:s25], $0x2000  }
0x5a: {  	[sflag:s25] =	ssyncset.done $0x0  }
0x5b: {  	s12 =	simm.s32 $0x14200;
	[sflag:s25] =	ssyncadd.s32 $0xFFFFE000  }
0x5c: {  	[tilespmem:s18], [sflag:$0x1] =	stream.indirect.gather [spmem:s2], $0x40, s12, s17, $0xb8;
	[tilespmem:$0x1D000] =	vst v63  }
0x5d: {  	_ =	swait.ge [sflag:s28], $0x2000  }
0x5e: {  	[sflag:s28] =	ssyncset.done $0x0  }
0x5f: {  	s7 =	simm.s32 $0x14280;
	[sflag:s28] =	ssyncadd.s32 $0xFFFFE000  }
0x60: {  	[tilespmem:s20], [sflag:$0x2] =	stream.indirect.gather [spmem:s2], $0x40, s7, s17, $0xb8;
	[tilespmem:$0x1D000] =	vst v63  }
0x61: {  	_ =	swait.ge [sflag:s21], $0x2000  }
0x62: {  	[sflag:s21] =	ssyncset.done $0x0  }
0x63: {  	s12 =	simm.s32 $0x14600;
	[sflag:s21] =	ssyncadd.s32 $0xFFFFE000  }
0x64: {  	[spmem:s3] =	stream.indirect.scatter.add.f32 [tilespmem:s18], [sflag:$0x3], $0x40, s12, s17, $0xb8;
	[tilespmem:$0x1D000] =	vst v63  }
0x65: {  	_ =	swait.ge [sflag:s23], $0x2000  }
0x66: {  	[sflag:s23] =	ssyncset.done $0x0  }
0x67: {  	s7 =	simm.s32 $0x14680;
	[sflag:s23] =	ssyncadd.s32 $0xFFFFE000  }
0x68: {  	[spmem:s3] =	stream.indirect.scatter.add.f32 [tilespmem:s20], [sflag:$0x4], $0x40, s7, s17, $0xb8;
	[tilespmem:$0x1D000] =	vst v63  }
0x69: {  	_ =	swait.ge [sflag:s25], $0x2000  }
0x6a: {  	[sflag:s25] =	ssyncset.done $0x0  }
0x6b: {  	s12 =	simm.s32 $0x14300;
	[sflag:s25] =	ssyncadd.s32 $0xFFFFE000  }
0x6c: {  	[tilespmem:s18], [sflag:$0x1] =	stream.indirect.gather [spmem:s2], $0x40, s12, s17, $0xb8;
	[tilespmem:$0x1D000] =	vst v63  }
0x6d: {  	_ =	swait.ge [sflag:s28], $0x2000  }
0x6e: {  	[sflag:s28] =	ssyncset.done $0x0  }
0x6f: {  	s7 =	simm.s32 $0x14380;
	[sflag:s28] =	ssyncadd.s32 $0xFFFFE000  }
0x70: {  	[tilespmem:s20], [sflag:$0x2] =	stream.indirect.gather [spmem:s2], $0x40, s7, s17, $0xb8;
	[tilespmem:$0x1D000] =	vst v63  }
0x71: {  	_ =	swait.ge [sflag:s21], $0x2000  }
0x72: {  	[sflag:s21] =	ssyncset.done $0x0  }
0x73: {  	s12 =	simm.s32 $0x14700;
	[sflag:s21] =	ssyncadd.s32 $0xFFFFE000  }
0x74: {  	[spmem:s3] =	stream.indirect.scatter.add.f32 [tilespmem:s18], [sflag:$0x3], $0x40, s12, s17, $0xb8;
	[tilespmem:$0x1D000] =	vst v63  }
0x75: {  	_ =	swait.ge [sflag:s23], $0x2000  }
0x76: {  	[sflag:s23] =	ssyncset.done $0x0  }
0x77: {  	s7 =	simm.s32 $0x14780;
	[sflag:s23] =	ssyncadd.s32 $0xFFFFE000  }
0x78: {  	[spmem:s3] =	stream.indirect.scatter.add.f32 [tilespmem:s20], [sflag:$0x4], $0x40, s7, s17, $0xb8;
	[tilespmem:$0x1D000] =	vst v63  }
0x79: {  	_ =	swait.ge [sflag:s14], $0x800  }
0x7a: {  	[sflag:s14] =	ssyncset.done $0x0  }
0x7b: {  	[sflag:s14] =	ssyncadd.s32 $0xFFFFF800  }
0x7c: {  	_ =	swait.ge [sflag:s25], $0x2000  }
0x7d: {  	[sflag:s25] =	ssyncset.done $0x0  }
0x7e: {  	[sflag:s25] =	ssyncadd.s32 $0xFFFFE000  }
0x7f: {  	[tilespmem:s18], [sflag:$0x1] =	stream.indirect.gather [spmem:s2], $0x40, s16, s17, $0xb8;
	[tilespmem:$0x1D000] =	vst v63  }
0x80: {  	_ =	swait.ge [sflag:s28], $0x2000  }
0x81: {  	[sflag:s28] =	ssyncset.done $0x0  }
0x82: {  	p0 =	seq.s32 s6, $0x0;
	s12 =	simm.s32 $0x14880;
	[sflag:s28] =	ssyncadd.s32 $0xFFFFE000  }
0x83: {  	[tilespmem:s20], [sflag:$0x2] =	stream.indirect.gather [spmem:s2], $0x40, s12, s17, $0xb8;
	[tilespmem:$0x1D000] =	vst v63  }
0x84: {  	s12 =	sadd.s32 @!p0 s6, s11  }
0x85: {  	s5 =	simm.s32 @!p0 $0x0;
	s7 =	simm.s32 @!p0 $0x14000;
	s12 =	sadd.s32 @!p0 $0x1400, s12  }
0x86: {  	[tilespmem:s7], [sflag:$0x5] =	stream.linear.gather @!p0 [hbm4b:s12+s5], $0x800, $0x38;
	[tilespmem:$0x1D000] =	vst v63  }
0x87: {  	_ =	swait.ge [sflag:s21], $0x2000  }
0x88: {  	[sflag:s21] =	ssyncset.done $0x0  }
0x89: {  	s7 =	simm.s32 $0x14C00;
	[sflag:s21] =	ssyncadd.s32 $0xFFFFE000  }
0x8a: {  	[spmem:s3] =	stream.indirect.scatter.add.f32 [tilespmem:s18], [sflag:$0x3], $0x40, s7, s17, $0xb8;
	[tilespmem:$0x1D000] =	vst v63  }
0x8b: {  	_ =	swait.ge [sflag:s23], $0x2000  }
0x8c: {  	[sflag:s23] =	ssyncset.done $0x0  }
0x8d: {  	s12 =	simm.s32 $0x14C80;
	[sflag:s23] =	ssyncadd.s32 $0xFFFFE000  }
0x8e: {  	[spmem:s3] =	stream.indirect.scatter.add.f32 [tilespmem:s20], [sflag:$0x4], $0x40, s12, s17, $0xb8;
	[tilespmem:$0x1D000] =	vst v63  }
0x8f: {  	_ =	swait.ge [sflag:s25], $0x2000  }
0x90: {  	[sflag:s25] =	ssyncset.done $0x0  }
0x91: {  	[sflag:s25] =	ssyncadd.s32 $0xFFFFE000  }
0x92: {  	[tilespmem:s18], [sflag:$0x1] =	stream.indirect.gather [spmem:s2], $0x40, s19, s17, $0xb8;
	[tilespmem:$0x1D000] =	vst v63  }
0x93: {  	_ =	swait.ge [sflag:s28], $0x2000  }
0x94: {  	[sflag:s28] =	ssyncset.done $0x0  }
0x95: {  	[sflag:s28] =	ssyncadd.s32 $0xFFFFE000  }
0x96: {  	[tilespmem:s20], [sflag:$0x2] =	stream.indirect.gather [spmem:s2], $0x40, s22, s17, $0xb8;
	[tilespmem:$0x1D000] =	vst v63  }
0x97: {  	_ =	swait.ge [sflag:s21], $0x2000  }
0x98: {  	[sflag:s21] =	ssyncset.done $0x0  }
0x99: {  	[sflag:s21] =	ssyncadd.s32 $0xFFFFE000  }
0x9a: {  	[spmem:s3] =	stream.indirect.scatter.add.f32 [tilespmem:s18], [sflag:$0x3], $0x40, s15, s17, $0xb8;
	[tilespmem:$0x1D000] =	vst v63  }
0x9b: {  	_ =	swait.ge [sflag:s23], $0x2000  }
0x9c: {  	[sflag:s23] =	ssyncset.done $0x0  }
0x9d: {  	[sflag:s23] =	ssyncadd.s32 $0xFFFFE000  }
0x9e: {  	[spmem:s3] =	stream.indirect.scatter.add.f32 [tilespmem:s20], [sflag:$0x4], $0x40, s24, s17, $0xb8;
	[tilespmem:$0x1D000] =	vst v63  }
0x9f: {  	_ =	swait.ge [sflag:s25], $0x2000  }
0xa0: {  	[sflag:s25] =	ssyncset.done $0x0  }
0xa1: {  	[sflag:s25] =	ssyncadd.s32 $0xFFFFE000  }
0xa2: {  	[tilespmem:s18], [sflag:$0x1] =	stream.indirect.gather [spmem:s2], $0x40, s26, s17, $0xb8;
	[tilespmem:$0x1D000] =	vst v63  }
0xa3: {  	_ =	swait.ge [sflag:s28], $0x2000  }
0xa4: {  	[sflag:s28] =	ssyncset.done $0x0  }
0xa5: {  	[sflag:s28] =	ssyncadd.s32 $0xFFFFE000  }
0xa6: {  	[tilespmem:s20], [sflag:$0x2] =	stream.indirect.gather [spmem:s2], $0x40, s29, s17, $0xb8;
	[tilespmem:$0x1D000] =	vst v63  }
0xa7: {  	_ =	swait.ge [sflag:s21], $0x2000  }
0xa8: {  	[sflag:s21] =	ssyncset.done $0x0  }
0xa9: {  	[sflag:s21] =	ssyncadd.s32 $0xFFFFE000  }
0xaa: {  	[spmem:s3] =	stream.indirect.scatter.add.f32 [tilespmem:s18], [sflag:$0x3], $0x40, s30, s17, $0xb8;
	[tilespmem:$0x1D000] =	vst v63  }
0xab: {  	_ =	swait.ge [sflag:s23], $0x2000  }
0xac: {  	[sflag:s23] =	ssyncset.done $0x0  }
0xad: {  	[sflag:s23] =	ssyncadd.s32 $0xFFFFE000  }
0xae: {  	[spmem:s3] =	stream.indirect.scatter.add.f32 [tilespmem:s20], [sflag:$0x4], $0x40, s31, s17, $0xb8;
	[tilespmem:$0x1D000] =	vst v63  }
0xaf: {  	_ =	swait.ge [sflag:s25], $0x2000  }
0xb0: {  	[sflag:s25] =	ssyncset.done $0x0  }
0xb1: {  	[sflag:s25] =	ssyncadd.s32 $0xFFFFE000  }
0xb2: {  	[tilespmem:s18], [sflag:$0x1] =	stream.indirect.gather [spmem:s2], $0x40, s1, s17, $0xb8;
	[tilespmem:$0x1D000] =	vst v63  }
0xb3: {  	_ =	swait.ge [sflag:s28], $0x2000  }
0xb4: {  	[sflag:s28] =	ssyncset.done $0x0  }
0xb5: {  	[sflag:s28] =	ssyncadd.s32 $0xFFFFE000  }
0xb6: {  	[tilespmem:s20], [sflag:$0x2] =	stream.indirect.gather [spmem:s2], $0x40, s0, s17, $0xb8;
	[tilespmem:$0x1D000] =	vst v63  }
0xb7: {  	_ =	swait.ge [sflag:s21], $0x2000  }
0xb8: {  	[sflag:s21] =	ssyncset.done $0x0  }
0xb9: {  	[sflag:s21] =	ssyncadd.s32 $0xFFFFE000  }
0xba: {  	[spmem:s3] =	stream.indirect.scatter.add.f32 [tilespmem:s18], [sflag:$0x3], $0x40, s8, s17, $0xb8;
	[tilespmem:$0x1D000] =	vst v63  }
.Ltmp2:
0xbb: {  	_ = 	snop;
	(pc) =	sbr.rel @p0 .LBB2_4-.Ltmp2, $4  }
0xbc: {  	_ =	swait.ge [sflag:s23], $0x2000  }
0xbd: {  	[sflag:s23] =	ssyncset.done $0x0  }
0xbe: {  	[sflag:s23] =	ssyncadd.s32 $0xFFFFE000  }
0xbf: {  	[spmem:s3] =	stream.indirect.scatter.add.f32 [tilespmem:s20], [sflag:$0x4], $0x40, s9, s17, $0xb8;
	[tilespmem:$0x1D000] =	vst v63  }
0xc0: {  	_ =	swait.ge [sflag:s10], $0x800  }
0xc1: {  	[sflag:s10] =	ssyncset.done $0x0  }
0xc2: {  	[sflag:s10] =	ssyncadd.s32 $0xFFFFF800  }
0xc3: {  	_ =	swait.ge [sflag:s25], $0x2000  }
0xc4: {  	[sflag:s25] =	ssyncset.done $0x0  }
0xc5: {  	[sflag:s25] =	ssyncadd.s32 $0xFFFFE000  }
0xc6: {  	[tilespmem:s18], [sflag:$0x1] =	stream.indirect.gather [spmem:s2], $0x40, s4, s17, $0xb8;
	[tilespmem:$0x1D000] =	vst v63  }
0xc7: {  	_ =	swait.ge [sflag:s28], $0x2000  }
.Ltmp3:
0xc8: {  	[sflag:s28] =	ssyncset.done $0x0;
	(pc) =	sbr.rel .LBB2_2-.Ltmp3, $4  }
0xc9: {  	s5 =	simm.s32 $0x14080;
	s12 =	sadd.s32 s6, s11;
	[sflag:s28] =	ssyncadd.s32 $0xFFFFE000  }
0xca: {  	[tilespmem:s20], [sflag:$0x2] =	stream.indirect.gather [spmem:s2], $0x40, s5, s17, $0xb8;
	[tilespmem:$0x1D000] =	vst v63  }
0xcb: {  	s6 =	sadd.s32 $0x200, s6;
	s5 =	sadd.s32 $0x1500, s12  }
0xcc: {  	[tilespmem:s16], [sflag:$0x6] =	stream.linear.gather [hbm4b:s5+s13], $0x800, $0x38;
	[tilespmem:$0x1D000] =	vst v63  }
.LBB2_5:
0xcd: {  	_ =	sfence.sel $0x180000  }
0xce: {  	[bflag:$0x0] =	sbarrier.arrive $0xFFFF  }
0xcf: {  	_ =	strace $0x9000004A  }
0xd0: {  	s0 =	stileid.u32;
	[bflag:$0x2] =	sbarrier.arrive $0xFFFF  }
0xd1: {  	p0 =	sne.s32 s0, $0x0;
	s0 =	rddreg [dreg:$0x4]  }
0xd2: {  	s0 =	sadd.s32 @!p0 $0x100000, s0  }
0xd3: {  	[sflag:s0] =	ssyncadd.tile.s32 @!p0 $0x1;
	_ =	shalt  }
.Lfunc_end2:
_tile_overlayer_lowered:
.L_overlay_start_2:
0xd4: {  	(tag) =	ssettag $0x2  }
0xd5: {  	s0 =	rddreg [dreg:$0x0];
	s2 =	stileid.u32  }
0xd6: {  	s1 =	rddreg [dreg:$0x1];
	p0 =	sne.s32 s2, $0x0  }
0xd7: {  	s3 =	rddreg [dreg:$0x2];
	[bflag:$0x3] =	sbarrier.arrive $0xFFFF;
	s2 =	simm.s32 @!p0 $0x1C07  }
0xd8: {  	[timem:s3], [sflag:s2] =	dma.local @!p0 [hbm:s0], s1  }
0xd9: {  	s0 =	simm.s32 @!p0 $0x7  }
0xda: {  	_ =	swait.ge @!p0 [sflag:s0], s1  }
0xdb: {  	s1 =	ssub.s32 @!p0 $0x0, s1;
	[sflag:s0] =	ssyncset.done @!p0 $0x0  }
0xdc: {  	[sflag:s0] =	ssyncadd.s32 @!p0 s1  }
0xdd: {  	[bflag:$0x3] =	sbarrier.arrive $0xFFFF  }
0xde: {  	_ =	shalt  }

</sc_bundles>
